<compile_context>
chip_gen: v7x
topology: tpu7x:2x2x1
jax: 0.10.2.dev20260603
libtpu: 0.0.44.dev20260713+nightly
codegen_flags: <defaults>
</compile_context>

<pallas_src>
import functools

import jax
import jax.numpy as jnp
from jax import lax
from jax.experimental import pallas as pl
from jax.experimental.pallas import tpu as pltpu
from jax.experimental.pallas import tpu_sc as plsc

N = 10000
E = 320000
D = 128
NC = 2
NS = 16
NW = NC * NS
CHUNK = 128
NPAD = 10240
NPAD_CNT = 10240
ROWS_PER_TILE = NPAD // NS
NCHUNKS = 2560
EPAD = NCHUNKS * CHUNK
K_AGG = NCHUNKS // NW
K_DEG = NCHUNKS // NS
NB_DEG = 8
NBUF = 2

_MESH = plsc.VectorSubcoreMesh(core_axis_name="c", subcore_axis_name="s",
                               num_cores=NC, num_subcores=NS)


@functools.partial(
    pl.kernel,
    out_type=(jax.ShapeDtypeStruct((NPAD_CNT,), jnp.float32),
              jax.ShapeDtypeStruct((NPAD_CNT,), jnp.float32)),
    mesh=_MESH,
    scratch_types=(
        [pltpu.VMEM((CHUNK,), jnp.int32) for _ in range(NB_DEG)]
        + [pltpu.VMEM((CHUNK,), jnp.float32),
           pltpu.VMEM_SHARED((NPAD_CNT,), jnp.float32)]
        + [pltpu.SemaphoreType.DMA for _ in range(2 * NB_DEG)]
    ),
)
def _degrees_sc(src_hbm, dst_hbm, zeros_hbm, outs_hbm, outd_hbm, *scr):
    ibs = list(scr[:NB_DEG])
    ones_v = scr[NB_DEG]
    acc_sh = scr[NB_DEG + 1]
    sis = list(scr[NB_DEG + 2:NB_DEG + 2 + NB_DEG])
    sscs = list(scr[NB_DEG + 2 + NB_DEG:])
    c = lax.axis_index("c")
    s = lax.axis_index("s")
    seg = NPAD_CNT // NS
    NB = NB_DEG

    for j in range(CHUNK // 16):
        ones_v[pl.ds(j * 16, 16)] = jnp.ones((16,), jnp.float32)

    pltpu.sync_copy(zeros_hbm.at[pl.ds(s * seg, seg)],
                    acc_sh.at[pl.ds(s * seg, seg)])
    plsc.subcore_barrier()

    def make_loop(e_hbm):
        def istart(j, b):
            pltpu.async_copy(e_hbm.at[pl.ds((s * K_DEG + j) * CHUNK, CHUNK)],
                             ibs[b], sis[b])

        def iwait(j, b):
            pltpu.make_async_copy(
                e_hbm.at[pl.ds((s * K_DEG + j) * CHUNK, CHUNK)],
                ibs[b], sis[b]).wait()

        def sstart(b):
            pltpu.async_copy(ones_v, acc_sh.at[ibs[b]], sscs[b], add=True)

        def swait(b):
            pltpu.make_async_copy(ones_v, acc_sh.at[ibs[b]], sscs[b]).wait()

        for b in range(NB):
            istart(b, b)

        def body(i, carry):
            for b in range(NB):
                iwait(NB * i + b, b)
                sstart(b)
            for b in range(NB):
                @pl.when(NB * (i + 1) + b < K_DEG)
                def _(b=b):
                    swait(b)
                    istart(NB * (i + 1) + b, b)
            return carry

        lax.fori_loop(0, K_DEG // NB, body, 0)
        for b in range(NB):
            swait(b)

    @pl.when(c == 0)
    def _():
        make_loop(src_hbm)

    @pl.when(c == 1)
    def _():
        make_loop(dst_hbm)

    plsc.subcore_barrier()

    @pl.when(c == 0)
    def _():
        pltpu.sync_copy(acc_sh.at[pl.ds(s * seg, seg)],
                        outs_hbm.at[pl.ds(s * seg, seg)])

    @pl.when(c == 1)
    def _():
        pltpu.sync_copy(acc_sh.at[pl.ds(s * seg, seg)],
                        outd_hbm.at[pl.ds(s * seg, seg)])


@functools.partial(
    pl.kernel,
    out_type=jax.ShapeDtypeStruct((NC, NPAD, D), jnp.float32),
    mesh=_MESH,
    scratch_types=(
        [pltpu.VMEM((CHUNK,), jnp.int32) for _ in range(2 * NBUF)]
        + [pltpu.VMEM((CHUNK, D), jnp.float32) for _ in range(NBUF)]
        + [pltpu.VMEM_SHARED((NPAD, D), jnp.float32)]
        + [pltpu.SemaphoreType.DMA for _ in range(2 * NBUF)]
    ),
)
def _edge_agg_sc(m_hbm, src_hbm, dst_hbm, zrows_hbm, out_hbm, *scr):
    sbs = list(scr[:NBUF])
    dbs = list(scr[NBUF:2 * NBUF])
    rows = list(scr[2 * NBUF:3 * NBUF])
    acc_sh = scr[3 * NBUF]
    sis = list(scr[3 * NBUF + 1:4 * NBUF + 1])
    sgs = list(scr[4 * NBUF + 1:])
    c = lax.axis_index("c")
    s = lax.axis_index("s")
    wid = s * NC + c
    NB = NBUF

    pltpu.sync_copy(zrows_hbm.at[pl.ds(s * ROWS_PER_TILE, ROWS_PER_TILE)],
                    acc_sh.at[pl.ds(s * ROWS_PER_TILE, ROWS_PER_TILE)])
    plsc.subcore_barrier()

    base = wid * K_AGG

    def istart(j, b):
        pltpu.async_copy(src_hbm.at[pl.ds((base + j) * CHUNK, CHUNK)],
                         sbs[b], sis[b])
        pltpu.async_copy(dst_hbm.at[pl.ds((base + j) * CHUNK, CHUNK)],
                         dbs[b], sis[b])

    def iwait(j, b):
        pltpu.make_async_copy(
            src_hbm.at[pl.ds((base + j) * CHUNK, CHUNK)], sbs[b], sis[b]).wait()
        pltpu.make_async_copy(
            dst_hbm.at[pl.ds((base + j) * CHUNK, CHUNK)], dbs[b], sis[b]).wait()

    def gstart(b):
        pltpu.async_copy(m_hbm.at[sbs[b]], rows[b], sgs[b])

    def gwait(b):
        pltpu.make_async_copy(m_hbm.at[sbs[b]], rows[b], sgs[b]).wait()

    def sdo(b):
        pltpu.sync_copy(rows[b], acc_sh.at[dbs[b]], add=True)

    for b in range(NB):
        istart(b, b)
    for b in range(NB):
        iwait(b, b)
        gstart(b)

    def body(i, carry):
        for b in range(NB):
            gwait(b)
            sdo(b)

            @pl.when(NB * (i + 1) + b < K_AGG)
            def _(b=b):
                istart(NB * (i + 1) + b, b)
        for b in range(NB):
            @pl.when(NB * (i + 1) + b < K_AGG)
            def _(b=b):
                iwait(NB * (i + 1) + b, b)
                gstart(b)
        return carry

    lax.fori_loop(0, K_AGG // NB, body, 0)
    plsc.subcore_barrier()

    pltpu.sync_copy(acc_sh.at[pl.ds(s * ROWS_PER_TILE, ROWS_PER_TILE)],
                    out_hbm.at[c, pl.ds(s * ROWS_PER_TILE, ROWS_PER_TILE)])


def _tc1_body(cnt_ref, x_ref, w1_ref, m1_ref, sout_ref, sin_ref):
    cnt = cnt_ref[...]
    sc = lax.rsqrt(jnp.maximum(cnt, 1.0))
    sout = sc[:, 0:1]
    sin = sc[:, 1:2]
    sout_ref[...] = sout
    sin_ref[...] = sin
    m1_ref[...] = jnp.dot(x_ref[...] * sout, w1_ref[...],
                          preferred_element_type=jnp.float32)


def _tc2_body(p_ref, sin_ref, b1_ref, sout_ref, w2_ref, m2_ref):
    agg = p_ref[0] + p_ref[1]
    h1 = jnp.maximum(agg * sin_ref[...] + b1_ref[...][None, :], 0.0)
    m2_ref[...] = jnp.dot(h1 * sout_ref[...], w2_ref[...],
                          preferred_element_type=jnp.float32)


def _tc3_body(p_ref, sin_ref, b2_ref, wc_ref, bc_ref, wf_ref, bf_ref,
              cat_ref, feat_ref):
    agg = p_ref[0] + p_ref[1]
    h2 = jnp.maximum(agg * sin_ref[...] + b2_ref[...][None, :], 0.0)
    cat_ref[...] = jnp.dot(h2, wc_ref[...],
                           preferred_element_type=jnp.float32) + bc_ref[...][None, :]
    feat_ref[...] = jnp.dot(h2, wf_ref[...],
                            preferred_element_type=jnp.float32) + bf_ref[...][None, :]


def kernel(x, edge_index, W1, b1, W2, b2, Wc, bc, Wf, bf):
    npad_e = EPAD - E
    pad_idx = N + (jnp.arange(npad_e, dtype=jnp.int32) % (NPAD - N))
    src1d = jnp.concatenate([edge_index[0], pad_idx])
    dst1d = jnp.concatenate([edge_index[1], pad_idx])
    xpad = jnp.pad(x, ((0, NPAD - N), (0, 0)))
    zeros_cnt = jnp.zeros((NPAD_CNT,), jnp.float32)
    zeros_rows = jnp.zeros((NPAD, D), jnp.float32)

    cnt_src, cnt_dst = _degrees_sc(src1d, dst1d, zeros_cnt)
    cnt_t = jnp.stack([cnt_src[:NPAD], cnt_dst[:NPAD]], axis=1)

    m1, s_out, s_in = pl.pallas_call(
        _tc1_body,
        out_shape=(jax.ShapeDtypeStruct((NPAD, D), jnp.float32),
                   jax.ShapeDtypeStruct((NPAD, 1), jnp.float32),
                   jax.ShapeDtypeStruct((NPAD, 1), jnp.float32)),
    )(cnt_t, xpad, W1)

    p1 = _edge_agg_sc(m1, src1d, dst1d, zeros_rows)

    m2 = pl.pallas_call(
        _tc2_body,
        out_shape=jax.ShapeDtypeStruct((NPAD, D), jnp.float32),
    )(p1, s_in, b1, s_out, W2)

    p2 = _edge_agg_sc(m2, src1d, dst1d, zeros_rows)

    cat, feat = pl.pallas_call(
        _tc3_body,
        out_shape=(jax.ShapeDtypeStruct((NPAD, Wc.shape[1]), jnp.float32),
                   jax.ShapeDtypeStruct((NPAD, D), jnp.float32)),
    )(p2, s_in, b2, Wc, bc, Wf, bf)
    return (cat[:N], feat[:N])

# --- scband reference (transcript-rebuilt; emitter-appended) ---
"""Pipeline reference for scband-combined-model-10926396801666 (READ-ONLY COPY).

The authoritative reference and input builder live on the scoring server;
editing this copy changes nothing except your own understanding.
"""

import jax, jax.numpy as jnp
import numpy as np

N = 10000
E = 320000
D_IN = 128
D_H = 128
D_CAT = 64
D_FEAT = 128


def _glorot(key, shape):
    fan_in, fan_out = shape[0], shape[1]
    scale = jnp.sqrt(6.0 / (fan_in + fan_out))
    return jax.random.uniform(key, shape, dtype=jnp.float32, minval=-scale, maxval=scale)


def setup_inputs(seed: int = 0) -> dict:
    key = jax.random.key(seed)
    ks = jax.random.split(key, 10)
    x = jax.random.normal(ks[0], (N, D_IN), dtype=jnp.float32)
    edge_index = jax.random.randint(ks[1], (2, E), 0, N, dtype=jnp.int32)
    W1 = _glorot(ks[2], (D_IN, D_H))
    b1 = jnp.zeros((D_H,), dtype=jnp.float32)
    W2 = _glorot(ks[3], (D_H, D_H))
    b2 = jnp.zeros((D_H,), dtype=jnp.float32)
    Wc = _glorot(ks[4], (D_H, D_CAT))
    bc = jnp.zeros((D_CAT,), dtype=jnp.float32)
    Wf = _glorot(ks[5], (D_H, D_FEAT))
    bf = jnp.zeros((D_FEAT,), dtype=jnp.float32)
    return {"x": x, "edge_index": edge_index, "W1": W1, "b1": b1, "W2": W2, "b2": b2,
            "Wc": Wc, "bc": bc, "Wf": Wf, "bf": bf}


def _graph_conv(x, src, dst, W, b):
    # DGL GraphConv with norm='both': out = D_dst^{-1/2} A (D_src^{-1/2} x) W + b
    ones = jnp.ones((src.shape[0],), dtype=x.dtype)
    out_deg = jnp.zeros((N,), dtype=x.dtype).at[src].add(ones)
    in_deg = jnp.zeros((N,), dtype=x.dtype).at[dst].add(ones)
    out_deg = jnp.maximum(out_deg, 1.0)
    in_deg = jnp.maximum(in_deg, 1.0)
    h = x * (out_deg ** -0.5)[:, None]
    h = h @ W
    agg = jnp.zeros((N, h.shape[1]), dtype=x.dtype).at[dst].add(h[src])
    return agg * (in_deg ** -0.5)[:, None] + b


def reference(x, edge_index, W1, b1, W2, b2, Wc, bc, Wf, bf):
    src = edge_index[0]
    dst = edge_index[1]
    h = jax.nn.relu(_graph_conv(x, src, dst, W1, b1))
    h = jax.nn.relu(_graph_conv(h, src, dst, W2, b2))
    category_output = h @ Wc + bc
    features_output = h @ Wf + bf
    return (category_output, features_output)

if __name__ == "__main__":
    import jax
    _d = setup_inputs()
    print(jax.jit(kernel)(*tuple(_d.values())))

</pallas_src>

<mosaic_0001>
#map = affine_map<(d0, d1) -> (0)>
module attributes {stable_mosaic.version = 14 : i64} {
  func.func @_degrees_sc(%arg0: i32, %arg1: i32, %arg2: memref<327680xi32, #tpu.memory_space<hbm>>, %arg3: memref<327680xi32, #tpu.memory_space<hbm>>, %arg4: memref<10240xf32, #tpu.memory_space<hbm>>, %arg5: memref<10240xf32, #tpu.memory_space<hbm>>, %arg6: memref<10240xf32, #tpu.memory_space<hbm>>, %arg7: memref<128xi32, #tpu.memory_space<vmem>>, %arg8: memref<128xi32, #tpu.memory_space<vmem>>, %arg9: memref<128xi32, #tpu.memory_space<vmem>>, %arg10: memref<128xi32, #tpu.memory_space<vmem>>, %arg11: memref<128xi32, #tpu.memory_space<vmem>>, %arg12: memref<128xi32, #tpu.memory_space<vmem>>, %arg13: memref<128xi32, #tpu.memory_space<vmem>>, %arg14: memref<128xi32, #tpu.memory_space<vmem>>, %arg15: memref<128xf32, #tpu.memory_space<vmem>>, %arg16: memref<10240xf32, #tpu.memory_space<vmem_shared>>, %arg17: memref<!tpu.dma_semaphore, #tpu.memory_space<semaphore_mem>>, %arg18: memref<!tpu.dma_semaphore, #tpu.memory_space<semaphore_mem>>, %arg19: memref<!tpu.dma_semaphore, #tpu.memory_space<semaphore_mem>>, %arg20: memref<!tpu.dma_semaphore, #tpu.memory_space<semaphore_mem>>, %arg21: memref<!tpu.dma_semaphore, #tpu.memory_space<semaphore_mem>>, %arg22: memref<!tpu.dma_semaphore, #tpu.memory_space<semaphore_mem>>, %arg23: memref<!tpu.dma_semaphore, #tpu.memory_space<semaphore_mem>>, %arg24: memref<!tpu.dma_semaphore, #tpu.memory_space<semaphore_mem>>, %arg25: memref<!tpu.dma_semaphore, #tpu.memory_space<semaphore_mem>>, %arg26: memref<!tpu.dma_semaphore, #tpu.memory_space<semaphore_mem>>, %arg27: memref<!tpu.dma_semaphore, #tpu.memory_space<semaphore_mem>>, %arg28: memref<!tpu.dma_semaphore, #tpu.memory_space<semaphore_mem>>, %arg29: memref<!tpu.dma_semaphore, #tpu.memory_space<semaphore_mem>>, %arg30: memref<!tpu.dma_semaphore, #tpu.memory_space<semaphore_mem>>, %arg31: memref<!tpu.dma_semaphore, #tpu.memory_space<semaphore_mem>>, %arg32: memref<!tpu.dma_semaphore, #tpu.memory_space<semaphore_mem>>) attributes {dimension_semantics = [#tpu.dimension_semantics<core_parallel>, #tpu.dimension_semantics<subcore_parallel>], iteration_bounds = array<i64: 2, 16>, scalar_prefetch = 0 : i64, scratch_operands = 26 : i64, tpu.core_type = #tpu.core_type<sc_vector_subcore>, window_params = [{transform_indices = #map}, {transform_indices = #map}, {transform_indices = #map}, {transform_indices = #map}, {transform_indices = #map}]} {
    %broadcast_in_dim3A = arith.constant 1.000000e+00 : f32
    %broadcast_in_dim3A_0 = vector.broadcast %broadcast_in_dim3A : f32 to vector<16xf32>
    %swap3A = arith.constant 0 : index
    %swap3A_1 = tpu.vector_load %arg15[%swap3A] {strides = array<i32>} : memref<128xf32, #tpu.memory_space<vmem>>, vector<16xf32>,
    %swap3A_2 = vector.shape_cast %swap3A_1 : vector<16xf32> to vector<16xf32>
    %swap3A_3 = vector.shape_cast %broadcast_in_dim3A_0 : vector<16xf32> to vector<16xf32>
    tpu.vector_store %arg15[%swap3A], %swap3A_3 {strides = array<i32>} : memref<128xf32, #tpu.memory_space<vmem>>, vector<16xf32>,
    %broadcast_in_dim3A_4 = arith.constant 1.000000e+00 : f32
    %broadcast_in_dim3A_5 = vector.broadcast %broadcast_in_dim3A_4 : f32 to vector<16xf32>
    %swap3A_6 = arith.constant 16 : index
    %swap3A_7 = tpu.vector_load %arg15[%swap3A_6] {strides = array<i32>} : memref<128xf32, #tpu.memory_space<vmem>>, vector<16xf32>,
    %swap3A_8 = vector.shape_cast %swap3A_7 : vector<16xf32> to vector<16xf32>
    %swap3A_9 = vector.shape_cast %broadcast_in_dim3A_5 : vector<16xf32> to vector<16xf32>
    tpu.vector_store %arg15[%swap3A_6], %swap3A_9 {strides = array<i32>} : memref<128xf32, #tpu.memory_space<vmem>>, vector<16xf32>,
    %broadcast_in_dim3A_10 = arith.constant 1.000000e+00 : f32
    %broadcast_in_dim3A_11 = vector.broadcast %broadcast_in_dim3A_10 : f32 to vector<16xf32>
    %swap3A_12 = arith.constant 32 : index
    %swap3A_13 = tpu.vector_load %arg15[%swap3A_12] {strides = array<i32>} : memref<128xf32, #tpu.memory_space<vmem>>, vector<16xf32>,
    %swap3A_14 = vector.shape_cast %swap3A_13 : vector<16xf32> to vector<16xf32>
    %swap3A_15 = vector.shape_cast %broadcast_in_dim3A_11 : vector<16xf32> to vector<16xf32>
    tpu.vector_store %arg15[%swap3A_12], %swap3A_15 {strides = array<i32>} : memref<128xf32, #tpu.memory_space<vmem>>, vector<16xf32>,
    %broadcast_in_dim3A_16 = arith.constant 1.000000e+00 : f32
    %broadcast_in_dim3A_17 = vector.broadcast %broadcast_in_dim3A_16 : f32 to vector<16xf32>
    %swap3A_18 = arith.constant 48 : index
    %swap3A_19 = tpu.vector_load %arg15[%swap3A_18] {strides = array<i32>} : memref<128xf32, #tpu.memory_space<vmem>>, vector<16xf32>,
    %swap3A_20 = vector.shape_cast %swap3A_19 : vector<16xf32> to vector<16xf32>
    %swap3A_21 = vector.shape_cast %broadcast_in_dim3A_17 : vector<16xf32> to vector<16xf32>
    tpu.vector_store %arg15[%swap3A_18], %swap3A_21 {strides = array<i32>} : memref<128xf32, #tpu.memory_space<vmem>>, vector<16xf32>,
    %broadcast_in_dim3A_22 = arith.constant 1.000000e+00 : f32
    %broadcast_in_dim3A_23 = vector.broadcast %broadcast_in_dim3A_22 : f32 to vector<16xf32>
    %swap3A_24 = arith.constant 64 : index
    %swap3A_25 = tpu.vector_load %arg15[%swap3A_24] {strides = array<i32>} : memref<128xf32, #tpu.memory_space<vmem>>, vector<16xf32>,
    %swap3A_26 = vector.shape_cast %swap3A_25 : vector<16xf32> to vector<16xf32>
    %swap3A_27 = vector.shape_cast %broadcast_in_dim3A_23 : vector<16xf32> to vector<16xf32>
    tpu.vector_store %arg15[%swap3A_24], %swap3A_27 {strides = array<i32>} : memref<128xf32, #tpu.memory_space<vmem>>, vector<16xf32>,
    %broadcast_in_dim3A_28 = arith.constant 1.000000e+00 : f32
    %broadcast_in_dim3A_29 = vector.broadcast %broadcast_in_dim3A_28 : f32 to vector<16xf32>
    %swap3A_30 = arith.constant 80 : index
    %swap3A_31 = tpu.vector_load %arg15[%swap3A_30] {strides = array<i32>} : memref<128xf32, #tpu.memory_space<vmem>>, vector<16xf32>,
    %swap3A_32 = vector.shape_cast %swap3A_31 : vector<16xf32> to vector<16xf32>
    %swap3A_33 = vector.shape_cast %broadcast_in_dim3A_29 : vector<16xf32> to vector<16xf32>
    tpu.vector_store %arg15[%swap3A_30], %swap3A_33 {strides = array<i32>} : memref<128xf32, #tpu.memory_space<vmem>>, vector<16xf32>,
    %broadcast_in_dim3A_34 = arith.constant 1.000000e+00 : f32
    %broadcast_in_dim3A_35 = vector.broadcast %broadcast_in_dim3A_34 : f32 to vector<16xf32>
    %swap3A_36 = arith.constant 96 : index
    %swap3A_37 = tpu.vector_load %arg15[%swap3A_36] {strides = array<i32>} : memref<128xf32, #tpu.memory_space<vmem>>, vector<16xf32>,
    %swap3A_38 = vector.shape_cast %swap3A_37 : vector<16xf32> to vector<16xf32>
    %swap3A_39 = vector.shape_cast %broadcast_in_dim3A_35 : vector<16xf32> to vector<16xf32>
    tpu.vector_store %arg15[%swap3A_36], %swap3A_39 {strides = array<i32>} : memref<128xf32, #tpu.memory_space<vmem>>, vector<16xf32>,
    %broadcast_in_dim3A_40 = arith.constant 1.000000e+00 : f32
    %broadcast_in_dim3A_41 = vector.broadcast %broadcast_in_dim3A_40 : f32 to vector<16xf32>
    %swap3A_42 = arith.constant 112 : index
    %swap3A_43 = tpu.vector_load %arg15[%swap3A_42] {strides = array<i32>} : memref<128xf32, #tpu.memory_space<vmem>>, vector<16xf32>,
    %swap3A_44 = vector.shape_cast %swap3A_43 : vector<16xf32> to vector<16xf32>
    %swap3A_45 = vector.shape_cast %broadcast_in_dim3A_41 : vector<16xf32> to vector<16xf32>
    tpu.vector_store %arg15[%swap3A_42], %swap3A_45 {strides = array<i32>} : memref<128xf32, #tpu.memory_space<vmem>>, vector<16xf32>,
    %mul3A = arith.constant 640 : i32
    %mul3A_46 = arith.muli %arg1, %mul3A : i32
    %mul3A_47 = arith.constant 640 : i32
    %mul3A_48 = arith.muli %arg1, %mul3A_47 : i32
    "tpu.region"() ({
      %run_scoped3A = tpu.sem_alloc : memref<!tpu.dma_semaphore, #tpu.memory_space<semaphore_mem>>
      %dma_start3A = tpu.memref_slice %arg16[%mul3A_48] : memref<10240xf32, #tpu.memory_space<vmem_shared>> -> memref<640xf32, #tpu.memory_space<vmem_shared>>
      %dma_start3A_67 = tpu.memref_slice %arg4[%mul3A_46] : memref<10240xf32, #tpu.memory_space<hbm>> -> memref<640xf32, #tpu.memory_space<hbm>>
      tpu.enqueue_dma source(%dma_start3A_67 : memref<640xf32, #tpu.memory_space<hbm>>) target(%dma_start3A : memref<640xf32, #tpu.memory_space<vmem_shared>>) target_semaphore(%run_scoped3A : memref<!tpu.dma_semaphore, #tpu.memory_space<semaphore_mem>>)
      %dma_wait3A = tpu.memref_slice %arg16[%mul3A_48] : memref<10240xf32, #tpu.memory_space<vmem_shared>> -> memref<640xf32, #tpu.memory_space<vmem_shared>>
      %dma_wait3A_68 = tpu.memref_slice %arg4[%mul3A_46] : memref<10240xf32, #tpu.memory_space<hbm>> -> memref<640xf32, #tpu.memory_space<hbm>>
      tpu.wait_dma2 semaphore(%run_scoped3A : memref<!tpu.dma_semaphore, #tpu.memory_space<semaphore_mem>>) src(%dma_wait3A_68 : memref<640xf32, #tpu.memory_space<hbm>>) dst(%dma_wait3A : memref<640xf32, #tpu.memory_space<vmem_shared>>)
      tpu.yield
    }) : () -> ()
    %barrier3A = arith.constant 0 : index
    tpu.barrier barrier_id(%barrier3A)
    %eq3A = arith.constant 0 : i32
    %eq3A_49 = arith.cmpi eq, %arg0, %eq3A : i32
    %convert_element_type3A = arith.extui %eq3A_49 : i1 to i32
    %cond3A = arith.constant 0 : i32
    %cond3A_50 = arith.cmpi ne, %convert_element_type3A, %cond3A : i32
    scf.if %cond3A_50 {
      %mul3A_67 = arith.constant 160 : i32
      %mul3A_68 = arith.muli %arg1, %mul3A_67 : i32
      %add3A = arith.constant 0 : i32
      %add3A_69 = arith.addi %mul3A_68, %add3A : i32
      %mul3A_70 = arith.constant 128 : i32
      %mul3A_71 = arith.muli %add3A_69, %mul3A_70 : i32
      %dma_start3A = tpu.memref_slice %arg2[%mul3A_71] : memref<327680xi32, #tpu.memory_space<hbm>> -> memref<128xi32, #tpu.memory_space<hbm>>
      %dma_start3A_72 = tpu.memref_slice %arg2[%mul3A_71] : memref<327680xi32, #tpu.memory_space<hbm>> -> memref<128xi32, #tpu.memory_space<hbm>>
      tpu.enqueue_dma source(%dma_start3A_72 : memref<128xi32, #tpu.memory_space<hbm>>) target(%arg7 : memref<128xi32, #tpu.memory_space<vmem>>) target_semaphore(%arg17 : memref<!tpu.dma_semaphore, #tpu.memory_space<semaphore_mem>>)
      %mul3A_73 = arith.constant 160 : i32
      %mul3A_74 = arith.muli %arg1, %mul3A_73 : i32
      %add3A_75 = arith.constant 1 : i32
      %add3A_76 = arith.addi %mul3A_74, %add3A_75 : i32
      %mul3A_77 = arith.constant 128 : i32
      %mul3A_78 = arith.muli %add3A_76, %mul3A_77 : i32
      %dma_start3A_79 = tpu.memref_slice %arg2[%mul3A_78] : memref<327680xi32, #tpu.memory_space<hbm>> -> memref<128xi32, #tpu.memory_space<hbm>>
      %dma_start3A_80 = tpu.memref_slice %arg2[%mul3A_78] : memref<327680xi32, #tpu.memory_space<hbm>> -> memref<128xi32, #tpu.memory_space<hbm>>
      tpu.enqueue_dma source(%dma_start3A_80 : memref<128xi32, #tpu.memory_space<hbm>>) target(%arg8 : memref<128xi32, #tpu.memory_space<vmem>>) target_semaphore(%arg18 : memref<!tpu.dma_semaphore, #tpu.memory_space<semaphore_mem>>)
      %mul3A_81 = arith.constant 160 : i32
      %mul3A_82 = arith.muli %arg1, %mul3A_81 : i32
      %add3A_83 = arith.constant 2 : i32
      %add3A_84 = arith.addi %mul3A_82, %add3A_83 : i32
      %mul3A_85 = arith.constant 128 : i32
      %mul3A_86 = arith.muli %add3A_84, %mul3A_85 : i32
      %dma_start3A_87 = tpu.memref_slice %arg2[%mul3A_86] : memref<327680xi32, #tpu.memory_space<hbm>> -> memref<128xi32, #tpu.memory_space<hbm>>
      %dma_start3A_88 = tpu.memref_slice %arg2[%mul3A_86] : memref<327680xi32, #tpu.memory_space<hbm>> -> memref<128xi32, #tpu.memory_space<hbm>>
      tpu.enqueue_dma source(%dma_start3A_88 : memref<128xi32, #tpu.memory_space<hbm>>) target(%arg9 : memref<128xi32, #tpu.memory_space<vmem>>) target_semaphore(%arg19 : memref<!tpu.dma_semaphore, #tpu.memory_space<semaphore_mem>>)
      %mul3A_89 = arith.constant 160 : i32
      %mul3A_90 = arith.muli %arg1, %mul3A_89 : i32
      %add3A_91 = arith.constant 3 : i32
      %add3A_92 = arith.addi %mul3A_90, %add3A_91 : i32
      %mul3A_93 = arith.constant 128 : i32
      %mul3A_94 = arith.muli %add3A_92, %mul3A_93 : i32
      %dma_start3A_95 = tpu.memref_slice %arg2[%mul3A_94] : memref<327680xi32, #tpu.memory_space<hbm>> -> memref<128xi32, #tpu.memory_space<hbm>>
      %dma_start3A_96 = tpu.memref_slice %arg2[%mul3A_94] : memref<327680xi32, #tpu.memory_space<hbm>> -> memref<128xi32, #tpu.memory_space<hbm>>
      tpu.enqueue_dma source(%dma_start3A_96 : memref<128xi32, #tpu.memory_space<hbm>>) target(%arg10 : memref<128xi32, #tpu.memory_space<vmem>>) target_semaphore(%arg20 : memref<!tpu.dma_semaphore, #tpu.memory_space<semaphore_mem>>)
      %mul3A_97 = arith.constant 160 : i32
      %mul3A_98 = arith.muli %arg1, %mul3A_97 : i32
      %add3A_99 = arith.constant 4 : i32
      %add3A_100 = arith.addi %mul3A_98, %add3A_99 : i32
      %mul3A_101 = arith.constant 128 : i32
      %mul3A_102 = arith.muli %add3A_100, %mul3A_101 : i32
      %dma_start3A_103 = tpu.memref_slice %arg2[%mul3A_102] : memref<327680xi32, #tpu.memory_space<hbm>> -> memref<128xi32, #tpu.memory_space<hbm>>
      %dma_start3A_104 = tpu.memref_slice %arg2[%mul3A_102] : memref<327680xi32, #tpu.memory_space<hbm>> -> memref<128xi32, #tpu.memory_space<hbm>>
      tpu.enqueue_dma source(%dma_start3A_104 : memref<128xi32, #tpu.memory_space<hbm>>) target(%arg11 : memref<128xi32, #tpu.memory_space<vmem>>) target_semaphore(%arg21 : memref<!tpu.dma_semaphore, #tpu.memory_space<semaphore_mem>>)
      %mul3A_105 = arith.constant 160 : i32
      %mul3A_106 = arith.muli %arg1, %mul3A_105 : i32
      %add3A_107 = arith.constant 5 : i32
      %add3A_108 = arith.addi %mul3A_106, %add3A_107 : i32
      %mul3A_109 = arith.constant 128 : i32
      %mul3A_110 = arith.muli %add3A_108, %mul3A_109 : i32
      %dma_start3A_111 = tpu.memref_slice %arg2[%mul3A_110] : memref<327680xi32, #tpu.memory_space<hbm>> -> memref<128xi32, #tpu.memory_space<hbm>>
      %dma_start3A_112 = tpu.memref_slice %arg2[%mul3A_110] : memref<327680xi32, #tpu.memory_space<hbm>> -> memref<128xi32, #tpu.memory_space<hbm>>
      tpu.enqueue_dma source(%dma_start3A_112 : memref<128xi32, #tpu.memory_space<hbm>>) target(%arg12 : memref<128xi32, #tpu.memory_space<vmem>>) target_semaphore(%arg22 : memref<!tpu.dma_semaphore, #tpu.memory_space<semaphore_mem>>)
      %mul3A_113 = arith.constant 160 : i32
      %mul3A_114 = arith.muli %arg1, %mul3A_113 : i32
      %add3A_115 = arith.constant 6 : i32
      %add3A_116 = arith.addi %mul3A_114, %add3A_115 : i32
      %mul3A_117 = arith.constant 128 : i32
      %mul3A_118 = arith.muli %add3A_116, %mul3A_117 : i32
      %dma_start3A_119 = tpu.memref_slice %arg2[%mul3A_118] : memref<327680xi32, #tpu.memory_space<hbm>> -> memref<128xi32, #tpu.memory_space<hbm>>
      %dma_start3A_120 = tpu.memref_slice %arg2[%mul3A_118] : memref<327680xi32, #tpu.memory_space<hbm>> -> memref<128xi32, #tpu.memory_space<hbm>>
      tpu.enqueue_dma source(%dma_start3A_120 : memref<128xi32, #tpu.memory_space<hbm>>) target(%arg13 : memref<128xi32, #tpu.memory_space<vmem>>) target_semaphore(%arg23 : memref<!tpu.dma_semaphore, #tpu.memory_space<semaphore_mem>>)
      %mul3A_121 = arith.constant 160 : i32
      %mul3A_122 = arith.muli %arg1, %mul3A_121 : i32
      %add3A_123 = arith.constant 7 : i32
      %add3A_124 = arith.addi %mul3A_122, %add3A_123 : i32
      %mul3A_125 = arith.constant 128 : i32
      %mul3A_126 = arith.muli %add3A_124, %mul3A_125 : i32
      %dma_start3A_127 = tpu.memref_slice %arg2[%mul3A_126] : memref<327680xi32, #tpu.memory_space<hbm>> -> memref<128xi32, #tpu.memory_space<hbm>>
      %dma_start3A_128 = tpu.memref_slice %arg2[%mul3A_126] : memref<327680xi32, #tpu.memory_space<hbm>> -> memref<128xi32, #tpu.memory_space<hbm>>
      tpu.enqueue_dma source(%dma_start3A_128 : memref<128xi32, #tpu.memory_space<hbm>>) target(%arg14 : memref<128xi32, #tpu.memory_space<vmem>>) target_semaphore(%arg24 : memref<!tpu.dma_semaphore, #tpu.memory_space<semaphore_mem>>)
      %scan3A = arith.constant 0 : i32
      %scan3A_129 = arith.constant 0 : i32
      %scan3A_130 = arith.constant 20 : i32
      %scan3A_131 = arith.addi %scan3A_129, %scan3A_130 : i32
      %scan3A_132 = arith.constant 1 : i32
      scf.for %scan3A_149 = %scan3A_129 to %scan3A_131 step %scan3A_132  : i32 {
        %mul3A_150 = arith.constant 8 : i32
        %mul3A_151 = arith.muli %mul3A_150, %scan3A_149 : i32
        %add3A_152 = arith.constant 0 : i32
        %add3A_153 = arith.addi %mul3A_151, %add3A_152 : i32
        %mul3A_154 = arith.constant 160 : i32
        %mul3A_155 = arith.muli %arg1, %mul3A_154 : i32
        %add3A_156 = arith.addi %mul3A_155, %add3A_153 : i32
        %mul3A_157 = arith.constant 128 : i32
        %mul3A_158 = arith.muli %add3A_156, %mul3A_157 : i32
        %dma_wait3A_159 = tpu.memref_slice %arg2[%mul3A_158] : memref<327680xi32, #tpu.memory_space<hbm>> -> memref<128xi32, #tpu.memory_space<hbm>>
        %dma_wait3A_160 = tpu.memref_slice %arg2[%mul3A_158] : memref<327680xi32, #tpu.memory_space<hbm>> -> memref<128xi32, #tpu.memory_space<hbm>>
        tpu.wait_dma2 semaphore(%arg17 : memref<!tpu.dma_semaphore, #tpu.memory_space<semaphore_mem>>) src(%dma_wait3A_160 : memref<128xi32, #tpu.memory_space<hbm>>) dst(%arg7 : memref<128xi32, #tpu.memory_space<vmem>>)
        %dma_start3A_161 = arith.constant 0 : i32
        %dma_start3A_162 = tpu.memref_slice %arg16[%dma_start3A_161] : memref<10240xf32, #tpu.memory_space<vmem_shared>> -> memref<10240xf32, #tpu.memory_space<vmem_shared>>
        tpu.enqueue_indirect_dma source(%arg15 : memref<128xf32, #tpu.memory_space<vmem>>) target(%dma_start3A_162 : memref<10240xf32, #tpu.memory_space<vmem_shared>>) offsets(%arg7 : memref<128xi32, #tpu.memory_space<vmem>>) semaphore(%arg25 : memref<!tpu.dma_semaphore, #tpu.memory_space<semaphore_mem>>) {add = true}
        %mul3A_163 = arith.constant 8 : i32
        %mul3A_164 = arith.muli %mul3A_163, %scan3A_149 : i32
        %add3A_165 = arith.constant 1 : i32
        %add3A_166 = arith.addi %mul3A_164, %add3A_165 : i32
        %mul3A_167 = arith.constant 160 : i32
        %mul3A_168 = arith.muli %arg1, %mul3A_167 : i32
        %add3A_169 = arith.addi %mul3A_168, %add3A_166 : i32
        %mul3A_170 = arith.constant 128 : i32
        %mul3A_171 = arith.muli %add3A_169, %mul3A_170 : i32
        %dma_wait3A_172 = tpu.memref_slice %arg2[%mul3A_171] : memref<327680xi32, #tpu.memory_space<hbm>> -> memref<128xi32, #tpu.memory_space<hbm>>
        %dma_wait3A_173 = tpu.memref_slice %arg2[%mul3A_171] : memref<327680xi32, #tpu.memory_space<hbm>> -> memref<128xi32, #tpu.memory_space<hbm>>
        tpu.wait_dma2 semaphore(%arg18 : memref<!tpu.dma_semaphore, #tpu.memory_space<semaphore_mem>>) src(%dma_wait3A_173 : memref<128xi32, #tpu.memory_space<hbm>>) dst(%arg8 : memref<128xi32, #tpu.memory_space<vmem>>)
        %dma_start3A_174 = arith.constant 0 : i32
        %dma_start3A_175 = tpu.memref_slice %arg16[%dma_start3A_174] : memref<10240xf32, #tpu.memory_space<vmem_shared>> -> memref<10240xf32, #tpu.memory_space<vmem_shared>>
        tpu.enqueue_indirect_dma source(%arg15 : memref<128xf32, #tpu.memory_space<vmem>>) target(%dma_start3A_175 : memref<10240xf32, #tpu.memory_space<vmem_shared>>) offsets(%arg8 : memref<128xi32, #tpu.memory_space<vmem>>) semaphore(%arg26 : memref<!tpu.dma_semaphore, #tpu.memory_space<semaphore_mem>>) {add = true}
        %mul3A_176 = arith.constant 8 : i32
        %mul3A_177 = arith.muli %mul3A_176, %scan3A_149 : i32
        %add3A_178 = arith.constant 2 : i32
        %add3A_179 = arith.addi %mul3A_177, %add3A_178 : i32
        %mul3A_180 = arith.constant 160 : i32
        %mul3A_181 = arith.muli %arg1, %mul3A_180 : i32
        %add3A_182 = arith.addi %mul3A_181, %add3A_179 : i32
        %mul3A_183 = arith.constant 128 : i32
        %mul3A_184 = arith.muli %add3A_182, %mul3A_183 : i32
        %dma_wait3A_185 = tpu.memref_slice %arg2[%mul3A_184] : memref<327680xi32, #tpu.memory_space<hbm>> -> memref<128xi32, #tpu.memory_space<hbm>>
        %dma_wait3A_186 = tpu.memref_slice %arg2[%mul3A_184] : memref<327680xi32, #tpu.memory_space<hbm>> -> memref<128xi32, #tpu.memory_space<hbm>>
        tpu.wait_dma2 semaphore(%arg19 : memref<!tpu.dma_semaphore, #tpu.memory_space<semaphore_mem>>) src(%dma_wait3A_186 : memref<128xi32, #tpu.memory_space<hbm>>) dst(%arg9 : memref<128xi32, #tpu.memory_space<vmem>>)
        %dma_start3A_187 = arith.constant 0 : i32
        %dma_start3A_188 = tpu.memref_slice %arg16[%dma_start3A_187] : memref<10240xf32, #tpu.memory_space<vmem_shared>> -> memref<10240xf32, #tpu.memory_space<vmem_shared>>
        tpu.enqueue_indirect_dma source(%arg15 : memref<128xf32, #tpu.memory_space<vmem>>) target(%dma_start3A_188 : memref<10240xf32, #tpu.memory_space<vmem_shared>>) offsets(%arg9 : memref<128xi32, #tpu.memory_space<vmem>>) semaphore(%arg27 : memref<!tpu.dma_semaphore, #tpu.memory_space<semaphore_mem>>) {add = true}
        %mul3A_189 = arith.constant 8 : i32
        %mul3A_190 = arith.muli %mul3A_189, %scan3A_149 : i32
        %add3A_191 = arith.constant 3 : i32
        %add3A_192 = arith.addi %mul3A_190, %add3A_191 : i32
        %mul3A_193 = arith.constant 160 : i32
        %mul3A_194 = arith.muli %arg1, %mul3A_193 : i32
        %add3A_195 = arith.addi %mul3A_194, %add3A_192 : i32
        %mul3A_196 = arith.constant 128 : i32
        %mul3A_197 = arith.muli %add3A_195, %mul3A_196 : i32
        %dma_wait3A_198 = tpu.memref_slice %arg2[%mul3A_197] : memref<327680xi32, #tpu.memory_space<hbm>> -> memref<128xi32, #tpu.memory_space<hbm>>
        %dma_wait3A_199 = tpu.memref_slice %arg2[%mul3A_197] : memref<327680xi32, #tpu.memory_space<hbm>> -> memref<128xi32, #tpu.memory_space<hbm>>
        tpu.wait_dma2 semaphore(%arg20 : memref<!tpu.dma_semaphore, #tpu.memory_space<semaphore_mem>>) src(%dma_wait3A_199 : memref<128xi32, #tpu.memory_space<hbm>>) dst(%arg10 : memref<128xi32, #tpu.memory_space<vmem>>)
        %dma_start3A_200 = arith.constant 0 : i32
        %dma_start3A_201 = tpu.memref_slice %arg16[%dma_start3A_200] : memref<10240xf32, #tpu.memory_space<vmem_shared>> -> memref<10240xf32, #tpu.memory_space<vmem_shared>>
        tpu.enqueue_indirect_dma source(%arg15 : memref<128xf32, #tpu.memory_space<vmem>>) target(%dma_start3A_201 : memref<10240xf32, #tpu.memory_space<vmem_shared>>) offsets(%arg10 : memref<128xi32, #tpu.memory_space<vmem>>) semaphore(%arg28 : memref<!tpu.dma_semaphore, #tpu.memory_space<semaphore_mem>>) {add = true}
        %mul3A_202 = arith.constant 8 : i32
        %mul3A_203 = arith.muli %mul3A_202, %scan3A_149 : i32
        %add3A_204 = arith.constant 4 : i32
        %add3A_205 = arith.addi %mul3A_203, %add3A_204 : i32
        %mul3A_206 = arith.constant 160 : i32
        %mul3A_207 = arith.muli %arg1, %mul3A_206 : i32
        %add3A_208 = arith.addi %mul3A_207, %add3A_205 : i32
        %mul3A_209 = arith.constant 128 : i32
        %mul3A_210 = arith.muli %add3A_208, %mul3A_209 : i32
        %dma_wait3A_211 = tpu.memref_slice %arg2[%mul3A_210] : memref<327680xi32, #tpu.memory_space<hbm>> -> memref<128xi32, #tpu.memory_space<hbm>>
        %dma_wait3A_212 = tpu.memref_slice %arg2[%mul3A_210] : memref<327680xi32, #tpu.memory_space<hbm>> -> memref<128xi32, #tpu.memory_space<hbm>>
        tpu.wait_dma2 semaphore(%arg21 : memref<!tpu.dma_semaphore, #tpu.memory_space<semaphore_mem>>) src(%dma_wait3A_212 : memref<128xi32, #tpu.memory_space<hbm>>) dst(%arg11 : memref<128xi32, #tpu.memory_space<vmem>>)
        %dma_start3A_213 = arith.constant 0 : i32
        %dma_start3A_214 = tpu.memref_slice %arg16[%dma_start3A_213] : memref<10240xf32, #tpu.memory_space<vmem_shared>> -> memref<10240xf32, #tpu.memory_space<vmem_shared>>
        tpu.enqueue_indirect_dma source(%arg15 : memref<128xf32, #tpu.memory_space<vmem>>) target(%dma_start3A_214 : memref<10240xf32, #tpu.memory_space<vmem_shared>>) offsets(%arg11 : memref<128xi32, #tpu.memory_space<vmem>>) semaphore(%arg29 : memref<!tpu.dma_semaphore, #tpu.memory_space<semaphore_mem>>) {add = true}
        %mul3A_215 = arith.constant 8 : i32
        %mul3A_216 = arith.muli %mul3A_215, %scan3A_149 : i32
        %add3A_217 = arith.constant 5 : i32
        %add3A_218 = arith.addi %mul3A_216, %add3A_217 : i32
        %mul3A_219 = arith.constant 160 : i32
        %mul3A_220 = arith.muli %arg1, %mul3A_219 : i32
        %add3A_221 = arith.addi %mul3A_220, %add3A_218 : i32
        %mul3A_222 = arith.constant 128 : i32
        %mul3A_223 = arith.muli %add3A_221, %mul3A_222 : i32
        %dma_wait3A_224 = tpu.memref_slice %arg2[%mul3A_223] : memref<327680xi32, #tpu.memory_space<hbm>> -> memref<128xi32, #tpu.memory_space<hbm>>
        %dma_wait3A_225 = tpu.memref_slice %arg2[%mul3A_223] : memref<327680xi32, #tpu.memory_space<hbm>> -> memref<128xi32, #tpu.memory_space<hbm>>
        tpu.wait_dma2 semaphore(%arg22 : memref<!tpu.dma_semaphore, #tpu.memory_space<semaphore_mem>>) src(%dma_wait3A_225 : memref<128xi32, #tpu.memory_space<hbm>>) dst(%arg12 : memref<128xi32, #tpu.memory_space<vmem>>)
        %dma_start3A_226 = arith.constant 0 : i32
        %dma_start3A_227 = tpu.memref_slice %arg16[%dma_start3A_226] : memref<10240xf32, #tpu.memory_space<vmem_shared>> -> memref<10240xf32, #tpu.memory_space<vmem_shared>>
        tpu.enqueue_indirect_dma source(%arg15 : memref<128xf32, #tpu.memory_space<vmem>>) target(%dma_start3A_227 : memref<10240xf32, #tpu.memory_space<vmem_shared>>) offsets(%arg12 : memref<128xi32, #tpu.memory_space<vmem>>) semaphore(%arg30 : memref<!tpu.dma_semaphore, #tpu.memory_space<semaphore_mem>>) {add = true}
        %mul3A_228 = arith.constant 8 : i32
        %mul3A_229 = arith.muli %mul3A_228, %scan3A_149 : i32
        %add3A_230 = arith.constant 6 : i32
        %add3A_231 = arith.addi %mul3A_229, %add3A_230 : i32
        %mul3A_232 = arith.constant 160 : i32
        %mul3A_233 = arith.muli %arg1, %mul3A_232 : i32
        %add3A_234 = arith.addi %mul3A_233, %add3A_231 : i32
        %mul3A_235 = arith.constant 128 : i32
        %mul3A_236 = arith.muli %add3A_234, %mul3A_235 : i32
        %dma_wait3A_237 = tpu.memref_slice %arg2[%mul3A_236] : memref<327680xi32, #tpu.memory_space<hbm>> -> memref<128xi32, #tpu.memory_space<hbm>>
        %dma_wait3A_238 = tpu.memref_slice %arg2[%mul3A_236] : memref<327680xi32, #tpu.memory_space<hbm>> -> memref<128xi32, #tpu.memory_space<hbm>>
        tpu.wait_dma2 semaphore(%arg23 : memref<!tpu.dma_semaphore, #tpu.memory_space<semaphore_mem>>) src(%dma_wait3A_238 : memref<128xi32, #tpu.memory_space<hbm>>) dst(%arg13 : memref<128xi32, #tpu.memory_space<vmem>>)
        %dma_start3A_239 = arith.constant 0 : i32
        %dma_start3A_240 = tpu.memref_slice %arg16[%dma_start3A_239] : memref<10240xf32, #tpu.memory_space<vmem_shared>> -> memref<10240xf32, #tpu.memory_space<vmem_shared>>
        tpu.enqueue_indirect_dma source(%arg15 : memref<128xf32, #tpu.memory_space<vmem>>) target(%dma_start3A_240 : memref<10240xf32, #tpu.memory_space<vmem_shared>>) offsets(%arg13 : memref<128xi32, #tpu.memory_space<vmem>>) semaphore(%arg31 : memref<!tpu.dma_semaphore, #tpu.memory_space<semaphore_mem>>) {add = true}
        %mul3A_241 = arith.constant 8 : i32
        %mul3A_242 = arith.muli %mul3A_241, %scan3A_149 : i32
        %add3A_243 = arith.constant 7 : i32
        %add3A_244 = arith.addi %mul3A_242, %add3A_243 : i32
        %mul3A_245 = arith.constant 160 : i32
        %mul3A_246 = arith.muli %arg1, %mul3A_245 : i32
        %add3A_247 = arith.addi %mul3A_246, %add3A_244 : i32
        %mul3A_248 = arith.constant 128 : i32
        %mul3A_249 = arith.muli %add3A_247, %mul3A_248 : i32
        %dma_wait3A_250 = tpu.memref_slice %arg2[%mul3A_249] : memref<327680xi32, #tpu.memory_space<hbm>> -> memref<128xi32, #tpu.memory_space<hbm>>
        %dma_wait3A_251 = tpu.memref_slice %arg2[%mul3A_249] : memref<327680xi32, #tpu.memory_space<hbm>> -> memref<128xi32, #tpu.memory_space<hbm>>
        tpu.wait_dma2 semaphore(%arg24 : memref<!tpu.dma_semaphore, #tpu.memory_space<semaphore_mem>>) src(%dma_wait3A_251 : memref<128xi32, #tpu.memory_space<hbm>>) dst(%arg14 : memref<128xi32, #tpu.memory_space<vmem>>)
        %dma_start3A_252 = arith.constant 0 : i32
        %dma_start3A_253 = tpu.memref_slice %arg16[%dma_start3A_252] : memref<10240xf32, #tpu.memory_space<vmem_shared>> -> memref<10240xf32, #tpu.memory_space<vmem_shared>>
        tpu.enqueue_indirect_dma source(%arg15 : memref<128xf32, #tpu.memory_space<vmem>>) target(%dma_start3A_253 : memref<10240xf32, #tpu.memory_space<vmem_shared>>) offsets(%arg14 : memref<128xi32, #tpu.memory_space<vmem>>) semaphore(%arg32 : memref<!tpu.dma_semaphore, #tpu.memory_space<semaphore_mem>>) {add = true}
        %add3A_254 = arith.constant 1 : i32
        %add3A_255 = arith.addi %scan3A_149, %add3A_254 : i32
        %mul3A_256 = arith.constant 8 : i32
        %mul3A_257 = arith.muli %mul3A_256, %add3A_255 : i32
        %add3A_258 = arith.constant 0 : i32
        %add3A_259 = arith.addi %mul3A_257, %add3A_258 : i32
        %lt3A = arith.constant 160 : i32
        %lt3A_260 = arith.cmpi slt, %add3A_259, %lt3A : i32
        %convert_element_type3A_261 = arith.extui %lt3A_260 : i1 to i32
        %cond3A_262 = arith.constant 0 : i32
        %cond3A_263 = arith.cmpi ne, %convert_element_type3A_261, %cond3A_262 : i32
        scf.if %cond3A_263 {
          %dma_wait3A_341 = arith.constant 0 : i32
          %dma_wait3A_342 = tpu.memref_slice %arg16[%dma_wait3A_341] : memref<10240xf32, #tpu.memory_space<vmem_shared>> -> memref<10240xf32, #tpu.memory_space<vmem_shared>>
          tpu.wait_indirect_dma semaphore(%arg25 : memref<!tpu.dma_semaphore, #tpu.memory_space<semaphore_mem>>) src(%arg15 : memref<128xf32, #tpu.memory_space<vmem>>) dst(%dma_wait3A_342 : memref<10240xf32, #tpu.memory_space<vmem_shared>>)
          %add3A_343 = arith.constant 1 : i32
          %add3A_344 = arith.addi %scan3A_149, %add3A_343 : i32
          %mul3A_345 = arith.constant 8 : i32
          %mul3A_346 = arith.muli %mul3A_345, %add3A_344 : i32
          %add3A_347 = arith.constant 0 : i32
          %add3A_348 = arith.addi %mul3A_346, %add3A_347 : i32
          %mul3A_349 = arith.constant 160 : i32
          %mul3A_350 = arith.muli %arg1, %mul3A_349 : i32
          %add3A_351 = arith.addi %mul3A_350, %add3A_348 : i32
          %mul3A_352 = arith.constant 128 : i32
          %mul3A_353 = arith.muli %add3A_351, %mul3A_352 : i32
          %dma_start3A_354 = tpu.memref_slice %arg2[%mul3A_353] : memref<327680xi32, #tpu.memory_space<hbm>> -> memref<128xi32, #tpu.memory_space<hbm>>
          %dma_start3A_355 = tpu.memref_slice %arg2[%mul3A_353] : memref<327680xi32, #tpu.memory_space<hbm>> -> memref<128xi32, #tpu.memory_space<hbm>>
          tpu.enqueue_dma source(%dma_start3A_355 : memref<128xi32, #tpu.memory_space<hbm>>) target(%arg7 : memref<128xi32, #tpu.memory_space<vmem>>) target_semaphore(%arg17 : memref<!tpu.dma_semaphore, #tpu.memory_space<semaphore_mem>>)
        } else {
        }
        %add3A_264 = arith.constant 1 : i32
        %add3A_265 = arith.addi %scan3A_149, %add3A_264 : i32
        %mul3A_266 = arith.constant 8 : i32
        %mul3A_267 = arith.muli %mul3A_266, %add3A_265 : i32
        %add3A_268 = arith.constant 1 : i32
        %add3A_269 = arith.addi %mul3A_267, %add3A_268 : i32
        %lt3A_270 = arith.constant 160 : i32
        %lt3A_271 = arith.cmpi slt, %add3A_269, %lt3A_270 : i32
        %convert_element_type3A_272 = arith.extui %lt3A_271 : i1 to i32
        %cond3A_273 = arith.constant 0 : i32
        %cond3A_274 = arith.cmpi ne, %convert_element_type3A_272, %cond3A_273 : i32
        scf.if %cond3A_274 {
          %dma_wait3A_341 = arith.constant 0 : i32
          %dma_wait3A_342 = tpu.memref_slice %arg16[%dma_wait3A_341] : memref<10240xf32, #tpu.memory_space<vmem_shared>> -> memref<10240xf32, #tpu.memory_space<vmem_shared>>
          tpu.wait_indirect_dma semaphore(%arg26 : memref<!tpu.dma_semaphore, #tpu.memory_space<semaphore_mem>>) src(%arg15 : memref<128xf32, #tpu.memory_space<vmem>>) dst(%dma_wait3A_342 : memref<10240xf32, #tpu.memory_space<vmem_shared>>)
          %add3A_343 = arith.constant 1 : i32
          %add3A_344 = arith.addi %scan3A_149, %add3A_343 : i32
          %mul3A_345 = arith.constant 8 : i32
          %mul3A_346 = arith.muli %mul3A_345, %add3A_344 : i32
          %add3A_347 = arith.constant 1 : i32
          %add3A_348 = arith.addi %mul3A_346, %add3A_347 : i32
          %mul3A_349 = arith.constant 160 : i32
          %mul3A_350 = arith.muli %arg1, %mul3A_349 : i32
          %add3A_351 = arith.addi %mul3A_350, %add3A_348 : i32
          %mul3A_352 = arith.constant 128 : i32
          %mul3A_353 = arith.muli %add3A_351, %mul3A_352 : i32
          %dma_start3A_354 = tpu.memref_slice %arg2[%mul3A_353] : memref<327680xi32, #tpu.memory_space<hbm>> -> memref<128xi32, #tpu.memory_space<hbm>>
          %dma_start3A_355 = tpu.memref_slice %arg2[%mul3A_353] : memref<327680xi32, #tpu.memory_space<hbm>> -> memref<128xi32, #tpu.memory_space<hbm>>
          tpu.enqueue_dma source(%dma_start3A_355 : memref<128xi32, #tpu.memory_space<hbm>>) target(%arg8 : memref<128xi32, #tpu.memory_space<vmem>>) target_semaphore(%arg18 : memref<!tpu.dma_semaphore, #tpu.memory_space<semaphore_mem>>)
        } else {
        }
        %add3A_275 = arith.constant 1 : i32
        %add3A_276 = arith.addi %scan3A_149, %add3A_275 : i32
        %mul3A_277 = arith.constant 8 : i32
        %mul3A_278 = arith.muli %mul3A_277, %add3A_276 : i32
        %add3A_279 = arith.constant 2 : i32
        %add3A_280 = arith.addi %mul3A_278, %add3A_279 : i32
        %lt3A_281 = arith.constant 160 : i32
        %lt3A_282 = arith.cmpi slt, %add3A_280, %lt3A_281 : i32
        %convert_element_type3A_283 = arith.extui %lt3A_282 : i1 to i32
        %cond3A_284 = arith.constant 0 : i32
        %cond3A_285 = arith.cmpi ne, %convert_element_type3A_283, %cond3A_284 : i32
        scf.if %cond3A_285 {
          %dma_wait3A_341 = arith.constant 0 : i32
          %dma_wait3A_342 = tpu.memref_slice %arg16[%dma_wait3A_341] : memref<10240xf32, #tpu.memory_space<vmem_shared>> -> memref<10240xf32, #tpu.memory_space<vmem_shared>>
          tpu.wait_indirect_dma semaphore(%arg27 : memref<!tpu.dma_semaphore, #tpu.memory_space<semaphore_mem>>) src(%arg15 : memref<128xf32, #tpu.memory_space<vmem>>) dst(%dma_wait3A_342 : memref<10240xf32, #tpu.memory_space<vmem_shared>>)
          %add3A_343 = arith.constant 1 : i32
          %add3A_344 = arith.addi %scan3A_149, %add3A_343 : i32
          %mul3A_345 = arith.constant 8 : i32
          %mul3A_346 = arith.muli %mul3A_345, %add3A_344 : i32
          %add3A_347 = arith.constant 2 : i32
          %add3A_348 = arith.addi %mul3A_346, %add3A_347 : i32
          %mul3A_349 = arith.constant 160 : i32
          %mul3A_350 = arith.muli %arg1, %mul3A_349 : i32
          %add3A_351 = arith.addi %mul3A_350, %add3A_348 : i32
          %mul3A_352 = arith.constant 128 : i32
          %mul3A_353 = arith.muli %add3A_351, %mul3A_352 : i32
          %dma_start3A_354 = tpu.memref_slice %arg2[%mul3A_353] : memref<327680xi32, #tpu.memory_space<hbm>> -> memref<128xi32, #tpu.memory_space<hbm>>
          %dma_start3A_355 = tpu.memref_slice %arg2[%mul3A_353] : memref<327680xi32, #tpu.memory_space<hbm>> -> memref<128xi32, #tpu.memory_space<hbm>>
          tpu.enqueue_dma source(%dma_start3A_355 : memref<128xi32, #tpu.memory_space<hbm>>) target(%arg9 : memref<128xi32, #tpu.memory_space<vmem>>) target_semaphore(%arg19 : memref<!tpu.dma_semaphore, #tpu.memory_space<semaphore_mem>>)
        } else {
        }
        %add3A_286 = arith.constant 1 : i32
        %add3A_287 = arith.addi %scan3A_149, %add3A_286 : i32
        %mul3A_288 = arith.constant 8 : i32
        %mul3A_289 = arith.muli %mul3A_288, %add3A_287 : i32
        %add3A_290 = arith.constant 3 : i32
        %add3A_291 = arith.addi %mul3A_289, %add3A_290 : i32
        %lt3A_292 = arith.constant 160 : i32
        %lt3A_293 = arith.cmpi slt, %add3A_291, %lt3A_292 : i32
        %convert_element_type3A_294 = arith.extui %lt3A_293 : i1 to i32
        %cond3A_295 = arith.constant 0 : i32
        %cond3A_296 = arith.cmpi ne, %convert_element_type3A_294, %cond3A_295 : i32
        scf.if %cond3A_296 {
          %dma_wait3A_341 = arith.constant 0 : i32
          %dma_wait3A_342 = tpu.memref_slice %arg16[%dma_wait3A_341] : memref<10240xf32, #tpu.memory_space<vmem_shared>> -> memref<10240xf32, #tpu.memory_space<vmem_shared>>
          tpu.wait_indirect_dma semaphore(%arg28 : memref<!tpu.dma_semaphore, #tpu.memory_space<semaphore_mem>>) src(%arg15 : memref<128xf32, #tpu.memory_space<vmem>>) dst(%dma_wait3A_342 : memref<10240xf32, #tpu.memory_space<vmem_shared>>)
          %add3A_343 = arith.constant 1 : i32
          %add3A_344 = arith.addi %scan3A_149, %add3A_343 : i32
          %mul3A_345 = arith.constant 8 : i32
          %mul3A_346 = arith.muli %mul3A_345, %add3A_344 : i32
          %add3A_347 = arith.constant 3 : i32
          %add3A_348 = arith.addi %mul3A_346, %add3A_347 : i32
          %mul3A_349 = arith.constant 160 : i32
          %mul3A_350 = arith.muli %arg1, %mul3A_349 : i32
          %add3A_351 = arith.addi %mul3A_350, %add3A_348 : i32
          %mul3A_352 = arith.constant 128 : i32
          %mul3A_353 = arith.muli %add3A_351, %mul3A_352 : i32
          %dma_start3A_354 = tpu.memref_slice %arg2[%mul3A_353] : memref<327680xi32, #tpu.memory_space<hbm>> -> memref<128xi32, #tpu.memory_space<hbm>>
          %dma_start3A_355 = tpu.memref_slice %arg2[%mul3A_353] : memref<327680xi32, #tpu.memory_space<hbm>> -> memref<128xi32, #tpu.memory_space<hbm>>
          tpu.enqueue_dma source(%dma_start3A_355 : memref<128xi32, #tpu.memory_space<hbm>>) target(%arg10 : memref<128xi32, #tpu.memory_space<vmem>>) target_semaphore(%arg20 : memref<!tpu.dma_semaphore, #tpu.memory_space<semaphore_mem>>)
        } else {
        }
        %add3A_297 = arith.constant 1 : i32
        %add3A_298 = arith.addi %scan3A_149, %add3A_297 : i32
        %mul3A_299 = arith.constant 8 : i32
        %mul3A_300 = arith.muli %mul3A_299, %add3A_298 : i32
        %add3A_301 = arith.constant 4 : i32
        %add3A_302 = arith.addi %mul3A_300, %add3A_301 : i32
        %lt3A_303 = arith.constant 160 : i32
        %lt3A_304 = arith.cmpi slt, %add3A_302, %lt3A_303 : i32
        %convert_element_type3A_305 = arith.extui %lt3A_304 : i1 to i32
        %cond3A_306 = arith.constant 0 : i32
        %cond3A_307 = arith.cmpi ne, %convert_element_type3A_305, %cond3A_306 : i32
        scf.if %cond3A_307 {
          %dma_wait3A_341 = arith.constant 0 : i32
          %dma_wait3A_342 = tpu.memref_slice %arg16[%dma_wait3A_341] : memref<10240xf32, #tpu.memory_space<vmem_shared>> -> memref<10240xf32, #tpu.memory_space<vmem_shared>>
          tpu.wait_indirect_dma semaphore(%arg29 : memref<!tpu.dma_semaphore, #tpu.memory_space<semaphore_mem>>) src(%arg15 : memref<128xf32, #tpu.memory_space<vmem>>) dst(%dma_wait3A_342 : memref<10240xf32, #tpu.memory_space<vmem_shared>>)
          %add3A_343 = arith.constant 1 : i32
          %add3A_344 = arith.addi %scan3A_149, %add3A_343 : i32
          %mul3A_345 = arith.constant 8 : i32
          %mul3A_346 = arith.muli %mul3A_345, %add3A_344 : i32
          %add3A_347 = arith.constant 4 : i32
          %add3A_348 = arith.addi %mul3A_346, %add3A_347 : i32
          %mul3A_349 = arith.constant 160 : i32
          %mul3A_350 = arith.muli %arg1, %mul3A_349 : i32
          %add3A_351 = arith.addi %mul3A_350, %add3A_348 : i32
          %mul3A_352 = arith.constant 128 : i32
          %mul3A_353 = arith.muli %add3A_351, %mul3A_352 : i32
          %dma_start3A_354 = tpu.memref_slice %arg2[%mul3A_353] : memref<327680xi32, #tpu.memory_space<hbm>> -> memref<128xi32, #tpu.memory_space<hbm>>
          %dma_start3A_355 = tpu.memref_slice %arg2[%mul3A_353] : memref<327680xi32, #tpu.memory_space<hbm>> -> memref<128xi32, #tpu.memory_space<hbm>>
          tpu.enqueue_dma source(%dma_start3A_355 : memref<128xi32, #tpu.memory_space<hbm>>) target(%arg11 : memref<128xi32, #tpu.memory_space<vmem>>) target_semaphore(%arg21 : memref<!tpu.dma_semaphore, #tpu.memory_space<semaphore_mem>>)
        } else {
        }
        %add3A_308 = arith.constant 1 : i32
        %add3A_309 = arith.addi %scan3A_149, %add3A_308 : i32
        %mul3A_310 = arith.constant 8 : i32
        %mul3A_311 = arith.muli %mul3A_310, %add3A_309 : i32
        %add3A_312 = arith.constant 5 : i32
        %add3A_313 = arith.addi %mul3A_311, %add3A_312 : i32
        %lt3A_314 = arith.constant 160 : i32
        %lt3A_315 = arith.cmpi slt, %add3A_313, %lt3A_314 : i32
        %convert_element_type3A_316 = arith.extui %lt3A_315 : i1 to i32
        %cond3A_317 = arith.constant 0 : i32
        %cond3A_318 = arith.cmpi ne, %convert_element_type3A_316, %cond3A_317 : i32
        scf.if %cond3A_318 {
          %dma_wait3A_341 = arith.constant 0 : i32
          %dma_wait3A_342 = tpu.memref_slice %arg16[%dma_wait3A_341] : memref<10240xf32, #tpu.memory_space<vmem_shared>> -> memref<10240xf32, #tpu.memory_space<vmem_shared>>
          tpu.wait_indirect_dma semaphore(%arg30 : memref<!tpu.dma_semaphore, #tpu.memory_space<semaphore_mem>>) src(%arg15 : memref<128xf32, #tpu.memory_space<vmem>>) dst(%dma_wait3A_342 : memref<10240xf32, #tpu.memory_space<vmem_shared>>)
          %add3A_343 = arith.constant 1 : i32
          %add3A_344 = arith.addi %scan3A_149, %add3A_343 : i32
          %mul3A_345 = arith.constant 8 : i32
          %mul3A_346 = arith.muli %mul3A_345, %add3A_344 : i32
          %add3A_347 = arith.constant 5 : i32
          %add3A_348 = arith.addi %mul3A_346, %add3A_347 : i32
          %mul3A_349 = arith.constant 160 : i32
          %mul3A_350 = arith.muli %arg1, %mul3A_349 : i32
          %add3A_351 = arith.addi %mul3A_350, %add3A_348 : i32
          %mul3A_352 = arith.constant 128 : i32
          %mul3A_353 = arith.muli %add3A_351, %mul3A_352 : i32
          %dma_start3A_354 = tpu.memref_slice %arg2[%mul3A_353] : memref<327680xi32, #tpu.memory_space<hbm>> -> memref<128xi32, #tpu.memory_space<hbm>>
          %dma_start3A_355 = tpu.memref_slice %arg2[%mul3A_353] : memref<327680xi32, #tpu.memory_space<hbm>> -> memref<128xi32, #tpu.memory_space<hbm>>
          tpu.enqueue_dma source(%dma_start3A_355 : memref<128xi32, #tpu.memory_space<hbm>>) target(%arg12 : memref<128xi32, #tpu.memory_space<vmem>>) target_semaphore(%arg22 : memref<!tpu.dma_semaphore, #tpu.memory_space<semaphore_mem>>)
        } else {
        }
        %add3A_319 = arith.constant 1 : i32
        %add3A_320 = arith.addi %scan3A_149, %add3A_319 : i32
        %mul3A_321 = arith.constant 8 : i32
        %mul3A_322 = arith.muli %mul3A_321, %add3A_320 : i32
        %add3A_323 = arith.constant 6 : i32
        %add3A_324 = arith.addi %mul3A_322, %add3A_323 : i32
        %lt3A_325 = arith.constant 160 : i32
        %lt3A_326 = arith.cmpi slt, %add3A_324, %lt3A_325 : i32
        %convert_element_type3A_327 = arith.extui %lt3A_326 : i1 to i32
        %cond3A_328 = arith.constant 0 : i32
        %cond3A_329 = arith.cmpi ne, %convert_element_type3A_327, %cond3A_328 : i32
        scf.if %cond3A_329 {
          %dma_wait3A_341 = arith.constant 0 : i32
          %dma_wait3A_342 = tpu.memref_slice %arg16[%dma_wait3A_341] : memref<10240xf32, #tpu.memory_space<vmem_shared>> -> memref<10240xf32, #tpu.memory_space<vmem_shared>>
          tpu.wait_indirect_dma semaphore(%arg31 : memref<!tpu.dma_semaphore, #tpu.memory_space<semaphore_mem>>) src(%arg15 : memref<128xf32, #tpu.memory_space<vmem>>) dst(%dma_wait3A_342 : memref<10240xf32, #tpu.memory_space<vmem_shared>>)
          %add3A_343 = arith.constant 1 : i32
          %add3A_344 = arith.addi %scan3A_149, %add3A_343 : i32
          %mul3A_345 = arith.constant 8 : i32
          %mul3A_346 = arith.muli %mul3A_345, %add3A_344 : i32
          %add3A_347 = arith.constant 6 : i32
          %add3A_348 = arith.addi %mul3A_346, %add3A_347 : i32
          %mul3A_349 = arith.constant 160 : i32
          %mul3A_350 = arith.muli %arg1, %mul3A_349 : i32
          %add3A_351 = arith.addi %mul3A_350, %add3A_348 : i32
          %mul3A_352 = arith.constant 128 : i32
          %mul3A_353 = arith.muli %add3A_351, %mul3A_352 : i32
          %dma_start3A_354 = tpu.memref_slice %arg2[%mul3A_353] : memref<327680xi32, #tpu.memory_space<hbm>> -> memref<128xi32, #tpu.memory_space<hbm>>
          %dma_start3A_355 = tpu.memref_slice %arg2[%mul3A_353] : memref<327680xi32, #tpu.memory_space<hbm>> -> memref<128xi32, #tpu.memory_space<hbm>>
          tpu.enqueue_dma source(%dma_start3A_355 : memref<128xi32, #tpu.memory_space<hbm>>) target(%arg13 : memref<128xi32, #tpu.memory_space<vmem>>) target_semaphore(%arg23 : memref<!tpu.dma_semaphore, #tpu.memory_space<semaphore_mem>>)
        } else {
        }
        %add3A_330 = arith.constant 1 : i32
        %add3A_331 = arith.addi %scan3A_149, %add3A_330 : i32
        %mul3A_332 = arith.constant 8 : i32
        %mul3A_333 = arith.muli %mul3A_332, %add3A_331 : i32
        %add3A_334 = arith.constant 7 : i32
        %add3A_335 = arith.addi %mul3A_333, %add3A_334 : i32
        %lt3A_336 = arith.constant 160 : i32
        %lt3A_337 = arith.cmpi slt, %add3A_335, %lt3A_336 : i32
        %convert_element_type3A_338 = arith.extui %lt3A_337 : i1 to i32
        %cond3A_339 = arith.constant 0 : i32
        %cond3A_340 = arith.cmpi ne, %convert_element_type3A_338, %cond3A_339 : i32
        scf.if %cond3A_340 {
          %dma_wait3A_341 = arith.constant 0 : i32
          %dma_wait3A_342 = tpu.memref_slice %arg16[%dma_wait3A_341] : memref<10240xf32, #tpu.memory_space<vmem_shared>> -> memref<10240xf32, #tpu.memory_space<vmem_shared>>
          tpu.wait_indirect_dma semaphore(%arg32 : memref<!tpu.dma_semaphore, #tpu.memory_space<semaphore_mem>>) src(%arg15 : memref<128xf32, #tpu.memory_space<vmem>>) dst(%dma_wait3A_342 : memref<10240xf32, #tpu.memory_space<vmem_shared>>)
          %add3A_343 = arith.constant 1 : i32
          %add3A_344 = arith.addi %scan3A_149, %add3A_343 : i32
          %mul3A_345 = arith.constant 8 : i32
          %mul3A_346 = arith.muli %mul3A_345, %add3A_344 : i32
          %add3A_347 = arith.constant 7 : i32
          %add3A_348 = arith.addi %mul3A_346, %add3A_347 : i32
          %mul3A_349 = arith.constant 160 : i32
          %mul3A_350 = arith.muli %arg1, %mul3A_349 : i32
          %add3A_351 = arith.addi %mul3A_350, %add3A_348 : i32
          %mul3A_352 = arith.constant 128 : i32
          %mul3A_353 = arith.muli %add3A_351, %mul3A_352 : i32
          %dma_start3A_354 = tpu.memref_slice %arg2[%mul3A_353] : memref<327680xi32, #tpu.memory_space<hbm>> -> memref<128xi32, #tpu.memory_space<hbm>>
          %dma_start3A_355 = tpu.memref_slice %arg2[%mul3A_353] : memref<327680xi32, #tpu.memory_space<hbm>> -> memref<128xi32, #tpu.memory_space<hbm>>
          tpu.enqueue_dma source(%dma_start3A_355 : memref<128xi32, #tpu.memory_space<hbm>>) target(%arg14 : memref<128xi32, #tpu.memory_space<vmem>>) target_semaphore(%arg24 : memref<!tpu.dma_semaphore, #tpu.memory_space<semaphore_mem>>)
        } else {
        }
      }
      %scan3A_133 = arith.constant 20 : i32
      %dma_wait3A = arith.constant 0 : i32
      %dma_wait3A_134 = tpu.memref_slice %arg16[%dma_wait3A] : memref<10240xf32, #tpu.memory_space<vmem_shared>> -> memref<10240xf32, #tpu.memory_space<vmem_shared>>
      tpu.wait_indirect_dma semaphore(%arg25 : memref<!tpu.dma_semaphore, #tpu.memory_space<semaphore_mem>>) src(%arg15 : memref<128xf32, #tpu.memory_space<vmem>>) dst(%dma_wait3A_134 : memref<10240xf32, #tpu.memory_space<vmem_shared>>)
      %dma_wait3A_135 = arith.constant 0 : i32
      %dma_wait3A_136 = tpu.memref_slice %arg16[%dma_wait3A_135] : memref<10240xf32, #tpu.memory_space<vmem_shared>> -> memref<10240xf32, #tpu.memory_space<vmem_shared>>
      tpu.wait_indirect_dma semaphore(%arg26 : memref<!tpu.dma_semaphore, #tpu.memory_space<semaphore_mem>>) src(%arg15 : memref<128xf32, #tpu.memory_space<vmem>>) dst(%dma_wait3A_136 : memref<10240xf32, #tpu.memory_space<vmem_shared>>)
      %dma_wait3A_137 = arith.constant 0 : i32
      %dma_wait3A_138 = tpu.memref_slice %arg16[%dma_wait3A_137] : memref<10240xf32, #tpu.memory_space<vmem_shared>> -> memref<10240xf32, #tpu.memory_space<vmem_shared>>
      tpu.wait_indirect_dma semaphore(%arg27 : memref<!tpu.dma_semaphore, #tpu.memory_space<semaphore_mem>>) src(%arg15 : memref<128xf32, #tpu.memory_space<vmem>>) dst(%dma_wait3A_138 : memref<10240xf32, #tpu.memory_space<vmem_shared>>)
      %dma_wait3A_139 = arith.constant 0 : i32
      %dma_wait3A_140 = tpu.memref_slice %arg16[%dma_wait3A_139] : memref<10240xf32, #tpu.memory_space<vmem_shared>> -> memref<10240xf32, #tpu.memory_space<vmem_shared>>
      tpu.wait_indirect_dma semaphore(%arg28 : memref<!tpu.dma_semaphore, #tpu.memory_space<semaphore_mem>>) src(%arg15 : memref<128xf32, #tpu.memory_space<vmem>>) dst(%dma_wait3A_140 : memref<10240xf32, #tpu.memory_space<vmem_shared>>)
      %dma_wait3A_141 = arith.constant 0 : i32
      %dma_wait3A_142 = tpu.memref_slice %arg16[%dma_wait3A_141] : memref<10240xf32, #tpu.memory_space<vmem_shared>> -> memref<10240xf32, #tpu.memory_space<vmem_shared>>
      tpu.wait_indirect_dma semaphore(%arg29 : memref<!tpu.dma_semaphore, #tpu.memory_space<semaphore_mem>>) src(%arg15 : memref<128xf32, #tpu.memory_space<vmem>>) dst(%dma_wait3A_142 : memref<10240xf32, #tpu.memory_space<vmem_shared>>)
      %dma_wait3A_143 = arith.constant 0 : i32
      %dma_wait3A_144 = tpu.memref_slice %arg16[%dma_wait3A_143] : memref<10240xf32, #tpu.memory_space<vmem_shared>> -> memref<10240xf32, #tpu.memory_space<vmem_shared>>
      tpu.wait_indirect_dma semaphore(%arg30 : memref<!tpu.dma_semaphore, #tpu.memory_space<semaphore_mem>>) src(%arg15 : memref<128xf32, #tpu.memory_space<vmem>>) dst(%dma_wait3A_144 : memref<10240xf32, #tpu.memory_space<vmem_shared>>)
      %dma_wait3A_145 = arith.constant 0 : i32
      %dma_wait3A_146 = tpu.memref_slice %arg16[%dma_wait3A_145] : memref<10240xf32, #tpu.memory_space<vmem_shared>> -> memref<10240xf32, #tpu.memory_space<vmem_shared>>
      tpu.wait_indirect_dma semaphore(%arg31 : memref<!tpu.dma_semaphore, #tpu.memory_space<semaphore_mem>>) src(%arg15 : memref<128xf32, #tpu.memory_space<vmem>>) dst(%dma_wait3A_146 : memref<10240xf32, #tpu.memory_space<vmem_shared>>)
      %dma_wait3A_147 = arith.constant 0 : i32
      %dma_wait3A_148 = tpu.memref_slice %arg16[%dma_wait3A_147] : memref<10240xf32, #tpu.memory_space<vmem_shared>> -> memref<10240xf32, #tpu.memory_space<vmem_shared>>
      tpu.wait_indirect_dma semaphore(%arg32 : memref<!tpu.dma_semaphore, #tpu.memory_space<semaphore_mem>>) src(%arg15 : memref<128xf32, #tpu.memory_space<vmem>>) dst(%dma_wait3A_148 : memref<10240xf32, #tpu.memory_space<vmem_shared>>)
    } else {
    }
    %eq3A_51 = arith.constant 1 : i32
    %eq3A_52 = arith.cmpi eq, %arg0, %eq3A_51 : i32
    %convert_element_type3A_53 = arith.extui %eq3A_52 : i1 to i32
    %cond3A_54 = arith.constant 0 : i32
    %cond3A_55 = arith.cmpi ne, %convert_element_type3A_53, %cond3A_54 : i32
    scf.if %cond3A_55 {
      %mul3A_67 = arith.constant 160 : i32
      %mul3A_68 = arith.muli %arg1, %mul3A_67 : i32
      %add3A = arith.constant 0 : i32
      %add3A_69 = arith.addi %mul3A_68, %add3A : i32
      %mul3A_70 = arith.constant 128 : i32
      %mul3A_71 = arith.muli %add3A_69, %mul3A_70 : i32
      %dma_start3A = tpu.memref_slice %arg3[%mul3A_71] : memref<327680xi32, #tpu.memory_space<hbm>> -> memref<128xi32, #tpu.memory_space<hbm>>
      %dma_start3A_72 = tpu.memref_slice %arg3[%mul3A_71] : memref<327680xi32, #tpu.memory_space<hbm>> -> memref<128xi32, #tpu.memory_space<hbm>>
      tpu.enqueue_dma source(%dma_start3A_72 : memref<128xi32, #tpu.memory_space<hbm>>) target(%arg7 : memref<128xi32, #tpu.memory_space<vmem>>) target_semaphore(%arg17 : memref<!tpu.dma_semaphore, #tpu.memory_space<semaphore_mem>>)
      %mul3A_73 = arith.constant 160 : i32
      %mul3A_74 = arith.muli %arg1, %mul3A_73 : i32
      %add3A_75 = arith.constant 1 : i32
      %add3A_76 = arith.addi %mul3A_74, %add3A_75 : i32
      %mul3A_77 = arith.constant 128 : i32
      %mul3A_78 = arith.muli %add3A_76, %mul3A_77 : i32
      %dma_start3A_79 = tpu.memref_slice %arg3[%mul3A_78] : memref<327680xi32, #tpu.memory_space<hbm>> -> memref<128xi32, #tpu.memory_space<hbm>>
      %dma_start3A_80 = tpu.memref_slice %arg3[%mul3A_78] : memref<327680xi32, #tpu.memory_space<hbm>> -> memref<128xi32, #tpu.memory_space<hbm>>
      tpu.enqueue_dma source(%dma_start3A_80 : memref<128xi32, #tpu.memory_space<hbm>>) target(%arg8 : memref<128xi32, #tpu.memory_space<vmem>>) target_semaphore(%arg18 : memref<!tpu.dma_semaphore, #tpu.memory_space<semaphore_mem>>)
      %mul3A_81 = arith.constant 160 : i32
      %mul3A_82 = arith.muli %arg1, %mul3A_81 : i32
      %add3A_83 = arith.constant 2 : i32
      %add3A_84 = arith.addi %mul3A_82, %add3A_83 : i32
      %mul3A_85 = arith.constant 128 : i32
      %mul3A_86 = arith.muli %add3A_84, %mul3A_85 : i32
      %dma_start3A_87 = tpu.memref_slice %arg3[%mul3A_86] : memref<327680xi32, #tpu.memory_space<hbm>> -> memref<128xi32, #tpu.memory_space<hbm>>
      %dma_start3A_88 = tpu.memref_slice %arg3[%mul3A_86] : memref<327680xi32, #tpu.memory_space<hbm>> -> memref<128xi32, #tpu.memory_space<hbm>>
      tpu.enqueue_dma source(%dma_start3A_88 : memref<128xi32, #tpu.memory_space<hbm>>) target(%arg9 : memref<128xi32, #tpu.memory_space<vmem>>) target_semaphore(%arg19 : memref<!tpu.dma_semaphore, #tpu.memory_space<semaphore_mem>>)
      %mul3A_89 = arith.constant 160 : i32
      %mul3A_90 = arith.muli %arg1, %mul3A_89 : i32
      %add3A_91 = arith.constant 3 : i32
      %add3A_92 = arith.addi %mul3A_90, %add3A_91 : i32
      %mul3A_93 = arith.constant 128 : i32
      %mul3A_94 = arith.muli %add3A_92, %mul3A_93 : i32
      %dma_start3A_95 = tpu.memref_slice %arg3[%mul3A_94] : memref<327680xi32, #tpu.memory_space<hbm>> -> memref<128xi32, #tpu.memory_space<hbm>>
      %dma_start3A_96 = tpu.memref_slice %arg3[%mul3A_94] : memref<327680xi32, #tpu.memory_space<hbm>> -> memref<128xi32, #tpu.memory_space<hbm>>
      tpu.enqueue_dma source(%dma_start3A_96 : memref<128xi32, #tpu.memory_space<hbm>>) target(%arg10 : memref<128xi32, #tpu.memory_space<vmem>>) target_semaphore(%arg20 : memref<!tpu.dma_semaphore, #tpu.memory_space<semaphore_mem>>)
      %mul3A_97 = arith.constant 160 : i32
      %mul3A_98 = arith.muli %arg1, %mul3A_97 : i32
      %add3A_99 = arith.constant 4 : i32
      %add3A_100 = arith.addi %mul3A_98, %add3A_99 : i32
      %mul3A_101 = arith.constant 128 : i32
      %mul3A_102 = arith.muli %add3A_100, %mul3A_101 : i32
      %dma_start3A_103 = tpu.memref_slice %arg3[%mul3A_102] : memref<327680xi32, #tpu.memory_space<hbm>> -> memref<128xi32, #tpu.memory_space<hbm>>
      %dma_start3A_104 = tpu.memref_slice %arg3[%mul3A_102] : memref<327680xi32, #tpu.memory_space<hbm>> -> memref<128xi32, #tpu.memory_space<hbm>>
      tpu.enqueue_dma source(%dma_start3A_104 : memref<128xi32, #tpu.memory_space<hbm>>) target(%arg11 : memref<128xi32, #tpu.memory_space<vmem>>) target_semaphore(%arg21 : memref<!tpu.dma_semaphore, #tpu.memory_space<semaphore_mem>>)
      %mul3A_105 = arith.constant 160 : i32
      %mul3A_106 = arith.muli %arg1, %mul3A_105 : i32
      %add3A_107 = arith.constant 5 : i32
      %add3A_108 = arith.addi %mul3A_106, %add3A_107 : i32
      %mul3A_109 = arith.constant 128 : i32
      %mul3A_110 = arith.muli %add3A_108, %mul3A_109 : i32
      %dma_start3A_111 = tpu.memref_slice %arg3[%mul3A_110] : memref<327680xi32, #tpu.memory_space<hbm>> -> memref<128xi32, #tpu.memory_space<hbm>>
      %dma_start3A_112 = tpu.memref_slice %arg3[%mul3A_110] : memref<327680xi32, #tpu.memory_space<hbm>> -> memref<128xi32, #tpu.memory_space<hbm>>
      tpu.enqueue_dma source(%dma_start3A_112 : memref<128xi32, #tpu.memory_space<hbm>>) target(%arg12 : memref<128xi32, #tpu.memory_space<vmem>>) target_semaphore(%arg22 : memref<!tpu.dma_semaphore, #tpu.memory_space<semaphore_mem>>)
      %mul3A_113 = arith.constant 160 : i32
      %mul3A_114 = arith.muli %arg1, %mul3A_113 : i32
      %add3A_115 = arith.constant 6 : i32
      %add3A_116 = arith.addi %mul3A_114, %add3A_115 : i32
      %mul3A_117 = arith.constant 128 : i32
      %mul3A_118 = arith.muli %add3A_116, %mul3A_117 : i32
      %dma_start3A_119 = tpu.memref_slice %arg3[%mul3A_118] : memref<327680xi32, #tpu.memory_space<hbm>> -> memref<128xi32, #tpu.memory_space<hbm>>
      %dma_start3A_120 = tpu.memref_slice %arg3[%mul3A_118] : memref<327680xi32, #tpu.memory_space<hbm>> -> memref<128xi32, #tpu.memory_space<hbm>>
      tpu.enqueue_dma source(%dma_start3A_120 : memref<128xi32, #tpu.memory_space<hbm>>) target(%arg13 : memref<128xi32, #tpu.memory_space<vmem>>) target_semaphore(%arg23 : memref<!tpu.dma_semaphore, #tpu.memory_space<semaphore_mem>>)
      %mul3A_121 = arith.constant 160 : i32
      %mul3A_122 = arith.muli %arg1, %mul3A_121 : i32
      %add3A_123 = arith.constant 7 : i32
      %add3A_124 = arith.addi %mul3A_122, %add3A_123 : i32
      %mul3A_125 = arith.constant 128 : i32
      %mul3A_126 = arith.muli %add3A_124, %mul3A_125 : i32
      %dma_start3A_127 = tpu.memref_slice %arg3[%mul3A_126] : memref<327680xi32, #tpu.memory_space<hbm>> -> memref<128xi32, #tpu.memory_space<hbm>>
      %dma_start3A_128 = tpu.memref_slice %arg3[%mul3A_126] : memref<327680xi32, #tpu.memory_space<hbm>> -> memref<128xi32, #tpu.memory_space<hbm>>
      tpu.enqueue_dma source(%dma_start3A_128 : memref<128xi32, #tpu.memory_space<hbm>>) target(%arg14 : memref<128xi32, #tpu.memory_space<vmem>>) target_semaphore(%arg24 : memref<!tpu.dma_semaphore, #tpu.memory_space<semaphore_mem>>)
      %scan3A = arith.constant 0 : i32
      %scan3A_129 = arith.constant 0 : i32
      %scan3A_130 = arith.constant 20 : i32
      %scan3A_131 = arith.addi %scan3A_129, %scan3A_130 : i32
      %scan3A_132 = arith.constant 1 : i32
      scf.for %scan3A_149 = %scan3A_129 to %scan3A_131 step %scan3A_132  : i32 {
        %mul3A_150 = arith.constant 8 : i32
        %mul3A_151 = arith.muli %mul3A_150, %scan3A_149 : i32
        %add3A_152 = arith.constant 0 : i32
        %add3A_153 = arith.addi %mul3A_151, %add3A_152 : i32
        %mul3A_154 = arith.constant 160 : i32
        %mul3A_155 = arith.muli %arg1, %mul3A_154 : i32
        %add3A_156 = arith.addi %mul3A_155, %add3A_153 : i32
        %mul3A_157 = arith.constant 128 : i32
        %mul3A_158 = arith.muli %add3A_156, %mul3A_157 : i32
        %dma_wait3A_159 = tpu.memref_slice %arg3[%mul3A_158] : memref<327680xi32, #tpu.memory_space<hbm>> -> memref<128xi32, #tpu.memory_space<hbm>>
        %dma_wait3A_160 = tpu.memref_slice %arg3[%mul3A_158] : memref<327680xi32, #tpu.memory_space<hbm>> -> memref<128xi32, #tpu.memory_space<hbm>>
        tpu.wait_dma2 semaphore(%arg17 : memref<!tpu.dma_semaphore, #tpu.memory_space<semaphore_mem>>) src(%dma_wait3A_160 : memref<128xi32, #tpu.memory_space<hbm>>) dst(%arg7 : memref<128xi32, #tpu.memory_space<vmem>>)
        %dma_start3A_161 = arith.constant 0 : i32
        %dma_start3A_162 = tpu.memref_slice %arg16[%dma_start3A_161] : memref<10240xf32, #tpu.memory_space<vmem_shared>> -> memref<10240xf32, #tpu.memory_space<vmem_shared>>
        tpu.enqueue_indirect_dma source(%arg15 : memref<128xf32, #tpu.memory_space<vmem>>) target(%dma_start3A_162 : memref<10240xf32, #tpu.memory_space<vmem_shared>>) offsets(%arg7 : memref<128xi32, #tpu.memory_space<vmem>>) semaphore(%arg25 : memref<!tpu.dma_semaphore, #tpu.memory_space<semaphore_mem>>) {add = true}
        %mul3A_163 = arith.constant 8 : i32
        %mul3A_164 = arith.muli %mul3A_163, %scan3A_149 : i32
        %add3A_165 = arith.constant 1 : i32
        %add3A_166 = arith.addi %mul3A_164, %add3A_165 : i32
        %mul3A_167 = arith.constant 160 : i32
        %mul3A_168 = arith.muli %arg1, %mul3A_167 : i32
        %add3A_169 = arith.addi %mul3A_168, %add3A_166 : i32
        %mul3A_170 = arith.constant 128 : i32
        %mul3A_171 = arith.muli %add3A_169, %mul3A_170 : i32
        %dma_wait3A_172 = tpu.memref_slice %arg3[%mul3A_171] : memref<327680xi32, #tpu.memory_space<hbm>> -> memref<128xi32, #tpu.memory_space<hbm>>
        %dma_wait3A_173 = tpu.memref_slice %arg3[%mul3A_171] : memref<327680xi32, #tpu.memory_space<hbm>> -> memref<128xi32, #tpu.memory_space<hbm>>
        tpu.wait_dma2 semaphore(%arg18 : memref<!tpu.dma_semaphore, #tpu.memory_space<semaphore_mem>>) src(%dma_wait3A_173 : memref<128xi32, #tpu.memory_space<hbm>>) dst(%arg8 : memref<128xi32, #tpu.memory_space<vmem>>)
        %dma_start3A_174 = arith.constant 0 : i32
        %dma_start3A_175 = tpu.memref_slice %arg16[%dma_start3A_174] : memref<10240xf32, #tpu.memory_space<vmem_shared>> -> memref<10240xf32, #tpu.memory_space<vmem_shared>>
        tpu.enqueue_indirect_dma source(%arg15 : memref<128xf32, #tpu.memory_space<vmem>>) target(%dma_start3A_175 : memref<10240xf32, #tpu.memory_space<vmem_shared>>) offsets(%arg8 : memref<128xi32, #tpu.memory_space<vmem>>) semaphore(%arg26 : memref<!tpu.dma_semaphore, #tpu.memory_space<semaphore_mem>>) {add = true}
        %mul3A_176 = arith.constant 8 : i32
        %mul3A_177 = arith.muli %mul3A_176, %scan3A_149 : i32
        %add3A_178 = arith.constant 2 : i32
        %add3A_179 = arith.addi %mul3A_177, %add3A_178 : i32
        %mul3A_180 = arith.constant 160 : i32
        %mul3A_181 = arith.muli %arg1, %mul3A_180 : i32
        %add3A_182 = arith.addi %mul3A_181, %add3A_179 : i32
        %mul3A_183 = arith.constant 128 : i32
        %mul3A_184 = arith.muli %add3A_182, %mul3A_183 : i32
        %dma_wait3A_185 = tpu.memref_slice %arg3[%mul3A_184] : memref<327680xi32, #tpu.memory_space<hbm>> -> memref<128xi32, #tpu.memory_space<hbm>>
        %dma_wait3A_186 = tpu.memref_slice %arg3[%mul3A_184] : memref<327680xi32, #tpu.memory_space<hbm>> -> memref<128xi32, #tpu.memory_space<hbm>>
        tpu.wait_dma2 semaphore(%arg19 : memref<!tpu.dma_semaphore, #tpu.memory_space<semaphore_mem>>) src(%dma_wait3A_186 : memref<128xi32, #tpu.memory_space<hbm>>) dst(%arg9 : memref<128xi32, #tpu.memory_space<vmem>>)
        %dma_start3A_187 = arith.constant 0 : i32
        %dma_start3A_188 = tpu.memref_slice %arg16[%dma_start3A_187] : memref<10240xf32, #tpu.memory_space<vmem_shared>> -> memref<10240xf32, #tpu.memory_space<vmem_shared>>
        tpu.enqueue_indirect_dma source(%arg15 : memref<128xf32, #tpu.memory_space<vmem>>) target(%dma_start3A_188 : memref<10240xf32, #tpu.memory_space<vmem_shared>>) offsets(%arg9 : memref<128xi32, #tpu.memory_space<vmem>>) semaphore(%arg27 : memref<!tpu.dma_semaphore, #tpu.memory_space<semaphore_mem>>) {add = true}
        %mul3A_189 = arith.constant 8 : i32
        %mul3A_190 = arith.muli %mul3A_189, %scan3A_149 : i32
        %add3A_191 = arith.constant 3 : i32
        %add3A_192 = arith.addi %mul3A_190, %add3A_191 : i32
        %mul3A_193 = arith.constant 160 : i32
        %mul3A_194 = arith.muli %arg1, %mul3A_193 : i32
        %add3A_195 = arith.addi %mul3A_194, %add3A_192 : i32
        %mul3A_196 = arith.constant 128 : i32
        %mul3A_197 = arith.muli %add3A_195, %mul3A_196 : i32
        %dma_wait3A_198 = tpu.memref_slice %arg3[%mul3A_197] : memref<327680xi32, #tpu.memory_space<hbm>> -> memref<128xi32, #tpu.memory_space<hbm>>
        %dma_wait3A_199 = tpu.memref_slice %arg3[%mul3A_197] : memref<327680xi32, #tpu.memory_space<hbm>> -> memref<128xi32, #tpu.memory_space<hbm>>
        tpu.wait_dma2 semaphore(%arg20 : memref<!tpu.dma_semaphore, #tpu.memory_space<semaphore_mem>>) src(%dma_wait3A_199 : memref<128xi32, #tpu.memory_space<hbm>>) dst(%arg10 : memref<128xi32, #tpu.memory_space<vmem>>)
        %dma_start3A_200 = arith.constant 0 : i32
        %dma_start3A_201 = tpu.memref_slice %arg16[%dma_start3A_200] : memref<10240xf32, #tpu.memory_space<vmem_shared>> -> memref<10240xf32, #tpu.memory_space<vmem_shared>>
        tpu.enqueue_indirect_dma source(%arg15 : memref<128xf32, #tpu.memory_space<vmem>>) target(%dma_start3A_201 : memref<10240xf32, #tpu.memory_space<vmem_shared>>) offsets(%arg10 : memref<128xi32, #tpu.memory_space<vmem>>) semaphore(%arg28 : memref<!tpu.dma_semaphore, #tpu.memory_space<semaphore_mem>>) {add = true}
        %mul3A_202 = arith.constant 8 : i32
        %mul3A_203 = arith.muli %mul3A_202, %scan3A_149 : i32
        %add3A_204 = arith.constant 4 : i32
        %add3A_205 = arith.addi %mul3A_203, %add3A_204 : i32
        %mul3A_206 = arith.constant 160 : i32
        %mul3A_207 = arith.muli %arg1, %mul3A_206 : i32
        %add3A_208 = arith.addi %mul3A_207, %add3A_205 : i32
        %mul3A_209 = arith.constant 128 : i32
        %mul3A_210 = arith.muli %add3A_208, %mul3A_209 : i32
        %dma_wait3A_211 = tpu.memref_slice %arg3[%mul3A_210] : memref<327680xi32, #tpu.memory_space<hbm>> -> memref<128xi32, #tpu.memory_space<hbm>>
        %dma_wait3A_212 = tpu.memref_slice %arg3[%mul3A_210] : memref<327680xi32, #tpu.memory_space<hbm>> -> memref<128xi32, #tpu.memory_space<hbm>>
        tpu.wait_dma2 semaphore(%arg21 : memref<!tpu.dma_semaphore, #tpu.memory_space<semaphore_mem>>) src(%dma_wait3A_212 : memref<128xi32, #tpu.memory_space<hbm>>) dst(%arg11 : memref<128xi32, #tpu.memory_space<vmem>>)
        %dma_start3A_213 = arith.constant 0 : i32
        %dma_start3A_214 = tpu.memref_slice %arg16[%dma_start3A_213] : memref<10240xf32, #tpu.memory_space<vmem_shared>> -> memref<10240xf32, #tpu.memory_space<vmem_shared>>
        tpu.enqueue_indirect_dma source(%arg15 : memref<128xf32, #tpu.memory_space<vmem>>) target(%dma_start3A_214 : memref<10240xf32, #tpu.memory_space<vmem_shared>>) offsets(%arg11 : memref<128xi32, #tpu.memory_space<vmem>>) semaphore(%arg29 : memref<!tpu.dma_semaphore, #tpu.memory_space<semaphore_mem>>) {add = true}
        %mul3A_215 = arith.constant 8 : i32
        %mul3A_216 = arith.muli %mul3A_215, %scan3A_149 : i32
        %add3A_217 = arith.constant 5 : i32
        %add3A_218 = arith.addi %mul3A_216, %add3A_217 : i32
        %mul3A_219 = arith.constant 160 : i32
        %mul3A_220 = arith.muli %arg1, %mul3A_219 : i32
        %add3A_221 = arith.addi %mul3A_220, %add3A_218 : i32
        %mul3A_222 = arith.constant 128 : i32
        %mul3A_223 = arith.muli %add3A_221, %mul3A_222 : i32
        %dma_wait3A_224 = tpu.memref_slice %arg3[%mul3A_223] : memref<327680xi32, #tpu.memory_space<hbm>> -> memref<128xi32, #tpu.memory_space<hbm>>
        %dma_wait3A_225 = tpu.memref_slice %arg3[%mul3A_223] : memref<327680xi32, #tpu.memory_space<hbm>> -> memref<128xi32, #tpu.memory_space<hbm>>
        tpu.wait_dma2 semaphore(%arg22 : memref<!tpu.dma_semaphore, #tpu.memory_space<semaphore_mem>>) src(%dma_wait3A_225 : memref<128xi32, #tpu.memory_space<hbm>>) dst(%arg12 : memref<128xi32, #tpu.memory_space<vmem>>)
        %dma_start3A_226 = arith.constant 0 : i32
        %dma_start3A_227 = tpu.memref_slice %arg16[%dma_start3A_226] : memref<10240xf32, #tpu.memory_space<vmem_shared>> -> memref<10240xf32, #tpu.memory_space<vmem_shared>>
        tpu.enqueue_indirect_dma source(%arg15 : memref<128xf32, #tpu.memory_space<vmem>>) target(%dma_start3A_227 : memref<10240xf32, #tpu.memory_space<vmem_shared>>) offsets(%arg12 : memref<128xi32, #tpu.memory_space<vmem>>) semaphore(%arg30 : memref<!tpu.dma_semaphore, #tpu.memory_space<semaphore_mem>>) {add = true}
        %mul3A_228 = arith.constant 8 : i32
        %mul3A_229 = arith.muli %mul3A_228, %scan3A_149 : i32
        %add3A_230 = arith.constant 6 : i32
        %add3A_231 = arith.addi %mul3A_229, %add3A_230 : i32
        %mul3A_232 = arith.constant 160 : i32
        %mul3A_233 = arith.muli %arg1, %mul3A_232 : i32
        %add3A_234 = arith.addi %mul3A_233, %add3A_231 : i32
        %mul3A_235 = arith.constant 128 : i32
        %mul3A_236 = arith.muli %add3A_234, %mul3A_235 : i32
        %dma_wait3A_237 = tpu.memref_slice %arg3[%mul3A_236] : memref<327680xi32, #tpu.memory_space<hbm>> -> memref<128xi32, #tpu.memory_space<hbm>>
        %dma_wait3A_238 = tpu.memref_slice %arg3[%mul3A_236] : memref<327680xi32, #tpu.memory_space<hbm>> -> memref<128xi32, #tpu.memory_space<hbm>>
        tpu.wait_dma2 semaphore(%arg23 : memref<!tpu.dma_semaphore, #tpu.memory_space<semaphore_mem>>) src(%dma_wait3A_238 : memref<128xi32, #tpu.memory_space<hbm>>) dst(%arg13 : memref<128xi32, #tpu.memory_space<vmem>>)
        %dma_start3A_239 = arith.constant 0 : i32
        %dma_start3A_240 = tpu.memref_slice %arg16[%dma_start3A_239] : memref<10240xf32, #tpu.memory_space<vmem_shared>> -> memref<10240xf32, #tpu.memory_space<vmem_shared>>
        tpu.enqueue_indirect_dma source(%arg15 : memref<128xf32, #tpu.memory_space<vmem>>) target(%dma_start3A_240 : memref<10240xf32, #tpu.memory_space<vmem_shared>>) offsets(%arg13 : memref<128xi32, #tpu.memory_space<vmem>>) semaphore(%arg31 : memref<!tpu.dma_semaphore, #tpu.memory_space<semaphore_mem>>) {add = true}
        %mul3A_241 = arith.constant 8 : i32
        %mul3A_242 = arith.muli %mul3A_241, %scan3A_149 : i32
        %add3A_243 = arith.constant 7 : i32
        %add3A_244 = arith.addi %mul3A_242, %add3A_243 : i32
        %mul3A_245 = arith.constant 160 : i32
        %mul3A_246 = arith.muli %arg1, %mul3A_245 : i32
        %add3A_247 = arith.addi %mul3A_246, %add3A_244 : i32
        %mul3A_248 = arith.constant 128 : i32
        %mul3A_249 = arith.muli %add3A_247, %mul3A_248 : i32
        %dma_wait3A_250 = tpu.memref_slice %arg3[%mul3A_249] : memref<327680xi32, #tpu.memory_space<hbm>> -> memref<128xi32, #tpu.memory_space<hbm>>
        %dma_wait3A_251 = tpu.memref_slice %arg3[%mul3A_249] : memref<327680xi32, #tpu.memory_space<hbm>> -> memref<128xi32, #tpu.memory_space<hbm>>
        tpu.wait_dma2 semaphore(%arg24 : memref<!tpu.dma_semaphore, #tpu.memory_space<semaphore_mem>>) src(%dma_wait3A_251 : memref<128xi32, #tpu.memory_space<hbm>>) dst(%arg14 : memref<128xi32, #tpu.memory_space<vmem>>)
        %dma_start3A_252 = arith.constant 0 : i32
        %dma_start3A_253 = tpu.memref_slice %arg16[%dma_start3A_252] : memref<10240xf32, #tpu.memory_space<vmem_shared>> -> memref<10240xf32, #tpu.memory_space<vmem_shared>>
        tpu.enqueue_indirect_dma source(%arg15 : memref<128xf32, #tpu.memory_space<vmem>>) target(%dma_start3A_253 : memref<10240xf32, #tpu.memory_space<vmem_shared>>) offsets(%arg14 : memref<128xi32, #tpu.memory_space<vmem>>) semaphore(%arg32 : memref<!tpu.dma_semaphore, #tpu.memory_space<semaphore_mem>>) {add = true}
        %add3A_254 = arith.constant 1 : i32
        %add3A_255 = arith.addi %scan3A_149, %add3A_254 : i32
        %mul3A_256 = arith.constant 8 : i32
        %mul3A_257 = arith.muli %mul3A_256, %add3A_255 : i32
        %add3A_258 = arith.constant 0 : i32
        %add3A_259 = arith.addi %mul3A_257, %add3A_258 : i32
        %lt3A = arith.constant 160 : i32
        %lt3A_260 = arith.cmpi slt, %add3A_259, %lt3A : i32
        %convert_element_type3A_261 = arith.extui %lt3A_260 : i1 to i32
        %cond3A_262 = arith.constant 0 : i32
        %cond3A_263 = arith.cmpi ne, %convert_element_type3A_261, %cond3A_262 : i32
        scf.if %cond3A_263 {
          %dma_wait3A_341 = arith.constant 0 : i32
          %dma_wait3A_342 = tpu.memref_slice %arg16[%dma_wait3A_341] : memref<10240xf32, #tpu.memory_space<vmem_shared>> -> memref<10240xf32, #tpu.memory_space<vmem_shared>>
          tpu.wait_indirect_dma semaphore(%arg25 : memref<!tpu.dma_semaphore, #tpu.memory_space<semaphore_mem>>) src(%arg15 : memref<128xf32, #tpu.memory_space<vmem>>) dst(%dma_wait3A_342 : memref<10240xf32, #tpu.memory_space<vmem_shared>>)
          %add3A_343 = arith.constant 1 : i32
          %add3A_344 = arith.addi %scan3A_149, %add3A_343 : i32
          %mul3A_345 = arith.constant 8 : i32
          %mul3A_346 = arith.muli %mul3A_345, %add3A_344 : i32
          %add3A_347 = arith.constant 0 : i32
          %add3A_348 = arith.addi %mul3A_346, %add3A_347 : i32
          %mul3A_349 = arith.constant 160 : i32
          %mul3A_350 = arith.muli %arg1, %mul3A_349 : i32
          %add3A_351 = arith.addi %mul3A_350, %add3A_348 : i32
          %mul3A_352 = arith.constant 128 : i32
          %mul3A_353 = arith.muli %add3A_351, %mul3A_352 : i32
          %dma_start3A_354 = tpu.memref_slice %arg3[%mul3A_353] : memref<327680xi32, #tpu.memory_space<hbm>> -> memref<128xi32, #tpu.memory_space<hbm>>
          %dma_start3A_355 = tpu.memref_slice %arg3[%mul3A_353] : memref<327680xi32, #tpu.memory_space<hbm>> -> memref<128xi32, #tpu.memory_space<hbm>>
          tpu.enqueue_dma source(%dma_start3A_355 : memref<128xi32, #tpu.memory_space<hbm>>) target(%arg7 : memref<128xi32, #tpu.memory_space<vmem>>) target_semaphore(%arg17 : memref<!tpu.dma_semaphore, #tpu.memory_space<semaphore_mem>>)
        } else {
        }
        %add3A_264 = arith.constant 1 : i32
        %add3A_265 = arith.addi %scan3A_149, %add3A_264 : i32
        %mul3A_266 = arith.constant 8 : i32
        %mul3A_267 = arith.muli %mul3A_266, %add3A_265 : i32
        %add3A_268 = arith.constant 1 : i32
        %add3A_269 = arith.addi %mul3A_267, %add3A_268 : i32
        %lt3A_270 = arith.constant 160 : i32
        %lt3A_271 = arith.cmpi slt, %add3A_269, %lt3A_270 : i32
        %convert_element_type3A_272 = arith.extui %lt3A_271 : i1 to i32
        %cond3A_273 = arith.constant 0 : i32
        %cond3A_274 = arith.cmpi ne, %convert_element_type3A_272, %cond3A_273 : i32
        scf.if %cond3A_274 {
          %dma_wait3A_341 = arith.constant 0 : i32
          %dma_wait3A_342 = tpu.memref_slice %arg16[%dma_wait3A_341] : memref<10240xf32, #tpu.memory_space<vmem_shared>> -> memref<10240xf32, #tpu.memory_space<vmem_shared>>
          tpu.wait_indirect_dma semaphore(%arg26 : memref<!tpu.dma_semaphore, #tpu.memory_space<semaphore_mem>>) src(%arg15 : memref<128xf32, #tpu.memory_space<vmem>>) dst(%dma_wait3A_342 : memref<10240xf32, #tpu.memory_space<vmem_shared>>)
          %add3A_343 = arith.constant 1 : i32
          %add3A_344 = arith.addi %scan3A_149, %add3A_343 : i32
          %mul3A_345 = arith.constant 8 : i32
          %mul3A_346 = arith.muli %mul3A_345, %add3A_344 : i32
          %add3A_347 = arith.constant 1 : i32
          %add3A_348 = arith.addi %mul3A_346, %add3A_347 : i32
          %mul3A_349 = arith.constant 160 : i32
          %mul3A_350 = arith.muli %arg1, %mul3A_349 : i32
          %add3A_351 = arith.addi %mul3A_350, %add3A_348 : i32
          %mul3A_352 = arith.constant 128 : i32
          %mul3A_353 = arith.muli %add3A_351, %mul3A_352 : i32
          %dma_start3A_354 = tpu.memref_slice %arg3[%mul3A_353] : memref<327680xi32, #tpu.memory_space<hbm>> -> memref<128xi32, #tpu.memory_space<hbm>>
          %dma_start3A_355 = tpu.memref_slice %arg3[%mul3A_353] : memref<327680xi32, #tpu.memory_space<hbm>> -> memref<128xi32, #tpu.memory_space<hbm>>
          tpu.enqueue_dma source(%dma_start3A_355 : memref<128xi32, #tpu.memory_space<hbm>>) target(%arg8 : memref<128xi32, #tpu.memory_space<vmem>>) target_semaphore(%arg18 : memref<!tpu.dma_semaphore, #tpu.memory_space<semaphore_mem>>)
        } else {
        }
        %add3A_275 = arith.constant 1 : i32
        %add3A_276 = arith.addi %scan3A_149, %add3A_275 : i32
        %mul3A_277 = arith.constant 8 : i32
        %mul3A_278 = arith.muli %mul3A_277, %add3A_276 : i32
        %add3A_279 = arith.constant 2 : i32
        %add3A_280 = arith.addi %mul3A_278, %add3A_279 : i32
        %lt3A_281 = arith.constant 160 : i32
        %lt3A_282 = arith.cmpi slt, %add3A_280, %lt3A_281 : i32
        %convert_element_type3A_283 = arith.extui %lt3A_282 : i1 to i32
        %cond3A_284 = arith.constant 0 : i32
        %cond3A_285 = arith.cmpi ne, %convert_element_type3A_283, %cond3A_284 : i32
        scf.if %cond3A_285 {
          %dma_wait3A_341 = arith.constant 0 : i32
          %dma_wait3A_342 = tpu.memref_slice %arg16[%dma_wait3A_341] : memref<10240xf32, #tpu.memory_space<vmem_shared>> -> memref<10240xf32, #tpu.memory_space<vmem_shared>>
          tpu.wait_indirect_dma semaphore(%arg27 : memref<!tpu.dma_semaphore, #tpu.memory_space<semaphore_mem>>) src(%arg15 : memref<128xf32, #tpu.memory_space<vmem>>) dst(%dma_wait3A_342 : memref<10240xf32, #tpu.memory_space<vmem_shared>>)
          %add3A_343 = arith.constant 1 : i32
          %add3A_344 = arith.addi %scan3A_149, %add3A_343 : i32
          %mul3A_345 = arith.constant 8 : i32
          %mul3A_346 = arith.muli %mul3A_345, %add3A_344 : i32
          %add3A_347 = arith.constant 2 : i32
          %add3A_348 = arith.addi %mul3A_346, %add3A_347 : i32
          %mul3A_349 = arith.constant 160 : i32
          %mul3A_350 = arith.muli %arg1, %mul3A_349 : i32
          %add3A_351 = arith.addi %mul3A_350, %add3A_348 : i32
          %mul3A_352 = arith.constant 128 : i32
          %mul3A_353 = arith.muli %add3A_351, %mul3A_352 : i32
          %dma_start3A_354 = tpu.memref_slice %arg3[%mul3A_353] : memref<327680xi32, #tpu.memory_space<hbm>> -> memref<128xi32, #tpu.memory_space<hbm>>
          %dma_start3A_355 = tpu.memref_slice %arg3[%mul3A_353] : memref<327680xi32, #tpu.memory_space<hbm>> -> memref<128xi32, #tpu.memory_space<hbm>>
          tpu.enqueue_dma source(%dma_start3A_355 : memref<128xi32, #tpu.memory_space<hbm>>) target(%arg9 : memref<128xi32, #tpu.memory_space<vmem>>) target_semaphore(%arg19 : memref<!tpu.dma_semaphore, #tpu.memory_space<semaphore_mem>>)
        } else {
        }
        %add3A_286 = arith.constant 1 : i32
        %add3A_287 = arith.addi %scan3A_149, %add3A_286 : i32
        %mul3A_288 = arith.constant 8 : i32
        %mul3A_289 = arith.muli %mul3A_288, %add3A_287 : i32
        %add3A_290 = arith.constant 3 : i32
        %add3A_291 = arith.addi %mul3A_289, %add3A_290 : i32
        %lt3A_292 = arith.constant 160 : i32
        %lt3A_293 = arith.cmpi slt, %add3A_291, %lt3A_292 : i32
        %convert_element_type3A_294 = arith.extui %lt3A_293 : i1 to i32
        %cond3A_295 = arith.constant 0 : i32
        %cond3A_296 = arith.cmpi ne, %convert_element_type3A_294, %cond3A_295 : i32
        scf.if %cond3A_296 {
          %dma_wait3A_341 = arith.constant 0 : i32
          %dma_wait3A_342 = tpu.memref_slice %arg16[%dma_wait3A_341] : memref<10240xf32, #tpu.memory_space<vmem_shared>> -> memref<10240xf32, #tpu.memory_space<vmem_shared>>
          tpu.wait_indirect_dma semaphore(%arg28 : memref<!tpu.dma_semaphore, #tpu.memory_space<semaphore_mem>>) src(%arg15 : memref<128xf32, #tpu.memory_space<vmem>>) dst(%dma_wait3A_342 : memref<10240xf32, #tpu.memory_space<vmem_shared>>)
          %add3A_343 = arith.constant 1 : i32
          %add3A_344 = arith.addi %scan3A_149, %add3A_343 : i32
          %mul3A_345 = arith.constant 8 : i32
          %mul3A_346 = arith.muli %mul3A_345, %add3A_344 : i32
          %add3A_347 = arith.constant 3 : i32
          %add3A_348 = arith.addi %mul3A_346, %add3A_347 : i32
          %mul3A_349 = arith.constant 160 : i32
          %mul3A_350 = arith.muli %arg1, %mul3A_349 : i32
          %add3A_351 = arith.addi %mul3A_350, %add3A_348 : i32
          %mul3A_352 = arith.constant 128 : i32
          %mul3A_353 = arith.muli %add3A_351, %mul3A_352 : i32
          %dma_start3A_354 = tpu.memref_slice %arg3[%mul3A_353] : memref<327680xi32, #tpu.memory_space<hbm>> -> memref<128xi32, #tpu.memory_space<hbm>>
          %dma_start3A_355 = tpu.memref_slice %arg3[%mul3A_353] : memref<327680xi32, #tpu.memory_space<hbm>> -> memref<128xi32, #tpu.memory_space<hbm>>
          tpu.enqueue_dma source(%dma_start3A_355 : memref<128xi32, #tpu.memory_space<hbm>>) target(%arg10 : memref<128xi32, #tpu.memory_space<vmem>>) target_semaphore(%arg20 : memref<!tpu.dma_semaphore, #tpu.memory_space<semaphore_mem>>)
        } else {
        }
        %add3A_297 = arith.constant 1 : i32
        %add3A_298 = arith.addi %scan3A_149, %add3A_297 : i32
        %mul3A_299 = arith.constant 8 : i32
        %mul3A_300 = arith.muli %mul3A_299, %add3A_298 : i32
        %add3A_301 = arith.constant 4 : i32
        %add3A_302 = arith.addi %mul3A_300, %add3A_301 : i32
        %lt3A_303 = arith.constant 160 : i32
        %lt3A_304 = arith.cmpi slt, %add3A_302, %lt3A_303 : i32
        %convert_element_type3A_305 = arith.extui %lt3A_304 : i1 to i32
        %cond3A_306 = arith.constant 0 : i32
        %cond3A_307 = arith.cmpi ne, %convert_element_type3A_305, %cond3A_306 : i32
        scf.if %cond3A_307 {
          %dma_wait3A_341 = arith.constant 0 : i32
          %dma_wait3A_342 = tpu.memref_slice %arg16[%dma_wait3A_341] : memref<10240xf32, #tpu.memory_space<vmem_shared>> -> memref<10240xf32, #tpu.memory_space<vmem_shared>>
          tpu.wait_indirect_dma semaphore(%arg29 : memref<!tpu.dma_semaphore, #tpu.memory_space<semaphore_mem>>) src(%arg15 : memref<128xf32, #tpu.memory_space<vmem>>) dst(%dma_wait3A_342 : memref<10240xf32, #tpu.memory_space<vmem_shared>>)
          %add3A_343 = arith.constant 1 : i32
          %add3A_344 = arith.addi %scan3A_149, %add3A_343 : i32
          %mul3A_345 = arith.constant 8 : i32
          %mul3A_346 = arith.muli %mul3A_345, %add3A_344 : i32
          %add3A_347 = arith.constant 4 : i32
          %add3A_348 = arith.addi %mul3A_346, %add3A_347 : i32
          %mul3A_349 = arith.constant 160 : i32
          %mul3A_350 = arith.muli %arg1, %mul3A_349 : i32
          %add3A_351 = arith.addi %mul3A_350, %add3A_348 : i32
          %mul3A_352 = arith.constant 128 : i32
          %mul3A_353 = arith.muli %add3A_351, %mul3A_352 : i32
          %dma_start3A_354 = tpu.memref_slice %arg3[%mul3A_353] : memref<327680xi32, #tpu.memory_space<hbm>> -> memref<128xi32, #tpu.memory_space<hbm>>
          %dma_start3A_355 = tpu.memref_slice %arg3[%mul3A_353] : memref<327680xi32, #tpu.memory_space<hbm>> -> memref<128xi32, #tpu.memory_space<hbm>>
          tpu.enqueue_dma source(%dma_start3A_355 : memref<128xi32, #tpu.memory_space<hbm>>) target(%arg11 : memref<128xi32, #tpu.memory_space<vmem>>) target_semaphore(%arg21 : memref<!tpu.dma_semaphore, #tpu.memory_space<semaphore_mem>>)
        } else {
        }
        %add3A_308 = arith.constant 1 : i32
        %add3A_309 = arith.addi %scan3A_149, %add3A_308 : i32
        %mul3A_310 = arith.constant 8 : i32
        %mul3A_311 = arith.muli %mul3A_310, %add3A_309 : i32
        %add3A_312 = arith.constant 5 : i32
        %add3A_313 = arith.addi %mul3A_311, %add3A_312 : i32
        %lt3A_314 = arith.constant 160 : i32
        %lt3A_315 = arith.cmpi slt, %add3A_313, %lt3A_314 : i32
        %convert_element_type3A_316 = arith.extui %lt3A_315 : i1 to i32
        %cond3A_317 = arith.constant 0 : i32
        %cond3A_318 = arith.cmpi ne, %convert_element_type3A_316, %cond3A_317 : i32
        scf.if %cond3A_318 {
          %dma_wait3A_341 = arith.constant 0 : i32
          %dma_wait3A_342 = tpu.memref_slice %arg16[%dma_wait3A_341] : memref<10240xf32, #tpu.memory_space<vmem_shared>> -> memref<10240xf32, #tpu.memory_space<vmem_shared>>
          tpu.wait_indirect_dma semaphore(%arg30 : memref<!tpu.dma_semaphore, #tpu.memory_space<semaphore_mem>>) src(%arg15 : memref<128xf32, #tpu.memory_space<vmem>>) dst(%dma_wait3A_342 : memref<10240xf32, #tpu.memory_space<vmem_shared>>)
          %add3A_343 = arith.constant 1 : i32
          %add3A_344 = arith.addi %scan3A_149, %add3A_343 : i32
          %mul3A_345 = arith.constant 8 : i32
          %mul3A_346 = arith.muli %mul3A_345, %add3A_344 : i32
          %add3A_347 = arith.constant 5 : i32
          %add3A_348 = arith.addi %mul3A_346, %add3A_347 : i32
          %mul3A_349 = arith.constant 160 : i32
          %mul3A_350 = arith.muli %arg1, %mul3A_349 : i32
          %add3A_351 = arith.addi %mul3A_350, %add3A_348 : i32
          %mul3A_352 = arith.constant 128 : i32
          %mul3A_353 = arith.muli %add3A_351, %mul3A_352 : i32
          %dma_start3A_354 = tpu.memref_slice %arg3[%mul3A_353] : memref<327680xi32, #tpu.memory_space<hbm>> -> memref<128xi32, #tpu.memory_space<hbm>>
          %dma_start3A_355 = tpu.memref_slice %arg3[%mul3A_353] : memref<327680xi32, #tpu.memory_space<hbm>> -> memref<128xi32, #tpu.memory_space<hbm>>
          tpu.enqueue_dma source(%dma_start3A_355 : memref<128xi32, #tpu.memory_space<hbm>>) target(%arg12 : memref<128xi32, #tpu.memory_space<vmem>>) target_semaphore(%arg22 : memref<!tpu.dma_semaphore, #tpu.memory_space<semaphore_mem>>)
        } else {
        }
        %add3A_319 = arith.constant 1 : i32
        %add3A_320 = arith.addi %scan3A_149, %add3A_319 : i32
        %mul3A_321 = arith.constant 8 : i32
        %mul3A_322 = arith.muli %mul3A_321, %add3A_320 : i32
        %add3A_323 = arith.constant 6 : i32
        %add3A_324 = arith.addi %mul3A_322, %add3A_323 : i32
        %lt3A_325 = arith.constant 160 : i32
        %lt3A_326 = arith.cmpi slt, %add3A_324, %lt3A_325 : i32
        %convert_element_type3A_327 = arith.extui %lt3A_326 : i1 to i32
        %cond3A_328 = arith.constant 0 : i32
        %cond3A_329 = arith.cmpi ne, %convert_element_type3A_327, %cond3A_328 : i32
        scf.if %cond3A_329 {
          %dma_wait3A_341 = arith.constant 0 : i32
          %dma_wait3A_342 = tpu.memref_slice %arg16[%dma_wait3A_341] : memref<10240xf32, #tpu.memory_space<vmem_shared>> -> memref<10240xf32, #tpu.memory_space<vmem_shared>>
          tpu.wait_indirect_dma semaphore(%arg31 : memref<!tpu.dma_semaphore, #tpu.memory_space<semaphore_mem>>) src(%arg15 : memref<128xf32, #tpu.memory_space<vmem>>) dst(%dma_wait3A_342 : memref<10240xf32, #tpu.memory_space<vmem_shared>>)
          %add3A_343 = arith.constant 1 : i32
          %add3A_344 = arith.addi %scan3A_149, %add3A_343 : i32
          %mul3A_345 = arith.constant 8 : i32
          %mul3A_346 = arith.muli %mul3A_345, %add3A_344 : i32
          %add3A_347 = arith.constant 6 : i32
          %add3A_348 = arith.addi %mul3A_346, %add3A_347 : i32
          %mul3A_349 = arith.constant 160 : i32
          %mul3A_350 = arith.muli %arg1, %mul3A_349 : i32
          %add3A_351 = arith.addi %mul3A_350, %add3A_348 : i32
          %mul3A_352 = arith.constant 128 : i32
          %mul3A_353 = arith.muli %add3A_351, %mul3A_352 : i32
          %dma_start3A_354 = tpu.memref_slice %arg3[%mul3A_353] : memref<327680xi32, #tpu.memory_space<hbm>> -> memref<128xi32, #tpu.memory_space<hbm>>
          %dma_start3A_355 = tpu.memref_slice %arg3[%mul3A_353] : memref<327680xi32, #tpu.memory_space<hbm>> -> memref<128xi32, #tpu.memory_space<hbm>>
          tpu.enqueue_dma source(%dma_start3A_355 : memref<128xi32, #tpu.memory_space<hbm>>) target(%arg13 : memref<128xi32, #tpu.memory_space<vmem>>) target_semaphore(%arg23 : memref<!tpu.dma_semaphore, #tpu.memory_space<semaphore_mem>>)
        } else {
        }
        %add3A_330 = arith.constant 1 : i32
        %add3A_331 = arith.addi %scan3A_149, %add3A_330 : i32
        %mul3A_332 = arith.constant 8 : i32
        %mul3A_333 = arith.muli %mul3A_332, %add3A_331 : i32
        %add3A_334 = arith.constant 7 : i32
        %add3A_335 = arith.addi %mul3A_333, %add3A_334 : i32
        %lt3A_336 = arith.constant 160 : i32
        %lt3A_337 = arith.cmpi slt, %add3A_335, %lt3A_336 : i32
        %convert_element_type3A_338 = arith.extui %lt3A_337 : i1 to i32
        %cond3A_339 = arith.constant 0 : i32
        %cond3A_340 = arith.cmpi ne, %convert_element_type3A_338, %cond3A_339 : i32
        scf.if %cond3A_340 {
          %dma_wait3A_341 = arith.constant 0 : i32
          %dma_wait3A_342 = tpu.memref_slice %arg16[%dma_wait3A_341] : memref<10240xf32, #tpu.memory_space<vmem_shared>> -> memref<10240xf32, #tpu.memory_space<vmem_shared>>
          tpu.wait_indirect_dma semaphore(%arg32 : memref<!tpu.dma_semaphore, #tpu.memory_space<semaphore_mem>>) src(%arg15 : memref<128xf32, #tpu.memory_space<vmem>>) dst(%dma_wait3A_342 : memref<10240xf32, #tpu.memory_space<vmem_shared>>)
          %add3A_343 = arith.constant 1 : i32
          %add3A_344 = arith.addi %scan3A_149, %add3A_343 : i32
          %mul3A_345 = arith.constant 8 : i32
          %mul3A_346 = arith.muli %mul3A_345, %add3A_344 : i32
          %add3A_347 = arith.constant 7 : i32
          %add3A_348 = arith.addi %mul3A_346, %add3A_347 : i32
          %mul3A_349 = arith.constant 160 : i32
          %mul3A_350 = arith.muli %arg1, %mul3A_349 : i32
          %add3A_351 = arith.addi %mul3A_350, %add3A_348 : i32
          %mul3A_352 = arith.constant 128 : i32
          %mul3A_353 = arith.muli %add3A_351, %mul3A_352 : i32
          %dma_start3A_354 = tpu.memref_slice %arg3[%mul3A_353] : memref<327680xi32, #tpu.memory_space<hbm>> -> memref<128xi32, #tpu.memory_space<hbm>>
          %dma_start3A_355 = tpu.memref_slice %arg3[%mul3A_353] : memref<327680xi32, #tpu.memory_space<hbm>> -> memref<128xi32, #tpu.memory_space<hbm>>
          tpu.enqueue_dma source(%dma_start3A_355 : memref<128xi32, #tpu.memory_space<hbm>>) target(%arg14 : memref<128xi32, #tpu.memory_space<vmem>>) target_semaphore(%arg24 : memref<!tpu.dma_semaphore, #tpu.memory_space<semaphore_mem>>)
        } else {
        }
      }
      %scan3A_133 = arith.constant 20 : i32
      %dma_wait3A = arith.constant 0 : i32
      %dma_wait3A_134 = tpu.memref_slice %arg16[%dma_wait3A] : memref<10240xf32, #tpu.memory_space<vmem_shared>> -> memref<10240xf32, #tpu.memory_space<vmem_shared>>
      tpu.wait_indirect_dma semaphore(%arg25 : memref<!tpu.dma_semaphore, #tpu.memory_space<semaphore_mem>>) src(%arg15 : memref<128xf32, #tpu.memory_space<vmem>>) dst(%dma_wait3A_134 : memref<10240xf32, #tpu.memory_space<vmem_shared>>)
      %dma_wait3A_135 = arith.constant 0 : i32
      %dma_wait3A_136 = tpu.memref_slice %arg16[%dma_wait3A_135] : memref<10240xf32, #tpu.memory_space<vmem_shared>> -> memref<10240xf32, #tpu.memory_space<vmem_shared>>
      tpu.wait_indirect_dma semaphore(%arg26 : memref<!tpu.dma_semaphore, #tpu.memory_space<semaphore_mem>>) src(%arg15 : memref<128xf32, #tpu.memory_space<vmem>>) dst(%dma_wait3A_136 : memref<10240xf32, #tpu.memory_space<vmem_shared>>)
      %dma_wait3A_137 = arith.constant 0 : i32
      %dma_wait3A_138 = tpu.memref_slice %arg16[%dma_wait3A_137] : memref<10240xf32, #tpu.memory_space<vmem_shared>> -> memref<10240xf32, #tpu.memory_space<vmem_shared>>
      tpu.wait_indirect_dma semaphore(%arg27 : memref<!tpu.dma_semaphore, #tpu.memory_space<semaphore_mem>>) src(%arg15 : memref<128xf32, #tpu.memory_space<vmem>>) dst(%dma_wait3A_138 : memref<10240xf32, #tpu.memory_space<vmem_shared>>)
      %dma_wait3A_139 = arith.constant 0 : i32
      %dma_wait3A_140 = tpu.memref_slice %arg16[%dma_wait3A_139] : memref<10240xf32, #tpu.memory_space<vmem_shared>> -> memref<10240xf32, #tpu.memory_space<vmem_shared>>
      tpu.wait_indirect_dma semaphore(%arg28 : memref<!tpu.dma_semaphore, #tpu.memory_space<semaphore_mem>>) src(%arg15 : memref<128xf32, #tpu.memory_space<vmem>>) dst(%dma_wait3A_140 : memref<10240xf32, #tpu.memory_space<vmem_shared>>)
      %dma_wait3A_141 = arith.constant 0 : i32
      %dma_wait3A_142 = tpu.memref_slice %arg16[%dma_wait3A_141] : memref<10240xf32, #tpu.memory_space<vmem_shared>> -> memref<10240xf32, #tpu.memory_space<vmem_shared>>
      tpu.wait_indirect_dma semaphore(%arg29 : memref<!tpu.dma_semaphore, #tpu.memory_space<semaphore_mem>>) src(%arg15 : memref<128xf32, #tpu.memory_space<vmem>>) dst(%dma_wait3A_142 : memref<10240xf32, #tpu.memory_space<vmem_shared>>)
      %dma_wait3A_143 = arith.constant 0 : i32
      %dma_wait3A_144 = tpu.memref_slice %arg16[%dma_wait3A_143] : memref<10240xf32, #tpu.memory_space<vmem_shared>> -> memref<10240xf32, #tpu.memory_space<vmem_shared>>
      tpu.wait_indirect_dma semaphore(%arg30 : memref<!tpu.dma_semaphore, #tpu.memory_space<semaphore_mem>>) src(%arg15 : memref<128xf32, #tpu.memory_space<vmem>>) dst(%dma_wait3A_144 : memref<10240xf32, #tpu.memory_space<vmem_shared>>)
      %dma_wait3A_145 = arith.constant 0 : i32
      %dma_wait3A_146 = tpu.memref_slice %arg16[%dma_wait3A_145] : memref<10240xf32, #tpu.memory_space<vmem_shared>> -> memref<10240xf32, #tpu.memory_space<vmem_shared>>
      tpu.wait_indirect_dma semaphore(%arg31 : memref<!tpu.dma_semaphore, #tpu.memory_space<semaphore_mem>>) src(%arg15 : memref<128xf32, #tpu.memory_space<vmem>>) dst(%dma_wait3A_146 : memref<10240xf32, #tpu.memory_space<vmem_shared>>)
      %dma_wait3A_147 = arith.constant 0 : i32
      %dma_wait3A_148 = tpu.memref_slice %arg16[%dma_wait3A_147] : memref<10240xf32, #tpu.memory_space<vmem_shared>> -> memref<10240xf32, #tpu.memory_space<vmem_shared>>
      tpu.wait_indirect_dma semaphore(%arg32 : memref<!tpu.dma_semaphore, #tpu.memory_space<semaphore_mem>>) src(%arg15 : memref<128xf32, #tpu.memory_space<vmem>>) dst(%dma_wait3A_148 : memref<10240xf32, #tpu.memory_space<vmem_shared>>)
    } else {
    }
    %barrier3A_56 = arith.constant 0 : index
    tpu.barrier barrier_id(%barrier3A_56)
    %eq3A_57 = arith.constant 0 : i32
    %eq3A_58 = arith.cmpi eq, %arg0, %eq3A_57 : i32
    %convert_element_type3A_59 = arith.extui %eq3A_58 : i1 to i32
    %cond3A_60 = arith.constant 0 : i32
    %cond3A_61 = arith.cmpi ne, %convert_element_type3A_59, %cond3A_60 : i32
    scf.if %cond3A_61 {
      %mul3A_67 = arith.constant 640 : i32
      %mul3A_68 = arith.muli %arg1, %mul3A_67 : i32
      %mul3A_69 = arith.constant 640 : i32
      %mul3A_70 = arith.muli %arg1, %mul3A_69 : i32
      "tpu.region"() ({
        %run_scoped3A = tpu.sem_alloc : memref<!tpu.dma_semaphore, #tpu.memory_space<semaphore_mem>>
        %dma_start3A = tpu.memref_slice %arg5[%mul3A_70] : memref<10240xf32, #tpu.memory_space<hbm>> -> memref<640xf32, #tpu.memory_space<hbm>>
        %dma_start3A_71 = tpu.memref_slice %arg16[%mul3A_68] : memref<10240xf32, #tpu.memory_space<vmem_shared>> -> memref<640xf32, #tpu.memory_space<vmem_shared>>
        tpu.enqueue_dma source(%dma_start3A_71 : memref<640xf32, #tpu.memory_space<vmem_shared>>) target(%dma_start3A : memref<640xf32, #tpu.memory_space<hbm>>) target_semaphore(%run_scoped3A : memref<!tpu.dma_semaphore, #tpu.memory_space<semaphore_mem>>)
        %dma_wait3A = tpu.memref_slice %arg5[%mul3A_70] : memref<10240xf32, #tpu.memory_space<hbm>> -> memref<640xf32, #tpu.memory_space<hbm>>
        %dma_wait3A_72 = tpu.memref_slice %arg16[%mul3A_68] : memref<10240xf32, #tpu.memory_space<vmem_shared>> -> memref<640xf32, #tpu.memory_space<vmem_shared>>
        tpu.wait_dma2 semaphore(%run_scoped3A : memref<!tpu.dma_semaphore, #tpu.memory_space<semaphore_mem>>) src(%dma_wait3A_72 : memref<640xf32, #tpu.memory_space<vmem_shared>>) dst(%dma_wait3A : memref<640xf32, #tpu.memory_space<hbm>>)
        tpu.yield
      }) : () -> ()
    } else {
    }
    %eq3A_62 = arith.constant 1 : i32
    %eq3A_63 = arith.cmpi eq, %arg0, %eq3A_62 : i32
    %convert_element_type3A_64 = arith.extui %eq3A_63 : i1 to i32
    %cond3A_65 = arith.constant 0 : i32
    %cond3A_66 = arith.cmpi ne, %convert_element_type3A_64, %cond3A_65 : i32
    scf.if %cond3A_66 {
      %mul3A_67 = arith.constant 640 : i32
      %mul3A_68 = arith.muli %arg1, %mul3A_67 : i32
      %mul3A_69 = arith.constant 640 : i32
      %mul3A_70 = arith.muli %arg1, %mul3A_69 : i32
      "tpu.region"() ({
        %run_scoped3A = tpu.sem_alloc : memref<!tpu.dma_semaphore, #tpu.memory_space<semaphore_mem>>
        %dma_start3A = tpu.memref_slice %arg6[%mul3A_70] : memref<10240xf32, #tpu.memory_space<hbm>> -> memref<640xf32, #tpu.memory_space<hbm>>
        %dma_start3A_71 = tpu.memref_slice %arg16[%mul3A_68] : memref<10240xf32, #tpu.memory_space<vmem_shared>> -> memref<640xf32, #tpu.memory_space<vmem_shared>>
        tpu.enqueue_dma source(%dma_start3A_71 : memref<640xf32, #tpu.memory_space<vmem_shared>>) target(%dma_start3A : memref<640xf32, #tpu.memory_space<hbm>>) target_semaphore(%run_scoped3A : memref<!tpu.dma_semaphore, #tpu.memory_space<semaphore_mem>>)
        %dma_wait3A = tpu.memref_slice %arg6[%mul3A_70] : memref<10240xf32, #tpu.memory_space<hbm>> -> memref<640xf32, #tpu.memory_space<hbm>>
        %dma_wait3A_72 = tpu.memref_slice %arg16[%mul3A_68] : memref<10240xf32, #tpu.memory_space<vmem_shared>> -> memref<640xf32, #tpu.memory_space<vmem_shared>>
        tpu.wait_dma2 semaphore(%run_scoped3A : memref<!tpu.dma_semaphore, #tpu.memory_space<semaphore_mem>>) src(%dma_wait3A_72 : memref<640xf32, #tpu.memory_space<vmem_shared>>) dst(%dma_wait3A : memref<640xf32, #tpu.memory_space<hbm>>)
        tpu.yield
      }) : () -> ()
    } else {
    }
    return
  }
}

#map = affine_map<(d0, d1) -> (0, 0)>
#map1 = affine_map<(d0, d1) -> (0)>
#map2 = affine_map<(d0, d1) -> (0, 0, 0)>
module attributes {stable_mosaic.version = 14 : i64} {
  func.func @_edge_agg_sc(%arg0: i32, %arg1: i32, %arg2: memref<10240x128xf32, #tpu.memory_space<hbm>>, %arg3: memref<327680xi32, #tpu.memory_space<hbm>>, %arg4: memref<327680xi32, #tpu.memory_space<hbm>>, %arg5: memref<10240x128xf32, #tpu.memory_space<hbm>>, %arg6: memref<2x10240x128xf32, #tpu.memory_space<hbm>>, %arg7: memref<128xi32, #tpu.memory_space<vmem>>, %arg8: memref<128xi32, #tpu.memory_space<vmem>>, %arg9: memref<128xi32, #tpu.memory_space<vmem>>, %arg10: memref<128xi32, #tpu.memory_space<vmem>>, %arg11: memref<128x128xf32, #tpu.memory_space<vmem>>, %arg12: memref<128x128xf32, #tpu.memory_space<vmem>>, %arg13: memref<10240x128xf32, #tpu.memory_space<vmem_shared>>, %arg14: memref<!tpu.dma_semaphore, #tpu.memory_space<semaphore_mem>>, %arg15: memref<!tpu.dma_semaphore, #tpu.memory_space<semaphore_mem>>, %arg16: memref<!tpu.dma_semaphore, #tpu.memory_space<semaphore_mem>>, %arg17: memref<!tpu.dma_semaphore, #tpu.memory_space<semaphore_mem>>) attributes {dimension_semantics = [#tpu.dimension_semantics<core_parallel>, #tpu.dimension_semantics<subcore_parallel>], iteration_bounds = array<i64: 2, 16>, scalar_prefetch = 0 : i64, scratch_operands = 11 : i64, tpu.core_type = #tpu.core_type<sc_vector_subcore>, window_params = [{transform_indices = #map}, {transform_indices = #map1}, {transform_indices = #map1}, {transform_indices = #map}, {transform_indices = #map2}]} {
    %mul3A = arith.constant 2 : i32
    %mul3A_0 = arith.muli %arg1, %mul3A : i32
    %add3A = arith.addi %mul3A_0, %arg0 : i32
    %mul3A_1 = arith.constant 640 : i32
    %mul3A_2 = arith.muli %arg1, %mul3A_1 : i32
    %mul3A_3 = arith.constant 640 : i32
    %mul3A_4 = arith.muli %arg1, %mul3A_3 : i32
    "tpu.region"() ({
      %run_scoped3A = tpu.sem_alloc : memref<!tpu.dma_semaphore, #tpu.memory_space<semaphore_mem>>
      %dma_start3A_69 = arith.constant 0 : i32
      %dma_start3A_70 = tpu.memref_slice %arg13[%mul3A_4, %dma_start3A_69] : memref<10240x128xf32, #tpu.memory_space<vmem_shared>> -> memref<640x128xf32, #tpu.memory_space<vmem_shared>>
      %dma_start3A_71 = arith.constant 0 : i32
      %dma_start3A_72 = tpu.memref_slice %arg5[%mul3A_2, %dma_start3A_71] : memref<10240x128xf32, #tpu.memory_space<hbm>> -> memref<640x128xf32, #tpu.memory_space<hbm>>
      tpu.enqueue_dma source(%dma_start3A_72 : memref<640x128xf32, #tpu.memory_space<hbm>>) target(%dma_start3A_70 : memref<640x128xf32, #tpu.memory_space<vmem_shared>>) target_semaphore(%run_scoped3A : memref<!tpu.dma_semaphore, #tpu.memory_space<semaphore_mem>>)
      %dma_wait3A_73 = arith.constant 0 : i32
      %dma_wait3A_74 = tpu.memref_slice %arg13[%mul3A_4, %dma_wait3A_73] : memref<10240x128xf32, #tpu.memory_space<vmem_shared>> -> memref<640x128xf32, #tpu.memory_space<vmem_shared>>
      %dma_wait3A_75 = arith.constant 0 : i32
      %dma_wait3A_76 = tpu.memref_slice %arg5[%mul3A_2, %dma_wait3A_75] : memref<10240x128xf32, #tpu.memory_space<hbm>> -> memref<640x128xf32, #tpu.memory_space<hbm>>
      tpu.wait_dma2 semaphore(%run_scoped3A : memref<!tpu.dma_semaphore, #tpu.memory_space<semaphore_mem>>) src(%dma_wait3A_76 : memref<640x128xf32, #tpu.memory_space<hbm>>) dst(%dma_wait3A_74 : memref<640x128xf32, #tpu.memory_space<vmem_shared>>)
      tpu.yield
    }) : () -> ()
    %barrier3A = arith.constant 0 : index
    tpu.barrier barrier_id(%barrier3A)
    %mul3A_5 = arith.constant 80 : i32
    %mul3A_6 = arith.muli %add3A, %mul3A_5 : i32
    %add3A_7 = arith.constant 0 : i32
    %add3A_8 = arith.addi %mul3A_6, %add3A_7 : i32
    %mul3A_9 = arith.constant 128 : i32
    %mul3A_10 = arith.muli %add3A_8, %mul3A_9 : i32
    %dma_start3A = tpu.memref_slice %arg3[%mul3A_10] : memref<327680xi32, #tpu.memory_space<hbm>> -> memref<128xi32, #tpu.memory_space<hbm>>
    %dma_start3A_11 = tpu.memref_slice %arg3[%mul3A_10] : memref<327680xi32, #tpu.memory_space<hbm>> -> memref<128xi32, #tpu.memory_space<hbm>>
    tpu.enqueue_dma source(%dma_start3A_11 : memref<128xi32, #tpu.memory_space<hbm>>) target(%arg7 : memref<128xi32, #tpu.memory_space<vmem>>) target_semaphore(%arg14 : memref<!tpu.dma_semaphore, #tpu.memory_space<semaphore_mem>>)
    %add3A_12 = arith.constant 0 : i32
    %add3A_13 = arith.addi %mul3A_6, %add3A_12 : i32
    %mul3A_14 = arith.constant 128 : i32
    %mul3A_15 = arith.muli %add3A_13, %mul3A_14 : i32
    %dma_start3A_16 = tpu.memref_slice %arg4[%mul3A_15] : memref<327680xi32, #tpu.memory_space<hbm>> -> memref<128xi32, #tpu.memory_space<hbm>>
    %dma_start3A_17 = tpu.memref_slice %arg4[%mul3A_15] : memref<327680xi32, #tpu.memory_space<hbm>> -> memref<128xi32, #tpu.memory_space<hbm>>
    tpu.enqueue_dma source(%dma_start3A_17 : memref<128xi32, #tpu.memory_space<hbm>>) target(%arg9 : memref<128xi32, #tpu.memory_space<vmem>>) target_semaphore(%arg14 : memref<!tpu.dma_semaphore, #tpu.memory_space<semaphore_mem>>)
    %add3A_18 = arith.constant 1 : i32
    %add3A_19 = arith.addi %mul3A_6, %add3A_18 : i32
    %mul3A_20 = arith.constant 128 : i32
    %mul3A_21 = arith.muli %add3A_19, %mul3A_20 : i32
    %dma_start3A_22 = tpu.memref_slice %arg3[%mul3A_21] : memref<327680xi32, #tpu.memory_space<hbm>> -> memref<128xi32, #tpu.memory_space<hbm>>
    %dma_start3A_23 = tpu.memref_slice %arg3[%mul3A_21] : memref<327680xi32, #tpu.memory_space<hbm>> -> memref<128xi32, #tpu.memory_space<hbm>>
    tpu.enqueue_dma source(%dma_start3A_23 : memref<128xi32, #tpu.memory_space<hbm>>) target(%arg8 : memref<128xi32, #tpu.memory_space<vmem>>) target_semaphore(%arg15 : memref<!tpu.dma_semaphore, #tpu.memory_space<semaphore_mem>>)
    %add3A_24 = arith.constant 1 : i32
    %add3A_25 = arith.addi %mul3A_6, %add3A_24 : i32
    %mul3A_26 = arith.constant 128 : i32
    %mul3A_27 = arith.muli %add3A_25, %mul3A_26 : i32
    %dma_start3A_28 = tpu.memref_slice %arg4[%mul3A_27] : memref<327680xi32, #tpu.memory_space<hbm>> -> memref<128xi32, #tpu.memory_space<hbm>>
    %dma_start3A_29 = tpu.memref_slice %arg4[%mul3A_27] : memref<327680xi32, #tpu.memory_space<hbm>> -> memref<128xi32, #tpu.memory_space<hbm>>
    tpu.enqueue_dma source(%dma_start3A_29 : memref<128xi32, #tpu.memory_space<hbm>>) target(%arg10 : memref<128xi32, #tpu.memory_space<vmem>>) target_semaphore(%arg15 : memref<!tpu.dma_semaphore, #tpu.memory_space<semaphore_mem>>)
    %add3A_30 = arith.constant 0 : i32
    %add3A_31 = arith.addi %mul3A_6, %add3A_30 : i32
    %mul3A_32 = arith.constant 128 : i32
    %mul3A_33 = arith.muli %add3A_31, %mul3A_32 : i32
    %dma_wait3A = tpu.memref_slice %arg3[%mul3A_33] : memref<327680xi32, #tpu.memory_space<hbm>> -> memref<128xi32, #tpu.memory_space<hbm>>
    %dma_wait3A_34 = tpu.memref_slice %arg3[%mul3A_33] : memref<327680xi32, #tpu.memory_space<hbm>> -> memref<128xi32, #tpu.memory_space<hbm>>
    tpu.wait_dma2 semaphore(%arg14 : memref<!tpu.dma_semaphore, #tpu.memory_space<semaphore_mem>>) src(%dma_wait3A_34 : memref<128xi32, #tpu.memory_space<hbm>>) dst(%arg7 : memref<128xi32, #tpu.memory_space<vmem>>)
    %add3A_35 = arith.constant 0 : i32
    %add3A_36 = arith.addi %mul3A_6, %add3A_35 : i32
    %mul3A_37 = arith.constant 128 : i32
    %mul3A_38 = arith.muli %add3A_36, %mul3A_37 : i32
    %dma_wait3A_39 = tpu.memref_slice %arg4[%mul3A_38] : memref<327680xi32, #tpu.memory_space<hbm>> -> memref<128xi32, #tpu.memory_space<hbm>>
    %dma_wait3A_40 = tpu.memref_slice %arg4[%mul3A_38] : memref<327680xi32, #tpu.memory_space<hbm>> -> memref<128xi32, #tpu.memory_space<hbm>>
    tpu.wait_dma2 semaphore(%arg14 : memref<!tpu.dma_semaphore, #tpu.memory_space<semaphore_mem>>) src(%dma_wait3A_40 : memref<128xi32, #tpu.memory_space<hbm>>) dst(%arg9 : memref<128xi32, #tpu.memory_space<vmem>>)
    %dma_start3A_41 = arith.constant 0 : i32
    %dma_start3A_42 = arith.constant 0 : i32
    %dma_start3A_43 = tpu.memref_slice %arg2[%dma_start3A_41, %dma_start3A_42] : memref<10240x128xf32, #tpu.memory_space<hbm>> -> memref<10240x128xf32, #tpu.memory_space<hbm>>
    tpu.enqueue_indirect_dma source(%dma_start3A_43 : memref<10240x128xf32, #tpu.memory_space<hbm>>) target(%arg11 : memref<128x128xf32, #tpu.memory_space<vmem>>) offsets(%arg7 : memref<128xi32, #tpu.memory_space<vmem>>) semaphore(%arg16 : memref<!tpu.dma_semaphore, #tpu.memory_space<semaphore_mem>>)
    %add3A_44 = arith.constant 1 : i32
    %add3A_45 = arith.addi %mul3A_6, %add3A_44 : i32
    %mul3A_46 = arith.constant 128 : i32
    %mul3A_47 = arith.muli %add3A_45, %mul3A_46 : i32
    %dma_wait3A_48 = tpu.memref_slice %arg3[%mul3A_47] : memref<327680xi32, #tpu.memory_space<hbm>> -> memref<128xi32, #tpu.memory_space<hbm>>
    %dma_wait3A_49 = tpu.memref_slice %arg3[%mul3A_47] : memref<327680xi32, #tpu.memory_space<hbm>> -> memref<128xi32, #tpu.memory_space<hbm>>
    tpu.wait_dma2 semaphore(%arg15 : memref<!tpu.dma_semaphore, #tpu.memory_space<semaphore_mem>>) src(%dma_wait3A_49 : memref<128xi32, #tpu.memory_space<hbm>>) dst(%arg8 : memref<128xi32, #tpu.memory_space<vmem>>)
    %add3A_50 = arith.constant 1 : i32
    %add3A_51 = arith.addi %mul3A_6, %add3A_50 : i32
    %mul3A_52 = arith.constant 128 : i32
    %mul3A_53 = arith.muli %add3A_51, %mul3A_52 : i32
    %dma_wait3A_54 = tpu.memref_slice %arg4[%mul3A_53] : memref<327680xi32, #tpu.memory_space<hbm>> -> memref<128xi32, #tpu.memory_space<hbm>>
    %dma_wait3A_55 = tpu.memref_slice %arg4[%mul3A_53] : memref<327680xi32, #tpu.memory_space<hbm>> -> memref<128xi32, #tpu.memory_space<hbm>>
    tpu.wait_dma2 semaphore(%arg15 : memref<!tpu.dma_semaphore, #tpu.memory_space<semaphore_mem>>) src(%dma_wait3A_55 : memref<128xi32, #tpu.memory_space<hbm>>) dst(%arg10 : memref<128xi32, #tpu.memory_space<vmem>>)
    %dma_start3A_56 = arith.constant 0 : i32
    %dma_start3A_57 = arith.constant 0 : i32
    %dma_start3A_58 = tpu.memref_slice %arg2[%dma_start3A_56, %dma_start3A_57] : memref<10240x128xf32, #tpu.memory_space<hbm>> -> memref<10240x128xf32, #tpu.memory_space<hbm>>
    tpu.enqueue_indirect_dma source(%dma_start3A_58 : memref<10240x128xf32, #tpu.memory_space<hbm>>) target(%arg12 : memref<128x128xf32, #tpu.memory_space<vmem>>) offsets(%arg8 : memref<128xi32, #tpu.memory_space<vmem>>) semaphore(%arg17 : memref<!tpu.dma_semaphore, #tpu.memory_space<semaphore_mem>>)
    %scan3A = arith.constant 0 : i32
    %scan3A_59 = arith.constant 0 : i32
    %scan3A_60 = arith.constant 40 : i32
    %scan3A_61 = arith.addi %scan3A_59, %scan3A_60 : i32
    %scan3A_62 = arith.constant 1 : i32
    scf.for %scan3A_69 = %scan3A_59 to %scan3A_61 step %scan3A_62  : i32 {
      %dma_wait3A_70 = arith.constant 0 : i32
      %dma_wait3A_71 = arith.constant 0 : i32
      %dma_wait3A_72 = tpu.memref_slice %arg2[%dma_wait3A_70, %dma_wait3A_71] : memref<10240x128xf32, #tpu.memory_space<hbm>> -> memref<10240x128xf32, #tpu.memory_space<hbm>>
      tpu.wait_indirect_dma semaphore(%arg16 : memref<!tpu.dma_semaphore, #tpu.memory_space<semaphore_mem>>) src(%dma_wait3A_72 : memref<10240x128xf32, #tpu.memory_space<hbm>>) dst(%arg11 : memref<128x128xf32, #tpu.memory_space<vmem>>)
      "tpu.region"() ({
        %run_scoped3A = tpu.sem_alloc : memref<!tpu.dma_semaphore, #tpu.memory_space<semaphore_mem>>
        %dma_start3A_117 = arith.constant 0 : i32
        %dma_start3A_118 = arith.constant 0 : i32
        %dma_start3A_119 = tpu.memref_slice %arg13[%dma_start3A_117, %dma_start3A_118] : memref<10240x128xf32, #tpu.memory_space<vmem_shared>> -> memref<10240x128xf32, #tpu.memory_space<vmem_shared>>
        tpu.enqueue_indirect_dma source(%arg11 : memref<128x128xf32, #tpu.memory_space<vmem>>) target(%dma_start3A_119 : memref<10240x128xf32, #tpu.memory_space<vmem_shared>>) offsets(%arg9 : memref<128xi32, #tpu.memory_space<vmem>>) semaphore(%run_scoped3A : memref<!tpu.dma_semaphore, #tpu.memory_space<semaphore_mem>>) {add = true}
        %dma_wait3A_120 = arith.constant 0 : i32
        %dma_wait3A_121 = arith.constant 0 : i32
        %dma_wait3A_122 = tpu.memref_slice %arg13[%dma_wait3A_120, %dma_wait3A_121] : memref<10240x128xf32, #tpu.memory_space<vmem_shared>> -> memref<10240x128xf32, #tpu.memory_space<vmem_shared>>
        tpu.wait_indirect_dma semaphore(%run_scoped3A : memref<!tpu.dma_semaphore, #tpu.memory_space<semaphore_mem>>) src(%arg11 : memref<128x128xf32, #tpu.memory_space<vmem>>) dst(%dma_wait3A_122 : memref<10240x128xf32, #tpu.memory_space<vmem_shared>>)
        tpu.yield
      }) : () -> ()
      %add3A_73 = arith.constant 1 : i32
      %add3A_74 = arith.addi %scan3A_69, %add3A_73 : i32
      %mul3A_75 = arith.constant 2 : i32
      %mul3A_76 = arith.muli %mul3A_75, %add3A_74 : i32
      %add3A_77 = arith.constant 0 : i32
      %add3A_78 = arith.addi %mul3A_76, %add3A_77 : i32
      %lt3A = arith.constant 80 : i32
      %lt3A_79 = arith.cmpi slt, %add3A_78, %lt3A : i32
      %convert_element_type3A = arith.extui %lt3A_79 : i1 to i32
      %cond3A = arith.constant 0 : i32
      %cond3A_80 = arith.cmpi ne, %convert_element_type3A, %cond3A : i32
      scf.if %cond3A_80 {
        %add3A_117 = arith.constant 1 : i32
        %add3A_118 = arith.addi %scan3A_69, %add3A_117 : i32
        %mul3A_119 = arith.constant 2 : i32
        %mul3A_120 = arith.muli %mul3A_119, %add3A_118 : i32
        %add3A_121 = arith.constant 0 : i32
        %add3A_122 = arith.addi %mul3A_120, %add3A_121 : i32
        %add3A_123 = arith.addi %mul3A_6, %add3A_122 : i32
        %mul3A_124 = arith.constant 128 : i32
        %mul3A_125 = arith.muli %add3A_123, %mul3A_124 : i32
        %dma_start3A_126 = tpu.memref_slice %arg3[%mul3A_125] : memref<327680xi32, #tpu.memory_space<hbm>> -> memref<128xi32, #tpu.memory_space<hbm>>
        %dma_start3A_127 = tpu.memref_slice %arg3[%mul3A_125] : memref<327680xi32, #tpu.memory_space<hbm>> -> memref<128xi32, #tpu.memory_space<hbm>>
        tpu.enqueue_dma source(%dma_start3A_127 : memref<128xi32, #tpu.memory_space<hbm>>) target(%arg7 : memref<128xi32, #tpu.memory_space<vmem>>) target_semaphore(%arg14 : memref<!tpu.dma_semaphore, #tpu.memory_space<semaphore_mem>>)
        %add3A_128 = arith.addi %mul3A_6, %add3A_122 : i32
        %mul3A_129 = arith.constant 128 : i32
        %mul3A_130 = arith.muli %add3A_128, %mul3A_129 : i32
        %dma_start3A_131 = tpu.memref_slice %arg4[%mul3A_130] : memref<327680xi32, #tpu.memory_space<hbm>> -> memref<128xi32, #tpu.memory_space<hbm>>
        %dma_start3A_132 = tpu.memref_slice %arg4[%mul3A_130] : memref<327680xi32, #tpu.memory_space<hbm>> -> memref<128xi32, #tpu.memory_space<hbm>>
        tpu.enqueue_dma source(%dma_start3A_132 : memref<128xi32, #tpu.memory_space<hbm>>) target(%arg9 : memref<128xi32, #tpu.memory_space<vmem>>) target_semaphore(%arg14 : memref<!tpu.dma_semaphore, #tpu.memory_space<semaphore_mem>>)
      } else {
      }
      %dma_wait3A_81 = arith.constant 0 : i32
      %dma_wait3A_82 = arith.constant 0 : i32
      %dma_wait3A_83 = tpu.memref_slice %arg2[%dma_wait3A_81, %dma_wait3A_82] : memref<10240x128xf32, #tpu.memory_space<hbm>> -> memref<10240x128xf32, #tpu.memory_space<hbm>>
      tpu.wait_indirect_dma semaphore(%arg17 : memref<!tpu.dma_semaphore, #tpu.memory_space<semaphore_mem>>) src(%dma_wait3A_83 : memref<10240x128xf32, #tpu.memory_space<hbm>>) dst(%arg12 : memref<128x128xf32, #tpu.memory_space<vmem>>)
      "tpu.region"() ({
        %run_scoped3A = tpu.sem_alloc : memref<!tpu.dma_semaphore, #tpu.memory_space<semaphore_mem>>
        %dma_start3A_117 = arith.constant 0 : i32
        %dma_start3A_118 = arith.constant 0 : i32
        %dma_start3A_119 = tpu.memref_slice %arg13[%dma_start3A_117, %dma_start3A_118] : memref<10240x128xf32, #tpu.memory_space<vmem_shared>> -> memref<10240x128xf32, #tpu.memory_space<vmem_shared>>
        tpu.enqueue_indirect_dma source(%arg12 : memref<128x128xf32, #tpu.memory_space<vmem>>) target(%dma_start3A_119 : memref<10240x128xf32, #tpu.memory_space<vmem_shared>>) offsets(%arg10 : memref<128xi32, #tpu.memory_space<vmem>>) semaphore(%run_scoped3A : memref<!tpu.dma_semaphore, #tpu.memory_space<semaphore_mem>>) {add = true}
        %dma_wait3A_120 = arith.constant 0 : i32
        %dma_wait3A_121 = arith.constant 0 : i32
        %dma_wait3A_122 = tpu.memref_slice %arg13[%dma_wait3A_120, %dma_wait3A_121] : memref<10240x128xf32, #tpu.memory_space<vmem_shared>> -> memref<10240x128xf32, #tpu.memory_space<vmem_shared>>
        tpu.wait_indirect_dma semaphore(%run_scoped3A : memref<!tpu.dma_semaphore, #tpu.memory_space<semaphore_mem>>) src(%arg12 : memref<128x128xf32, #tpu.memory_space<vmem>>) dst(%dma_wait3A_122 : memref<10240x128xf32, #tpu.memory_space<vmem_shared>>)
        tpu.yield
      }) : () -> ()
      %add3A_84 = arith.constant 1 : i32
      %add3A_85 = arith.addi %scan3A_69, %add3A_84 : i32
      %mul3A_86 = arith.constant 2 : i32
      %mul3A_87 = arith.muli %mul3A_86, %add3A_85 : i32
      %add3A_88 = arith.constant 1 : i32
      %add3A_89 = arith.addi %mul3A_87, %add3A_88 : i32
      %lt3A_90 = arith.constant 80 : i32
      %lt3A_91 = arith.cmpi slt, %add3A_89, %lt3A_90 : i32
      %convert_element_type3A_92 = arith.extui %lt3A_91 : i1 to i32
      %cond3A_93 = arith.constant 0 : i32
      %cond3A_94 = arith.cmpi ne, %convert_element_type3A_92, %cond3A_93 : i32
      scf.if %cond3A_94 {
        %add3A_117 = arith.constant 1 : i32
        %add3A_118 = arith.addi %scan3A_69, %add3A_117 : i32
        %mul3A_119 = arith.constant 2 : i32
        %mul3A_120 = arith.muli %mul3A_119, %add3A_118 : i32
        %add3A_121 = arith.constant 1 : i32
        %add3A_122 = arith.addi %mul3A_120, %add3A_121 : i32
        %add3A_123 = arith.addi %mul3A_6, %add3A_122 : i32
        %mul3A_124 = arith.constant 128 : i32
        %mul3A_125 = arith.muli %add3A_123, %mul3A_124 : i32
        %dma_start3A_126 = tpu.memref_slice %arg3[%mul3A_125] : memref<327680xi32, #tpu.memory_space<hbm>> -> memref<128xi32, #tpu.memory_space<hbm>>
        %dma_start3A_127 = tpu.memref_slice %arg3[%mul3A_125] : memref<327680xi32, #tpu.memory_space<hbm>> -> memref<128xi32, #tpu.memory_space<hbm>>
        tpu.enqueue_dma source(%dma_start3A_127 : memref<128xi32, #tpu.memory_space<hbm>>) target(%arg8 : memref<128xi32, #tpu.memory_space<vmem>>) target_semaphore(%arg15 : memref<!tpu.dma_semaphore, #tpu.memory_space<semaphore_mem>>)
        %add3A_128 = arith.addi %mul3A_6, %add3A_122 : i32
        %mul3A_129 = arith.constant 128 : i32
        %mul3A_130 = arith.muli %add3A_128, %mul3A_129 : i32
        %dma_start3A_131 = tpu.memref_slice %arg4[%mul3A_130] : memref<327680xi32, #tpu.memory_space<hbm>> -> memref<128xi32, #tpu.memory_space<hbm>>
        %dma_start3A_132 = tpu.memref_slice %arg4[%mul3A_130] : memref<327680xi32, #tpu.memory_space<hbm>> -> memref<128xi32, #tpu.memory_space<hbm>>
        tpu.enqueue_dma source(%dma_start3A_132 : memref<128xi32, #tpu.memory_space<hbm>>) target(%arg10 : memref<128xi32, #tpu.memory_space<vmem>>) target_semaphore(%arg15 : memref<!tpu.dma_semaphore, #tpu.memory_space<semaphore_mem>>)
      } else {
      }
      %add3A_95 = arith.constant 1 : i32
      %add3A_96 = arith.addi %scan3A_69, %add3A_95 : i32
      %mul3A_97 = arith.constant 2 : i32
      %mul3A_98 = arith.muli %mul3A_97, %add3A_96 : i32
      %add3A_99 = arith.constant 0 : i32
      %add3A_100 = arith.addi %mul3A_98, %add3A_99 : i32
      %lt3A_101 = arith.constant 80 : i32
      %lt3A_102 = arith.cmpi slt, %add3A_100, %lt3A_101 : i32
      %convert_element_type3A_103 = arith.extui %lt3A_102 : i1 to i32
      %cond3A_104 = arith.constant 0 : i32
      %cond3A_105 = arith.cmpi ne, %convert_element_type3A_103, %cond3A_104 : i32
      scf.if %cond3A_105 {
        %add3A_117 = arith.constant 1 : i32
        %add3A_118 = arith.addi %scan3A_69, %add3A_117 : i32
        %mul3A_119 = arith.constant 2 : i32
        %mul3A_120 = arith.muli %mul3A_119, %add3A_118 : i32
        %add3A_121 = arith.constant 0 : i32
        %add3A_122 = arith.addi %mul3A_120, %add3A_121 : i32
        %add3A_123 = arith.addi %mul3A_6, %add3A_122 : i32
        %mul3A_124 = arith.constant 128 : i32
        %mul3A_125 = arith.muli %add3A_123, %mul3A_124 : i32
        %dma_wait3A_126 = tpu.memref_slice %arg3[%mul3A_125] : memref<327680xi32, #tpu.memory_space<hbm>> -> memref<128xi32, #tpu.memory_space<hbm>>
        %dma_wait3A_127 = tpu.memref_slice %arg3[%mul3A_125] : memref<327680xi32, #tpu.memory_space<hbm>> -> memref<128xi32, #tpu.memory_space<hbm>>
        tpu.wait_dma2 semaphore(%arg14 : memref<!tpu.dma_semaphore, #tpu.memory_space<semaphore_mem>>) src(%dma_wait3A_127 : memref<128xi32, #tpu.memory_space<hbm>>) dst(%arg7 : memref<128xi32, #tpu.memory_space<vmem>>)
        %add3A_128 = arith.addi %mul3A_6, %add3A_122 : i32
        %mul3A_129 = arith.constant 128 : i32
        %mul3A_130 = arith.muli %add3A_128, %mul3A_129 : i32
        %dma_wait3A_131 = tpu.memref_slice %arg4[%mul3A_130] : memref<327680xi32, #tpu.memory_space<hbm>> -> memref<128xi32, #tpu.memory_space<hbm>>
        %dma_wait3A_132 = tpu.memref_slice %arg4[%mul3A_130] : memref<327680xi32, #tpu.memory_space<hbm>> -> memref<128xi32, #tpu.memory_space<hbm>>
        tpu.wait_dma2 semaphore(%arg14 : memref<!tpu.dma_semaphore, #tpu.memory_space<semaphore_mem>>) src(%dma_wait3A_132 : memref<128xi32, #tpu.memory_space<hbm>>) dst(%arg9 : memref<128xi32, #tpu.memory_space<vmem>>)
        %dma_start3A_133 = arith.constant 0 : i32
        %dma_start3A_134 = arith.constant 0 : i32
        %dma_start3A_135 = tpu.memref_slice %arg2[%dma_start3A_133, %dma_start3A_134] : memref<10240x128xf32, #tpu.memory_space<hbm>> -> memref<10240x128xf32, #tpu.memory_space<hbm>>
        tpu.enqueue_indirect_dma source(%dma_start3A_135 : memref<10240x128xf32, #tpu.memory_space<hbm>>) target(%arg11 : memref<128x128xf32, #tpu.memory_space<vmem>>) offsets(%arg7 : memref<128xi32, #tpu.memory_space<vmem>>) semaphore(%arg16 : memref<!tpu.dma_semaphore, #tpu.memory_space<semaphore_mem>>)
      } else {
      }
      %add3A_106 = arith.constant 1 : i32
      %add3A_107 = arith.addi %scan3A_69, %add3A_106 : i32
      %mul3A_108 = arith.constant 2 : i32
      %mul3A_109 = arith.muli %mul3A_108, %add3A_107 : i32
      %add3A_110 = arith.constant 1 : i32
      %add3A_111 = arith.addi %mul3A_109, %add3A_110 : i32
      %lt3A_112 = arith.constant 80 : i32
      %lt3A_113 = arith.cmpi slt, %add3A_111, %lt3A_112 : i32
      %convert_element_type3A_114 = arith.extui %lt3A_113 : i1 to i32
      %cond3A_115 = arith.constant 0 : i32
      %cond3A_116 = arith.cmpi ne, %convert_element_type3A_114, %cond3A_115 : i32
      scf.if %cond3A_116 {
        %add3A_117 = arith.constant 1 : i32
        %add3A_118 = arith.addi %scan3A_69, %add3A_117 : i32
        %mul3A_119 = arith.constant 2 : i32
        %mul3A_120 = arith.muli %mul3A_119, %add3A_118 : i32
        %add3A_121 = arith.constant 1 : i32
        %add3A_122 = arith.addi %mul3A_120, %add3A_121 : i32
        %add3A_123 = arith.addi %mul3A_6, %add3A_122 : i32
        %mul3A_124 = arith.constant 128 : i32
        %mul3A_125 = arith.muli %add3A_123, %mul3A_124 : i32
        %dma_wait3A_126 = tpu.memref_slice %arg3[%mul3A_125] : memref<327680xi32, #tpu.memory_space<hbm>> -> memref<128xi32, #tpu.memory_space<hbm>>
        %dma_wait3A_127 = tpu.memref_slice %arg3[%mul3A_125] : memref<327680xi32, #tpu.memory_space<hbm>> -> memref<128xi32, #tpu.memory_space<hbm>>
        tpu.wait_dma2 semaphore(%arg15 : memref<!tpu.dma_semaphore, #tpu.memory_space<semaphore_mem>>) src(%dma_wait3A_127 : memref<128xi32, #tpu.memory_space<hbm>>) dst(%arg8 : memref<128xi32, #tpu.memory_space<vmem>>)
        %add3A_128 = arith.addi %mul3A_6, %add3A_122 : i32
        %mul3A_129 = arith.constant 128 : i32
        %mul3A_130 = arith.muli %add3A_128, %mul3A_129 : i32
        %dma_wait3A_131 = tpu.memref_slice %arg4[%mul3A_130] : memref<327680xi32, #tpu.memory_space<hbm>> -> memref<128xi32, #tpu.memory_space<hbm>>
        %dma_wait3A_132 = tpu.memref_slice %arg4[%mul3A_130] : memref<327680xi32, #tpu.memory_space<hbm>> -> memref<128xi32, #tpu.memory_space<hbm>>
        tpu.wait_dma2 semaphore(%arg15 : memref<!tpu.dma_semaphore, #tpu.memory_space<semaphore_mem>>) src(%dma_wait3A_132 : memref<128xi32, #tpu.memory_space<hbm>>) dst(%arg10 : memref<128xi32, #tpu.memory_space<vmem>>)
        %dma_start3A_133 = arith.constant 0 : i32
        %dma_start3A_134 = arith.constant 0 : i32
        %dma_start3A_135 = tpu.memref_slice %arg2[%dma_start3A_133, %dma_start3A_134] : memref<10240x128xf32, #tpu.memory_space<hbm>> -> memref<10240x128xf32, #tpu.memory_space<hbm>>
        tpu.enqueue_indirect_dma source(%dma_start3A_135 : memref<10240x128xf32, #tpu.memory_space<hbm>>) target(%arg12 : memref<128x128xf32, #tpu.memory_space<vmem>>) offsets(%arg8 : memref<128xi32, #tpu.memory_space<vmem>>) semaphore(%arg17 : memref<!tpu.dma_semaphore, #tpu.memory_space<semaphore_mem>>)
      } else {
      }
    }
    %scan3A_63 = arith.constant 40 : i32
    %barrier3A_64 = arith.constant 0 : index
    tpu.barrier barrier_id(%barrier3A_64)
    %mul3A_65 = arith.constant 640 : i32
    %mul3A_66 = arith.muli %arg1, %mul3A_65 : i32
    %mul3A_67 = arith.constant 640 : i32
    %mul3A_68 = arith.muli %arg1, %mul3A_67 : i32
    "tpu.region"() ({
      %run_scoped3A = tpu.sem_alloc : memref<!tpu.dma_semaphore, #tpu.memory_space<semaphore_mem>>
      %dma_start3A_69 = arith.constant 0 : i32
      %dma_start3A_70 = tpu.memref_slice %arg6[%arg0, %mul3A_68, %dma_start3A_69] : memref<2x10240x128xf32, #tpu.memory_space<hbm>> -> memref<1x640x128xf32, #tpu.memory_space<hbm>>
      %dma_start3A_71 = tpu.memref_squeeze %dma_start3A_70 : memref<1x640x128xf32, #tpu.memory_space<hbm>> -> memref<640x128xf32, #tpu.memory_space<hbm>>
      %dma_start3A_72 = arith.constant 0 : i32
      %dma_start3A_73 = tpu.memref_slice %arg13[%mul3A_66, %dma_start3A_72] : memref<10240x128xf32, #tpu.memory_space<vmem_shared>> -> memref<640x128xf32, #tpu.memory_space<vmem_shared>>
      tpu.enqueue_dma source(%dma_start3A_73 : memref<640x128xf32, #tpu.memory_space<vmem_shared>>) target(%dma_start3A_71 : memref<640x128xf32, #tpu.memory_space<hbm>>) target_semaphore(%run_scoped3A : memref<!tpu.dma_semaphore, #tpu.memory_space<semaphore_mem>>)
      %dma_wait3A_74 = arith.constant 0 : i32
      %dma_wait3A_75 = tpu.memref_slice %arg6[%arg0, %mul3A_68, %dma_wait3A_74] : memref<2x10240x128xf32, #tpu.memory_space<hbm>> -> memref<1x640x128xf32, #tpu.memory_space<hbm>>
      %dma_wait3A_76 = tpu.memref_squeeze %dma_wait3A_75 : memref<1x640x128xf32, #tpu.memory_space<hbm>> -> memref<640x128xf32, #tpu.memory_space<hbm>>
      %dma_wait3A_77 = arith.constant 0 : i32
      %dma_wait3A_78 = tpu.memref_slice %arg13[%mul3A_66, %dma_wait3A_77] : memref<10240x128xf32, #tpu.memory_space<vmem_shared>> -> memref<640x128xf32, #tpu.memory_space<vmem_shared>>
      tpu.wait_dma2 semaphore(%run_scoped3A : memref<!tpu.dma_semaphore, #tpu.memory_space<semaphore_mem>>) src(%dma_wait3A_78 : memref<640x128xf32, #tpu.memory_space<vmem_shared>>) dst(%dma_wait3A_76 : memref<640x128xf32, #tpu.memory_space<hbm>>)
      tpu.yield
    }) : () -> ()
    return
  }
}

#map = affine_map<(d0, d1) -> (0, 0)>
#map1 = affine_map<(d0, d1) -> (0)>
#map2 = affine_map<(d0, d1) -> (0, 0, 0)>
module attributes {stable_mosaic.version = 14 : i64} {
  func.func @_edge_agg_sc(%arg0: i32, %arg1: i32, %arg2: memref<10240x128xf32, #tpu.memory_space<hbm>>, %arg3: memref<327680xi32, #tpu.memory_space<hbm>>, %arg4: memref<327680xi32, #tpu.memory_space<hbm>>, %arg5: memref<10240x128xf32, #tpu.memory_space<hbm>>, %arg6: memref<2x10240x128xf32, #tpu.memory_space<hbm>>, %arg7: memref<128xi32, #tpu.memory_space<vmem>>, %arg8: memref<128xi32, #tpu.memory_space<vmem>>, %arg9: memref<128xi32, #tpu.memory_space<vmem>>, %arg10: memref<128xi32, #tpu.memory_space<vmem>>, %arg11: memref<128x128xf32, #tpu.memory_space<vmem>>, %arg12: memref<128x128xf32, #tpu.memory_space<vmem>>, %arg13: memref<10240x128xf32, #tpu.memory_space<vmem_shared>>, %arg14: memref<!tpu.dma_semaphore, #tpu.memory_space<semaphore_mem>>, %arg15: memref<!tpu.dma_semaphore, #tpu.memory_space<semaphore_mem>>, %arg16: memref<!tpu.dma_semaphore, #tpu.memory_space<semaphore_mem>>, %arg17: memref<!tpu.dma_semaphore, #tpu.memory_space<semaphore_mem>>) attributes {dimension_semantics = [#tpu.dimension_semantics<core_parallel>, #tpu.dimension_semantics<subcore_parallel>], iteration_bounds = array<i64: 2, 16>, scalar_prefetch = 0 : i64, scratch_operands = 11 : i64, tpu.core_type = #tpu.core_type<sc_vector_subcore>, window_params = [{transform_indices = #map}, {transform_indices = #map1}, {transform_indices = #map1}, {transform_indices = #map}, {transform_indices = #map2}]} {
    %mul3A = arith.constant 2 : i32
    %mul3A_0 = arith.muli %arg1, %mul3A : i32
    %add3A = arith.addi %mul3A_0, %arg0 : i32
    %mul3A_1 = arith.constant 640 : i32
    %mul3A_2 = arith.muli %arg1, %mul3A_1 : i32
    %mul3A_3 = arith.constant 640 : i32
    %mul3A_4 = arith.muli %arg1, %mul3A_3 : i32
    "tpu.region"() ({
      %run_scoped3A = tpu.sem_alloc : memref<!tpu.dma_semaphore, #tpu.memory_space<semaphore_mem>>
      %dma_start3A_69 = arith.constant 0 : i32
      %dma_start3A_70 = tpu.memref_slice %arg13[%mul3A_4, %dma_start3A_69] : memref<10240x128xf32, #tpu.memory_space<vmem_shared>> -> memref<640x128xf32, #tpu.memory_space<vmem_shared>>
      %dma_start3A_71 = arith.constant 0 : i32
      %dma_start3A_72 = tpu.memref_slice %arg5[%mul3A_2, %dma_start3A_71] : memref<10240x128xf32, #tpu.memory_space<hbm>> -> memref<640x128xf32, #tpu.memory_space<hbm>>
      tpu.enqueue_dma source(%dma_start3A_72 : memref<640x128xf32, #tpu.memory_space<hbm>>) target(%dma_start3A_70 : memref<640x128xf32, #tpu.memory_space<vmem_shared>>) target_semaphore(%run_scoped3A : memref<!tpu.dma_semaphore, #tpu.memory_space<semaphore_mem>>)
      %dma_wait3A_73 = arith.constant 0 : i32
      %dma_wait3A_74 = tpu.memref_slice %arg13[%mul3A_4, %dma_wait3A_73] : memref<10240x128xf32, #tpu.memory_space<vmem_shared>> -> memref<640x128xf32, #tpu.memory_space<vmem_shared>>
      %dma_wait3A_75 = arith.constant 0 : i32
      %dma_wait3A_76 = tpu.memref_slice %arg5[%mul3A_2, %dma_wait3A_75] : memref<10240x128xf32, #tpu.memory_space<hbm>> -> memref<640x128xf32, #tpu.memory_space<hbm>>
      tpu.wait_dma2 semaphore(%run_scoped3A : memref<!tpu.dma_semaphore, #tpu.memory_space<semaphore_mem>>) src(%dma_wait3A_76 : memref<640x128xf32, #tpu.memory_space<hbm>>) dst(%dma_wait3A_74 : memref<640x128xf32, #tpu.memory_space<vmem_shared>>)
      tpu.yield
    }) : () -> ()
    %barrier3A = arith.constant 0 : index
    tpu.barrier barrier_id(%barrier3A)
    %mul3A_5 = arith.constant 80 : i32
    %mul3A_6 = arith.muli %add3A, %mul3A_5 : i32
    %add3A_7 = arith.constant 0 : i32
    %add3A_8 = arith.addi %mul3A_6, %add3A_7 : i32
    %mul3A_9 = arith.constant 128 : i32
    %mul3A_10 = arith.muli %add3A_8, %mul3A_9 : i32
    %dma_start3A = tpu.memref_slice %arg3[%mul3A_10] : memref<327680xi32, #tpu.memory_space<hbm>> -> memref<128xi32, #tpu.memory_space<hbm>>
    %dma_start3A_11 = tpu.memref_slice %arg3[%mul3A_10] : memref<327680xi32, #tpu.memory_space<hbm>> -> memref<128xi32, #tpu.memory_space<hbm>>
    tpu.enqueue_dma source(%dma_start3A_11 : memref<128xi32, #tpu.memory_space<hbm>>) target(%arg7 : memref<128xi32, #tpu.memory_space<vmem>>) target_semaphore(%arg14 : memref<!tpu.dma_semaphore, #tpu.memory_space<semaphore_mem>>)
    %add3A_12 = arith.constant 0 : i32
    %add3A_13 = arith.addi %mul3A_6, %add3A_12 : i32
    %mul3A_14 = arith.constant 128 : i32
    %mul3A_15 = arith.muli %add3A_13, %mul3A_14 : i32
    %dma_start3A_16 = tpu.memref_slice %arg4[%mul3A_15] : memref<327680xi32, #tpu.memory_space<hbm>> -> memref<128xi32, #tpu.memory_space<hbm>>
    %dma_start3A_17 = tpu.memref_slice %arg4[%mul3A_15] : memref<327680xi32, #tpu.memory_space<hbm>> -> memref<128xi32, #tpu.memory_space<hbm>>
    tpu.enqueue_dma source(%dma_start3A_17 : memref<128xi32, #tpu.memory_space<hbm>>) target(%arg9 : memref<128xi32, #tpu.memory_space<vmem>>) target_semaphore(%arg14 : memref<!tpu.dma_semaphore, #tpu.memory_space<semaphore_mem>>)
    %add3A_18 = arith.constant 1 : i32
    %add3A_19 = arith.addi %mul3A_6, %add3A_18 : i32
    %mul3A_20 = arith.constant 128 : i32
    %mul3A_21 = arith.muli %add3A_19, %mul3A_20 : i32
    %dma_start3A_22 = tpu.memref_slice %arg3[%mul3A_21] : memref<327680xi32, #tpu.memory_space<hbm>> -> memref<128xi32, #tpu.memory_space<hbm>>
    %dma_start3A_23 = tpu.memref_slice %arg3[%mul3A_21] : memref<327680xi32, #tpu.memory_space<hbm>> -> memref<128xi32, #tpu.memory_space<hbm>>
    tpu.enqueue_dma source(%dma_start3A_23 : memref<128xi32, #tpu.memory_space<hbm>>) target(%arg8 : memref<128xi32, #tpu.memory_space<vmem>>) target_semaphore(%arg15 : memref<!tpu.dma_semaphore, #tpu.memory_space<semaphore_mem>>)
    %add3A_24 = arith.constant 1 : i32
    %add3A_25 = arith.addi %mul3A_6, %add3A_24 : i32
    %mul3A_26 = arith.constant 128 : i32
    %mul3A_27 = arith.muli %add3A_25, %mul3A_26 : i32
    %dma_start3A_28 = tpu.memref_slice %arg4[%mul3A_27] : memref<327680xi32, #tpu.memory_space<hbm>> -> memref<128xi32, #tpu.memory_space<hbm>>
    %dma_start3A_29 = tpu.memref_slice %arg4[%mul3A_27] : memref<327680xi32, #tpu.memory_space<hbm>> -> memref<128xi32, #tpu.memory_space<hbm>>
    tpu.enqueue_dma source(%dma_start3A_29 : memref<128xi32, #tpu.memory_space<hbm>>) target(%arg10 : memref<128xi32, #tpu.memory_space<vmem>>) target_semaphore(%arg15 : memref<!tpu.dma_semaphore, #tpu.memory_space<semaphore_mem>>)
    %add3A_30 = arith.constant 0 : i32
    %add3A_31 = arith.addi %mul3A_6, %add3A_30 : i32
    %mul3A_32 = arith.constant 128 : i32
    %mul3A_33 = arith.muli %add3A_31, %mul3A_32 : i32
    %dma_wait3A = tpu.memref_slice %arg3[%mul3A_33] : memref<327680xi32, #tpu.memory_space<hbm>> -> memref<128xi32, #tpu.memory_space<hbm>>
    %dma_wait3A_34 = tpu.memref_slice %arg3[%mul3A_33] : memref<327680xi32, #tpu.memory_space<hbm>> -> memref<128xi32, #tpu.memory_space<hbm>>
    tpu.wait_dma2 semaphore(%arg14 : memref<!tpu.dma_semaphore, #tpu.memory_space<semaphore_mem>>) src(%dma_wait3A_34 : memref<128xi32, #tpu.memory_space<hbm>>) dst(%arg7 : memref<128xi32, #tpu.memory_space<vmem>>)
    %add3A_35 = arith.constant 0 : i32
    %add3A_36 = arith.addi %mul3A_6, %add3A_35 : i32
    %mul3A_37 = arith.constant 128 : i32
    %mul3A_38 = arith.muli %add3A_36, %mul3A_37 : i32
    %dma_wait3A_39 = tpu.memref_slice %arg4[%mul3A_38] : memref<327680xi32, #tpu.memory_space<hbm>> -> memref<128xi32, #tpu.memory_space<hbm>>
    %dma_wait3A_40 = tpu.memref_slice %arg4[%mul3A_38] : memref<327680xi32, #tpu.memory_space<hbm>> -> memref<128xi32, #tpu.memory_space<hbm>>
    tpu.wait_dma2 semaphore(%arg14 : memref<!tpu.dma_semaphore, #tpu.memory_space<semaphore_mem>>) src(%dma_wait3A_40 : memref<128xi32, #tpu.memory_space<hbm>>) dst(%arg9 : memref<128xi32, #tpu.memory_space<vmem>>)
    %dma_start3A_41 = arith.constant 0 : i32
    %dma_start3A_42 = arith.constant 0 : i32
    %dma_start3A_43 = tpu.memref_slice %arg2[%dma_start3A_41, %dma_start3A_42] : memref<10240x128xf32, #tpu.memory_space<hbm>> -> memref<10240x128xf32, #tpu.memory_space<hbm>>
    tpu.enqueue_indirect_dma source(%dma_start3A_43 : memref<10240x128xf32, #tpu.memory_space<hbm>>) target(%arg11 : memref<128x128xf32, #tpu.memory_space<vmem>>) offsets(%arg7 : memref<128xi32, #tpu.memory_space<vmem>>) semaphore(%arg16 : memref<!tpu.dma_semaphore, #tpu.memory_space<semaphore_mem>>)
    %add3A_44 = arith.constant 1 : i32
    %add3A_45 = arith.addi %mul3A_6, %add3A_44 : i32
    %mul3A_46 = arith.constant 128 : i32
    %mul3A_47 = arith.muli %add3A_45, %mul3A_46 : i32
    %dma_wait3A_48 = tpu.memref_slice %arg3[%mul3A_47] : memref<327680xi32, #tpu.memory_space<hbm>> -> memref<128xi32, #tpu.memory_space<hbm>>
    %dma_wait3A_49 = tpu.memref_slice %arg3[%mul3A_47] : memref<327680xi32, #tpu.memory_space<hbm>> -> memref<128xi32, #tpu.memory_space<hbm>>
    tpu.wait_dma2 semaphore(%arg15 : memref<!tpu.dma_semaphore, #tpu.memory_space<semaphore_mem>>) src(%dma_wait3A_49 : memref<128xi32, #tpu.memory_space<hbm>>) dst(%arg8 : memref<128xi32, #tpu.memory_space<vmem>>)
    %add3A_50 = arith.constant 1 : i32
    %add3A_51 = arith.addi %mul3A_6, %add3A_50 : i32
    %mul3A_52 = arith.constant 128 : i32
    %mul3A_53 = arith.muli %add3A_51, %mul3A_52 : i32
    %dma_wait3A_54 = tpu.memref_slice %arg4[%mul3A_53] : memref<327680xi32, #tpu.memory_space<hbm>> -> memref<128xi32, #tpu.memory_space<hbm>>
    %dma_wait3A_55 = tpu.memref_slice %arg4[%mul3A_53] : memref<327680xi32, #tpu.memory_space<hbm>> -> memref<128xi32, #tpu.memory_space<hbm>>
    tpu.wait_dma2 semaphore(%arg15 : memref<!tpu.dma_semaphore, #tpu.memory_space<semaphore_mem>>) src(%dma_wait3A_55 : memref<128xi32, #tpu.memory_space<hbm>>) dst(%arg10 : memref<128xi32, #tpu.memory_space<vmem>>)
    %dma_start3A_56 = arith.constant 0 : i32
    %dma_start3A_57 = arith.constant 0 : i32
    %dma_start3A_58 = tpu.memref_slice %arg2[%dma_start3A_56, %dma_start3A_57] : memref<10240x128xf32, #tpu.memory_space<hbm>> -> memref<10240x128xf32, #tpu.memory_space<hbm>>
    tpu.enqueue_indirect_dma source(%dma_start3A_58 : memref<10240x128xf32, #tpu.memory_space<hbm>>) target(%arg12 : memref<128x128xf32, #tpu.memory_space<vmem>>) offsets(%arg8 : memref<128xi32, #tpu.memory_space<vmem>>) semaphore(%arg17 : memref<!tpu.dma_semaphore, #tpu.memory_space<semaphore_mem>>)
    %scan3A = arith.constant 0 : i32
    %scan3A_59 = arith.constant 0 : i32
    %scan3A_60 = arith.constant 40 : i32
    %scan3A_61 = arith.addi %scan3A_59, %scan3A_60 : i32
    %scan3A_62 = arith.constant 1 : i32
    scf.for %scan3A_69 = %scan3A_59 to %scan3A_61 step %scan3A_62  : i32 {
      %dma_wait3A_70 = arith.constant 0 : i32
      %dma_wait3A_71 = arith.constant 0 : i32
      %dma_wait3A_72 = tpu.memref_slice %arg2[%dma_wait3A_70, %dma_wait3A_71] : memref<10240x128xf32, #tpu.memory_space<hbm>> -> memref<10240x128xf32, #tpu.memory_space<hbm>>
      tpu.wait_indirect_dma semaphore(%arg16 : memref<!tpu.dma_semaphore, #tpu.memory_space<semaphore_mem>>) src(%dma_wait3A_72 : memref<10240x128xf32, #tpu.memory_space<hbm>>) dst(%arg11 : memref<128x128xf32, #tpu.memory_space<vmem>>)
      "tpu.region"() ({
        %run_scoped3A = tpu.sem_alloc : memref<!tpu.dma_semaphore, #tpu.memory_space<semaphore_mem>>
        %dma_start3A_117 = arith.constant 0 : i32
        %dma_start3A_118 = arith.constant 0 : i32
        %dma_start3A_119 = tpu.memref_slice %arg13[%dma_start3A_117, %dma_start3A_118] : memref<10240x128xf32, #tpu.memory_space<vmem_shared>> -> memref<10240x128xf32, #tpu.memory_space<vmem_shared>>
        tpu.enqueue_indirect_dma source(%arg11 : memref<128x128xf32, #tpu.memory_space<vmem>>) target(%dma_start3A_119 : memref<10240x128xf32, #tpu.memory_space<vmem_shared>>) offsets(%arg9 : memref<128xi32, #tpu.memory_space<vmem>>) semaphore(%run_scoped3A : memref<!tpu.dma_semaphore, #tpu.memory_space<semaphore_mem>>) {add = true}
        %dma_wait3A_120 = arith.constant 0 : i32
        %dma_wait3A_121 = arith.constant 0 : i32
        %dma_wait3A_122 = tpu.memref_slice %arg13[%dma_wait3A_120, %dma_wait3A_121] : memref<10240x128xf32, #tpu.memory_space<vmem_shared>> -> memref<10240x128xf32, #tpu.memory_space<vmem_shared>>
        tpu.wait_indirect_dma semaphore(%run_scoped3A : memref<!tpu.dma_semaphore, #tpu.memory_space<semaphore_mem>>) src(%arg11 : memref<128x128xf32, #tpu.memory_space<vmem>>) dst(%dma_wait3A_122 : memref<10240x128xf32, #tpu.memory_space<vmem_shared>>)
        tpu.yield
      }) : () -> ()
      %add3A_73 = arith.constant 1 : i32
      %add3A_74 = arith.addi %scan3A_69, %add3A_73 : i32
      %mul3A_75 = arith.constant 2 : i32
      %mul3A_76 = arith.muli %mul3A_75, %add3A_74 : i32
      %add3A_77 = arith.constant 0 : i32
      %add3A_78 = arith.addi %mul3A_76, %add3A_77 : i32
      %lt3A = arith.constant 80 : i32
      %lt3A_79 = arith.cmpi slt, %add3A_78, %lt3A : i32
      %convert_element_type3A = arith.extui %lt3A_79 : i1 to i32
      %cond3A = arith.constant 0 : i32
      %cond3A_80 = arith.cmpi ne, %convert_element_type3A, %cond3A : i32
      scf.if %cond3A_80 {
        %add3A_117 = arith.constant 1 : i32
        %add3A_118 = arith.addi %scan3A_69, %add3A_117 : i32
        %mul3A_119 = arith.constant 2 : i32
        %mul3A_120 = arith.muli %mul3A_119, %add3A_118 : i32
        %add3A_121 = arith.constant 0 : i32
        %add3A_122 = arith.addi %mul3A_120, %add3A_121 : i32
        %add3A_123 = arith.addi %mul3A_6, %add3A_122 : i32
        %mul3A_124 = arith.constant 128 : i32
        %mul3A_125 = arith.muli %add3A_123, %mul3A_124 : i32
        %dma_start3A_126 = tpu.memref_slice %arg3[%mul3A_125] : memref<327680xi32, #tpu.memory_space<hbm>> -> memref<128xi32, #tpu.memory_space<hbm>>
        %dma_start3A_127 = tpu.memref_slice %arg3[%mul3A_125] : memref<327680xi32, #tpu.memory_space<hbm>> -> memref<128xi32, #tpu.memory_space<hbm>>
        tpu.enqueue_dma source(%dma_start3A_127 : memref<128xi32, #tpu.memory_space<hbm>>) target(%arg7 : memref<128xi32, #tpu.memory_space<vmem>>) target_semaphore(%arg14 : memref<!tpu.dma_semaphore, #tpu.memory_space<semaphore_mem>>)
        %add3A_128 = arith.addi %mul3A_6, %add3A_122 : i32
        %mul3A_129 = arith.constant 128 : i32
        %mul3A_130 = arith.muli %add3A_128, %mul3A_129 : i32
        %dma_start3A_131 = tpu.memref_slice %arg4[%mul3A_130] : memref<327680xi32, #tpu.memory_space<hbm>> -> memref<128xi32, #tpu.memory_space<hbm>>
        %dma_start3A_132 = tpu.memref_slice %arg4[%mul3A_130] : memref<327680xi32, #tpu.memory_space<hbm>> -> memref<128xi32, #tpu.memory_space<hbm>>
        tpu.enqueue_dma source(%dma_start3A_132 : memref<128xi32, #tpu.memory_space<hbm>>) target(%arg9 : memref<128xi32, #tpu.memory_space<vmem>>) target_semaphore(%arg14 : memref<!tpu.dma_semaphore, #tpu.memory_space<semaphore_mem>>)
      } else {
      }
      %dma_wait3A_81 = arith.constant 0 : i32
      %dma_wait3A_82 = arith.constant 0 : i32
      %dma_wait3A_83 = tpu.memref_slice %arg2[%dma_wait3A_81, %dma_wait3A_82] : memref<10240x128xf32, #tpu.memory_space<hbm>> -> memref<10240x128xf32, #tpu.memory_space<hbm>>
      tpu.wait_indirect_dma semaphore(%arg17 : memref<!tpu.dma_semaphore, #tpu.memory_space<semaphore_mem>>) src(%dma_wait3A_83 : memref<10240x128xf32, #tpu.memory_space<hbm>>) dst(%arg12 : memref<128x128xf32, #tpu.memory_space<vmem>>)
      "tpu.region"() ({
        %run_scoped3A = tpu.sem_alloc : memref<!tpu.dma_semaphore, #tpu.memory_space<semaphore_mem>>
        %dma_start3A_117 = arith.constant 0 : i32
        %dma_start3A_118 = arith.constant 0 : i32
        %dma_start3A_119 = tpu.memref_slice %arg13[%dma_start3A_117, %dma_start3A_118] : memref<10240x128xf32, #tpu.memory_space<vmem_shared>> -> memref<10240x128xf32, #tpu.memory_space<vmem_shared>>
        tpu.enqueue_indirect_dma source(%arg12 : memref<128x128xf32, #tpu.memory_space<vmem>>) target(%dma_start3A_119 : memref<10240x128xf32, #tpu.memory_space<vmem_shared>>) offsets(%arg10 : memref<128xi32, #tpu.memory_space<vmem>>) semaphore(%run_scoped3A : memref<!tpu.dma_semaphore, #tpu.memory_space<semaphore_mem>>) {add = true}
        %dma_wait3A_120 = arith.constant 0 : i32
        %dma_wait3A_121 = arith.constant 0 : i32
        %dma_wait3A_122 = tpu.memref_slice %arg13[%dma_wait3A_120, %dma_wait3A_121] : memref<10240x128xf32, #tpu.memory_space<vmem_shared>> -> memref<10240x128xf32, #tpu.memory_space<vmem_shared>>
        tpu.wait_indirect_dma semaphore(%run_scoped3A : memref<!tpu.dma_semaphore, #tpu.memory_space<semaphore_mem>>) src(%arg12 : memref<128x128xf32, #tpu.memory_space<vmem>>) dst(%dma_wait3A_122 : memref<10240x128xf32, #tpu.memory_space<vmem_shared>>)
        tpu.yield
      }) : () -> ()
      %add3A_84 = arith.constant 1 : i32
      %add3A_85 = arith.addi %scan3A_69, %add3A_84 : i32
      %mul3A_86 = arith.constant 2 : i32
      %mul3A_87 = arith.muli %mul3A_86, %add3A_85 : i32
      %add3A_88 = arith.constant 1 : i32
      %add3A_89 = arith.addi %mul3A_87, %add3A_88 : i32
      %lt3A_90 = arith.constant 80 : i32
      %lt3A_91 = arith.cmpi slt, %add3A_89, %lt3A_90 : i32
      %convert_element_type3A_92 = arith.extui %lt3A_91 : i1 to i32
      %cond3A_93 = arith.constant 0 : i32
      %cond3A_94 = arith.cmpi ne, %convert_element_type3A_92, %cond3A_93 : i32
      scf.if %cond3A_94 {
        %add3A_117 = arith.constant 1 : i32
        %add3A_118 = arith.addi %scan3A_69, %add3A_117 : i32
        %mul3A_119 = arith.constant 2 : i32
        %mul3A_120 = arith.muli %mul3A_119, %add3A_118 : i32
        %add3A_121 = arith.constant 1 : i32
        %add3A_122 = arith.addi %mul3A_120, %add3A_121 : i32
        %add3A_123 = arith.addi %mul3A_6, %add3A_122 : i32
        %mul3A_124 = arith.constant 128 : i32
        %mul3A_125 = arith.muli %add3A_123, %mul3A_124 : i32
        %dma_start3A_126 = tpu.memref_slice %arg3[%mul3A_125] : memref<327680xi32, #tpu.memory_space<hbm>> -> memref<128xi32, #tpu.memory_space<hbm>>
        %dma_start3A_127 = tpu.memref_slice %arg3[%mul3A_125] : memref<327680xi32, #tpu.memory_space<hbm>> -> memref<128xi32, #tpu.memory_space<hbm>>
        tpu.enqueue_dma source(%dma_start3A_127 : memref<128xi32, #tpu.memory_space<hbm>>) target(%arg8 : memref<128xi32, #tpu.memory_space<vmem>>) target_semaphore(%arg15 : memref<!tpu.dma_semaphore, #tpu.memory_space<semaphore_mem>>)
        %add3A_128 = arith.addi %mul3A_6, %add3A_122 : i32
        %mul3A_129 = arith.constant 128 : i32
        %mul3A_130 = arith.muli %add3A_128, %mul3A_129 : i32
        %dma_start3A_131 = tpu.memref_slice %arg4[%mul3A_130] : memref<327680xi32, #tpu.memory_space<hbm>> -> memref<128xi32, #tpu.memory_space<hbm>>
        %dma_start3A_132 = tpu.memref_slice %arg4[%mul3A_130] : memref<327680xi32, #tpu.memory_space<hbm>> -> memref<128xi32, #tpu.memory_space<hbm>>
        tpu.enqueue_dma source(%dma_start3A_132 : memref<128xi32, #tpu.memory_space<hbm>>) target(%arg10 : memref<128xi32, #tpu.memory_space<vmem>>) target_semaphore(%arg15 : memref<!tpu.dma_semaphore, #tpu.memory_space<semaphore_mem>>)
      } else {
      }
      %add3A_95 = arith.constant 1 : i32
      %add3A_96 = arith.addi %scan3A_69, %add3A_95 : i32
      %mul3A_97 = arith.constant 2 : i32
      %mul3A_98 = arith.muli %mul3A_97, %add3A_96 : i32
      %add3A_99 = arith.constant 0 : i32
      %add3A_100 = arith.addi %mul3A_98, %add3A_99 : i32
      %lt3A_101 = arith.constant 80 : i32
      %lt3A_102 = arith.cmpi slt, %add3A_100, %lt3A_101 : i32
      %convert_element_type3A_103 = arith.extui %lt3A_102 : i1 to i32
      %cond3A_104 = arith.constant 0 : i32
      %cond3A_105 = arith.cmpi ne, %convert_element_type3A_103, %cond3A_104 : i32
      scf.if %cond3A_105 {
        %add3A_117 = arith.constant 1 : i32
        %add3A_118 = arith.addi %scan3A_69, %add3A_117 : i32
        %mul3A_119 = arith.constant 2 : i32
        %mul3A_120 = arith.muli %mul3A_119, %add3A_118 : i32
        %add3A_121 = arith.constant 0 : i32
        %add3A_122 = arith.addi %mul3A_120, %add3A_121 : i32
        %add3A_123 = arith.addi %mul3A_6, %add3A_122 : i32
        %mul3A_124 = arith.constant 128 : i32
        %mul3A_125 = arith.muli %add3A_123, %mul3A_124 : i32
        %dma_wait3A_126 = tpu.memref_slice %arg3[%mul3A_125] : memref<327680xi32, #tpu.memory_space<hbm>> -> memref<128xi32, #tpu.memory_space<hbm>>
        %dma_wait3A_127 = tpu.memref_slice %arg3[%mul3A_125] : memref<327680xi32, #tpu.memory_space<hbm>> -> memref<128xi32, #tpu.memory_space<hbm>>
        tpu.wait_dma2 semaphore(%arg14 : memref<!tpu.dma_semaphore, #tpu.memory_space<semaphore_mem>>) src(%dma_wait3A_127 : memref<128xi32, #tpu.memory_space<hbm>>) dst(%arg7 : memref<128xi32, #tpu.memory_space<vmem>>)
        %add3A_128 = arith.addi %mul3A_6, %add3A_122 : i32
        %mul3A_129 = arith.constant 128 : i32
        %mul3A_130 = arith.muli %add3A_128, %mul3A_129 : i32
        %dma_wait3A_131 = tpu.memref_slice %arg4[%mul3A_130] : memref<327680xi32, #tpu.memory_space<hbm>> -> memref<128xi32, #tpu.memory_space<hbm>>
        %dma_wait3A_132 = tpu.memref_slice %arg4[%mul3A_130] : memref<327680xi32, #tpu.memory_space<hbm>> -> memref<128xi32, #tpu.memory_space<hbm>>
        tpu.wait_dma2 semaphore(%arg14 : memref<!tpu.dma_semaphore, #tpu.memory_space<semaphore_mem>>) src(%dma_wait3A_132 : memref<128xi32, #tpu.memory_space<hbm>>) dst(%arg9 : memref<128xi32, #tpu.memory_space<vmem>>)
        %dma_start3A_133 = arith.constant 0 : i32
        %dma_start3A_134 = arith.constant 0 : i32
        %dma_start3A_135 = tpu.memref_slice %arg2[%dma_start3A_133, %dma_start3A_134] : memref<10240x128xf32, #tpu.memory_space<hbm>> -> memref<10240x128xf32, #tpu.memory_space<hbm>>
        tpu.enqueue_indirect_dma source(%dma_start3A_135 : memref<10240x128xf32, #tpu.memory_space<hbm>>) target(%arg11 : memref<128x128xf32, #tpu.memory_space<vmem>>) offsets(%arg7 : memref<128xi32, #tpu.memory_space<vmem>>) semaphore(%arg16 : memref<!tpu.dma_semaphore, #tpu.memory_space<semaphore_mem>>)
      } else {
      }
      %add3A_106 = arith.constant 1 : i32
      %add3A_107 = arith.addi %scan3A_69, %add3A_106 : i32
      %mul3A_108 = arith.constant 2 : i32
      %mul3A_109 = arith.muli %mul3A_108, %add3A_107 : i32
      %add3A_110 = arith.constant 1 : i32
      %add3A_111 = arith.addi %mul3A_109, %add3A_110 : i32
      %lt3A_112 = arith.constant 80 : i32
      %lt3A_113 = arith.cmpi slt, %add3A_111, %lt3A_112 : i32
      %convert_element_type3A_114 = arith.extui %lt3A_113 : i1 to i32
      %cond3A_115 = arith.constant 0 : i32
      %cond3A_116 = arith.cmpi ne, %convert_element_type3A_114, %cond3A_115 : i32
      scf.if %cond3A_116 {
        %add3A_117 = arith.constant 1 : i32
        %add3A_118 = arith.addi %scan3A_69, %add3A_117 : i32
        %mul3A_119 = arith.constant 2 : i32
        %mul3A_120 = arith.muli %mul3A_119, %add3A_118 : i32
        %add3A_121 = arith.constant 1 : i32
        %add3A_122 = arith.addi %mul3A_120, %add3A_121 : i32
        %add3A_123 = arith.addi %mul3A_6, %add3A_122 : i32
        %mul3A_124 = arith.constant 128 : i32
        %mul3A_125 = arith.muli %add3A_123, %mul3A_124 : i32
        %dma_wait3A_126 = tpu.memref_slice %arg3[%mul3A_125] : memref<327680xi32, #tpu.memory_space<hbm>> -> memref<128xi32, #tpu.memory_space<hbm>>
        %dma_wait3A_127 = tpu.memref_slice %arg3[%mul3A_125] : memref<327680xi32, #tpu.memory_space<hbm>> -> memref<128xi32, #tpu.memory_space<hbm>>
        tpu.wait_dma2 semaphore(%arg15 : memref<!tpu.dma_semaphore, #tpu.memory_space<semaphore_mem>>) src(%dma_wait3A_127 : memref<128xi32, #tpu.memory_space<hbm>>) dst(%arg8 : memref<128xi32, #tpu.memory_space<vmem>>)
        %add3A_128 = arith.addi %mul3A_6, %add3A_122 : i32
        %mul3A_129 = arith.constant 128 : i32
        %mul3A_130 = arith.muli %add3A_128, %mul3A_129 : i32
        %dma_wait3A_131 = tpu.memref_slice %arg4[%mul3A_130] : memref<327680xi32, #tpu.memory_space<hbm>> -> memref<128xi32, #tpu.memory_space<hbm>>
        %dma_wait3A_132 = tpu.memref_slice %arg4[%mul3A_130] : memref<327680xi32, #tpu.memory_space<hbm>> -> memref<128xi32, #tpu.memory_space<hbm>>
        tpu.wait_dma2 semaphore(%arg15 : memref<!tpu.dma_semaphore, #tpu.memory_space<semaphore_mem>>) src(%dma_wait3A_132 : memref<128xi32, #tpu.memory_space<hbm>>) dst(%arg10 : memref<128xi32, #tpu.memory_space<vmem>>)
        %dma_start3A_133 = arith.constant 0 : i32
        %dma_start3A_134 = arith.constant 0 : i32
        %dma_start3A_135 = tpu.memref_slice %arg2[%dma_start3A_133, %dma_start3A_134] : memref<10240x128xf32, #tpu.memory_space<hbm>> -> memref<10240x128xf32, #tpu.memory_space<hbm>>
        tpu.enqueue_indirect_dma source(%dma_start3A_135 : memref<10240x128xf32, #tpu.memory_space<hbm>>) target(%arg12 : memref<128x128xf32, #tpu.memory_space<vmem>>) offsets(%arg8 : memref<128xi32, #tpu.memory_space<vmem>>) semaphore(%arg17 : memref<!tpu.dma_semaphore, #tpu.memory_space<semaphore_mem>>)
      } else {
      }
    }
    %scan3A_63 = arith.constant 40 : i32
    %barrier3A_64 = arith.constant 0 : index
    tpu.barrier barrier_id(%barrier3A_64)
    %mul3A_65 = arith.constant 640 : i32
    %mul3A_66 = arith.muli %arg1, %mul3A_65 : i32
    %mul3A_67 = arith.constant 640 : i32
    %mul3A_68 = arith.muli %arg1, %mul3A_67 : i32
    "tpu.region"() ({
      %run_scoped3A = tpu.sem_alloc : memref<!tpu.dma_semaphore, #tpu.memory_space<semaphore_mem>>
      %dma_start3A_69 = arith.constant 0 : i32
      %dma_start3A_70 = tpu.memref_slice %arg6[%arg0, %mul3A_68, %dma_start3A_69] : memref<2x10240x128xf32, #tpu.memory_space<hbm>> -> memref<1x640x128xf32, #tpu.memory_space<hbm>>
      %dma_start3A_71 = tpu.memref_squeeze %dma_start3A_70 : memref<1x640x128xf32, #tpu.memory_space<hbm>> -> memref<640x128xf32, #tpu.memory_space<hbm>>
      %dma_start3A_72 = arith.constant 0 : i32
      %dma_start3A_73 = tpu.memref_slice %arg13[%mul3A_66, %dma_start3A_72] : memref<10240x128xf32, #tpu.memory_space<vmem_shared>> -> memref<640x128xf32, #tpu.memory_space<vmem_shared>>
      tpu.enqueue_dma source(%dma_start3A_73 : memref<640x128xf32, #tpu.memory_space<vmem_shared>>) target(%dma_start3A_71 : memref<640x128xf32, #tpu.memory_space<hbm>>) target_semaphore(%run_scoped3A : memref<!tpu.dma_semaphore, #tpu.memory_space<semaphore_mem>>)
      %dma_wait3A_74 = arith.constant 0 : i32
      %dma_wait3A_75 = tpu.memref_slice %arg6[%arg0, %mul3A_68, %dma_wait3A_74] : memref<2x10240x128xf32, #tpu.memory_space<hbm>> -> memref<1x640x128xf32, #tpu.memory_space<hbm>>
      %dma_wait3A_76 = tpu.memref_squeeze %dma_wait3A_75 : memref<1x640x128xf32, #tpu.memory_space<hbm>> -> memref<640x128xf32, #tpu.memory_space<hbm>>
      %dma_wait3A_77 = arith.constant 0 : i32
      %dma_wait3A_78 = tpu.memref_slice %arg13[%mul3A_66, %dma_wait3A_77] : memref<10240x128xf32, #tpu.memory_space<vmem_shared>> -> memref<640x128xf32, #tpu.memory_space<vmem_shared>>
      tpu.wait_dma2 semaphore(%run_scoped3A : memref<!tpu.dma_semaphore, #tpu.memory_space<semaphore_mem>>) src(%dma_wait3A_78 : memref<640x128xf32, #tpu.memory_space<vmem_shared>>) dst(%dma_wait3A_76 : memref<640x128xf32, #tpu.memory_space<hbm>>)
      tpu.yield
    }) : () -> ()
    return
  }
}

module attributes {stable_mosaic.version = 14 : i64} {
  func.func @_tc1_body(%arg0: memref<10240x2xf32, #tpu.memory_space<vmem>>, %arg1: memref<10240x128xf32, #tpu.memory_space<vmem>>, %arg2: memref<128x128xf32, #tpu.memory_space<vmem>>, %arg3: memref<10240x128xf32, #tpu.memory_space<vmem>>, %arg4: memref<10240x1xf32, #tpu.memory_space<vmem>>, %arg5: memref<10240x1xf32, #tpu.memory_space<vmem>>) attributes {dimension_semantics = [], scalar_prefetch = 0 : i64, scratch_operands = 0 : i64, tpu.core_type = #tpu.core_type<tc>} {
    %get3A = arith.constant 0 : index
    %get3A_0 = arith.constant 0 : index
    %get3A_1 = vector.load %arg0[%get3A, %get3A_0] : memref<10240x2xf32, #tpu.memory_space<vmem>>, vector<10240x2xf32>
    %max3A = arith.constant 1.000000e+00 : f32
    %max3A_2 = vector.broadcast %max3A : f32 to vector<10240x2xf32>
    %max3A_3 = arith.maximumf %get3A_1, %max3A_2 : vector<10240x2xf32>
    %rsqrt3A = math.rsqrt %max3A_3 : vector<10240x2xf32>
    %slice3A = vector.extract_strided_slice %rsqrt3A {offsets = [0, 0], sizes = [10240, 1], strides = [1, 1]} : vector<10240x2xf32> to vector<10240x1xf32>
    %slice3A_4 = vector.extract_strided_slice %rsqrt3A {offsets = [0, 1], sizes = [10240, 1], strides = [1, 1]} : vector<10240x2xf32> to vector<10240x1xf32>
    %swap3A = arith.constant 0 : index
    %swap3A_5 = arith.constant 0 : index
    %swap3A_6 = vector.load %arg4[%swap3A, %swap3A_5] : memref<10240x1xf32, #tpu.memory_space<vmem>>, vector<10240x1xf32>
    tpu.vector_store %arg4[%swap3A, %swap3A_5], %slice3A {strides = array<i32>} : memref<10240x1xf32, #tpu.memory_space<vmem>>, vector<10240x1xf32>,
    %swap3A_7 = arith.constant 0 : index
    %swap3A_8 = arith.constant 0 : index
    %swap3A_9 = vector.load %arg5[%swap3A_7, %swap3A_8] : memref<10240x1xf32, #tpu.memory_space<vmem>>, vector<10240x1xf32>
    tpu.vector_store %arg5[%swap3A_7, %swap3A_8], %slice3A_4 {strides = array<i32>} : memref<10240x1xf32, #tpu.memory_space<vmem>>, vector<10240x1xf32>,
    %get3A_10 = arith.constant 0 : index
    %get3A_11 = arith.constant 0 : index
    %get3A_12 = vector.load %arg1[%get3A_10, %get3A_11] : memref<10240x128xf32, #tpu.memory_space<vmem>>, vector<10240x128xf32>
    %mul3A = vector.broadcast %slice3A : vector<10240x1xf32> to vector<10240x128xf32>
    %mul3A_13 = arith.mulf %get3A_12, %mul3A : vector<10240x128xf32>
    %get3A_14 = arith.constant 0 : index
    %get3A_15 = arith.constant 0 : index
    %get3A_16 = vector.load %arg2[%get3A_14, %get3A_15] : memref<128x128xf32, #tpu.memory_space<vmem>>, vector<128x128xf32>
    %dot_general3A = arith.constant dense<0.000000e+00> : vector<10240x128xf32>
    %dot_general3A_17 = tpu.matmul %mul3A_13, %get3A_16, %dot_general3A {dimension_numbers = #tpu.dot_dimension_numbers<[1], [0], [0], [1], [0, 0, 1, 1], [], []>, transpose_lhs_hint = false} : vector<10240x128xf32>, vector<128x128xf32>, vector<10240x128xf32> -> vector<10240x128xf32>
    %swap3A_18 = arith.constant 0 : index
    %swap3A_19 = arith.constant 0 : index
    %swap3A_20 = vector.load %arg3[%swap3A_18, %swap3A_19] : memref<10240x128xf32, #tpu.memory_space<vmem>>, vector<10240x128xf32>
    tpu.vector_store %arg3[%swap3A_18, %swap3A_19], %dot_general3A_17 {strides = array<i32>} : memref<10240x128xf32, #tpu.memory_space<vmem>>, vector<10240x128xf32>,
    return
  }
}

module attributes {stable_mosaic.version = 14 : i64} {
  func.func @_tc2_body(%arg0: memref<2x10240x128xf32, #tpu.memory_space<vmem>>, %arg1: memref<10240x1xf32, #tpu.memory_space<vmem>>, %arg2: memref<128xf32, #tpu.memory_space<vmem>>, %arg3: memref<10240x1xf32, #tpu.memory_space<vmem>>, %arg4: memref<128x128xf32, #tpu.memory_space<vmem>>, %arg5: memref<10240x128xf32, #tpu.memory_space<vmem>>) attributes {dimension_semantics = [], scalar_prefetch = 0 : i64, scratch_operands = 0 : i64, tpu.core_type = #tpu.core_type<tc>} {
    %get3A = arith.constant 0 : index
    %get3A_0 = arith.constant 0 : index
    %get3A_1 = arith.constant 0 : index
    %get3A_2 = vector.load %arg0[%get3A, %get3A_0, %get3A_1] : memref<2x10240x128xf32, #tpu.memory_space<vmem>>, vector<1x10240x128xf32>
    %get3A_3 = vector.shape_cast %get3A_2 : vector<1x10240x128xf32> to vector<10240x128xf32>
    %get3A_4 = arith.constant 1 : index
    %get3A_5 = arith.constant 0 : index
    %get3A_6 = arith.constant 0 : index
    %get3A_7 = vector.load %arg0[%get3A_4, %get3A_5, %get3A_6] : memref<2x10240x128xf32, #tpu.memory_space<vmem>>, vector<1x10240x128xf32>
    %get3A_8 = vector.shape_cast %get3A_7 : vector<1x10240x128xf32> to vector<10240x128xf32>
    %add3A = arith.addf %get3A_3, %get3A_8 : vector<10240x128xf32>
    %get3A_9 = arith.constant 0 : index
    %get3A_10 = arith.constant 0 : index
    %get3A_11 = vector.load %arg1[%get3A_9, %get3A_10] : memref<10240x1xf32, #tpu.memory_space<vmem>>, vector<10240x1xf32>
    %mul3A = vector.broadcast %get3A_11 : vector<10240x1xf32> to vector<10240x128xf32>
    %mul3A_12 = arith.mulf %add3A, %mul3A : vector<10240x128xf32>
    %get3A_13 = arith.constant 0 : index
    %get3A_14 = vector.load %arg2[%get3A_13] : memref<128xf32, #tpu.memory_space<vmem>>, vector<128xf32>
    %broadcast_in_dim3A = vector.shape_cast %get3A_14 : vector<128xf32> to vector<1x128xf32>
    %add3A_15 = vector.broadcast %broadcast_in_dim3A : vector<1x128xf32> to vector<10240x128xf32>
    %add3A_16 = arith.addf %mul3A_12, %add3A_15 : vector<10240x128xf32>
    %max3A = arith.constant 0.000000e+00 : f32
    %max3A_17 = vector.broadcast %max3A : f32 to vector<10240x128xf32>
    %max3A_18 = arith.maximumf %add3A_16, %max3A_17 : vector<10240x128xf32>
    %get3A_19 = arith.constant 0 : index
    %get3A_20 = arith.constant 0 : index
    %get3A_21 = vector.load %arg3[%get3A_19, %get3A_20] : memref<10240x1xf32, #tpu.memory_space<vmem>>, vector<10240x1xf32>
    %mul3A_22 = vector.broadcast %get3A_21 : vector<10240x1xf32> to vector<10240x128xf32>
    %mul3A_23 = arith.mulf %max3A_18, %mul3A_22 : vector<10240x128xf32>
    %get3A_24 = arith.constant 0 : index
    %get3A_25 = arith.constant 0 : index
    %get3A_26 = vector.load %arg4[%get3A_24, %get3A_25] : memref<128x128xf32, #tpu.memory_space<vmem>>, vector<128x128xf32>
    %dot_general3A = arith.constant dense<0.000000e+00> : vector<10240x128xf32>
    %dot_general3A_27 = tpu.matmul %mul3A_23, %get3A_26, %dot_general3A {dimension_numbers = #tpu.dot_dimension_numbers<[1], [0], [0], [1], [0, 0, 1, 1], [], []>, transpose_lhs_hint = false} : vector<10240x128xf32>, vector<128x128xf32>, vector<10240x128xf32> -> vector<10240x128xf32>
    %swap3A = arith.constant 0 : index
    %swap3A_28 = arith.constant 0 : index
    %swap3A_29 = vector.load %arg5[%swap3A, %swap3A_28] : memref<10240x128xf32, #tpu.memory_space<vmem>>, vector<10240x128xf32>
    tpu.vector_store %arg5[%swap3A, %swap3A_28], %dot_general3A_27 {strides = array<i32>} : memref<10240x128xf32, #tpu.memory_space<vmem>>, vector<10240x128xf32>,
    return
  }
}

module attributes {stable_mosaic.version = 14 : i64} {
  func.func @_tc3_body(%arg0: memref<2x10240x128xf32, #tpu.memory_space<vmem>>, %arg1: memref<10240x1xf32, #tpu.memory_space<vmem>>, %arg2: memref<128xf32, #tpu.memory_space<vmem>>, %arg3: memref<128x64xf32, #tpu.memory_space<vmem>>, %arg4: memref<64xf32, #tpu.memory_space<vmem>>, %arg5: memref<128x128xf32, #tpu.memory_space<vmem>>, %arg6: memref<128xf32, #tpu.memory_space<vmem>>, %arg7: memref<10240x64xf32, #tpu.memory_space<vmem>>, %arg8: memref<10240x128xf32, #tpu.memory_space<vmem>>) attributes {dimension_semantics = [], scalar_prefetch = 0 : i64, scratch_operands = 0 : i64, tpu.core_type = #tpu.core_type<tc>} {
    %get3A = arith.constant 0 : index
    %get3A_0 = arith.constant 0 : index
    %get3A_1 = arith.constant 0 : index
    %get3A_2 = vector.load %arg0[%get3A, %get3A_0, %get3A_1] : memref<2x10240x128xf32, #tpu.memory_space<vmem>>, vector<1x10240x128xf32>
    %get3A_3 = vector.shape_cast %get3A_2 : vector<1x10240x128xf32> to vector<10240x128xf32>
    %get3A_4 = arith.constant 1 : index
    %get3A_5 = arith.constant 0 : index
    %get3A_6 = arith.constant 0 : index
    %get3A_7 = vector.load %arg0[%get3A_4, %get3A_5, %get3A_6] : memref<2x10240x128xf32, #tpu.memory_space<vmem>>, vector<1x10240x128xf32>
    %get3A_8 = vector.shape_cast %get3A_7 : vector<1x10240x128xf32> to vector<10240x128xf32>
    %add3A = arith.addf %get3A_3, %get3A_8 : vector<10240x128xf32>
    %get3A_9 = arith.constant 0 : index
    %get3A_10 = arith.constant 0 : index
    %get3A_11 = vector.load %arg1[%get3A_9, %get3A_10] : memref<10240x1xf32, #tpu.memory_space<vmem>>, vector<10240x1xf32>
    %mul3A = vector.broadcast %get3A_11 : vector<10240x1xf32> to vector<10240x128xf32>
    %mul3A_12 = arith.mulf %add3A, %mul3A : vector<10240x128xf32>
    %get3A_13 = arith.constant 0 : index
    %get3A_14 = vector.load %arg2[%get3A_13] : memref<128xf32, #tpu.memory_space<vmem>>, vector<128xf32>
    %broadcast_in_dim3A = vector.shape_cast %get3A_14 : vector<128xf32> to vector<1x128xf32>
    %add3A_15 = vector.broadcast %broadcast_in_dim3A : vector<1x128xf32> to vector<10240x128xf32>
    %add3A_16 = arith.addf %mul3A_12, %add3A_15 : vector<10240x128xf32>
    %max3A = arith.constant 0.000000e+00 : f32
    %max3A_17 = vector.broadcast %max3A : f32 to vector<10240x128xf32>
    %max3A_18 = arith.maximumf %add3A_16, %max3A_17 : vector<10240x128xf32>
    %get3A_19 = arith.constant 0 : index
    %get3A_20 = arith.constant 0 : index
    %get3A_21 = vector.load %arg3[%get3A_19, %get3A_20] : memref<128x64xf32, #tpu.memory_space<vmem>>, vector<128x64xf32>
    %dot_general3A = arith.constant dense<0.000000e+00> : vector<10240x64xf32>
    %dot_general3A_22 = tpu.matmul %max3A_18, %get3A_21, %dot_general3A {dimension_numbers = #tpu.dot_dimension_numbers<[1], [0], [0], [1], [0, 0, 1, 1], [], []>, transpose_lhs_hint = false} : vector<10240x128xf32>, vector<128x64xf32>, vector<10240x64xf32> -> vector<10240x64xf32>
    %get3A_23 = arith.constant 0 : index
    %get3A_24 = vector.load %arg4[%get3A_23] : memref<64xf32, #tpu.memory_space<vmem>>, vector<64xf32>
    %broadcast_in_dim3A_25 = vector.shape_cast %get3A_24 : vector<64xf32> to vector<1x64xf32>
    %add3A_26 = vector.broadcast %broadcast_in_dim3A_25 : vector<1x64xf32> to vector<10240x64xf32>
    %add3A_27 = arith.addf %dot_general3A_22, %add3A_26 : vector<10240x64xf32>
    %swap3A = arith.constant 0 : index
    %swap3A_28 = arith.constant 0 : index
    %swap3A_29 = vector.load %arg7[%swap3A, %swap3A_28] : memref<10240x64xf32, #tpu.memory_space<vmem>>, vector<10240x64xf32>
    tpu.vector_store %arg7[%swap3A, %swap3A_28], %add3A_27 {strides = array<i32>} : memref<10240x64xf32, #tpu.memory_space<vmem>>, vector<10240x64xf32>,
    %get3A_30 = arith.constant 0 : index
    %get3A_31 = arith.constant 0 : index
    %get3A_32 = vector.load %arg5[%get3A_30, %get3A_31] : memref<128x128xf32, #tpu.memory_space<vmem>>, vector<128x128xf32>
    %dot_general3A_33 = arith.constant dense<0.000000e+00> : vector<10240x128xf32>
    %dot_general3A_34 = tpu.matmul %max3A_18, %get3A_32, %dot_general3A_33 {dimension_numbers = #tpu.dot_dimension_numbers<[1], [0], [0], [1], [0, 0, 1, 1], [], []>, transpose_lhs_hint = false} : vector<10240x128xf32>, vector<128x128xf32>, vector<10240x128xf32> -> vector<10240x128xf32>
    %get3A_35 = arith.constant 0 : index
    %get3A_36 = vector.load %arg6[%get3A_35] : memref<128xf32, #tpu.memory_space<vmem>>, vector<128xf32>
    %broadcast_in_dim3A_37 = vector.shape_cast %get3A_36 : vector<128xf32> to vector<1x128xf32>
    %add3A_38 = vector.broadcast %broadcast_in_dim3A_37 : vector<1x128xf32> to vector<10240x128xf32>
    %add3A_39 = arith.addf %dot_general3A_34, %add3A_38 : vector<10240x128xf32>
    %swap3A_40 = arith.constant 0 : index
    %swap3A_41 = arith.constant 0 : index
    %swap3A_42 = vector.load %arg8[%swap3A_40, %swap3A_41] : memref<10240x128xf32, #tpu.memory_space<vmem>>, vector<10240x128xf32>
    tpu.vector_store %arg8[%swap3A_40, %swap3A_41], %add3A_39 {strides = array<i32>} : memref<10240x128xf32, #tpu.memory_space<vmem>>, vector<10240x128xf32>,
    return
  }
}

</mosaic_0001>

<sc_bundles>
// kernel: kernel.11.cloned.1.call-start
scs
__scs_entry_jumppad:
0x0: {  	(pc) =	sbr.rel $0x88, $3  }
0x1: {  	(tag) =	ssettag $0x0;
	lr =	simm.s32 $0x1  }
0x2: {  	[smem:$0x3F97] =	sst lr;
	_ =	strace $0xD0000000  }
0x3: {  	_ = 	snop  }
0x4: {  	_ = 	snop  }
0x5: {  	_ = 	snop  }
0x6: {  	_ = 	snop  }
0x7: {  	_ = 	snop  }
__scs_overlays_trampoline_lowered:
0x8: {  	[smem:$0x3FA6] =	sst s0  }
0x9: {  	[smem:$0x3FA7] =	sst s1  }
0xa: {  	[smem:$0x3FA8] =	sst s2  }
0xb: {  	[smem:$0x3FA9] =	sst s3  }
0xc: {  	[smem:$0x3FAA] =	sst s4  }
0xd: {  	[smem:$0x3FAB] =	sst s5  }
0xe: {  	[smem:$0x3FAC] =	sst s6  }
0xf: {  	[smem:$0x3FAD] =	sst s7  }
0x10: {  	[smem:$0x3FAE] =	sst s8  }
0x11: {  	[smem:$0x3FAF] =	sst s9;
	s0 =	simm.s32 @!p0 $0x0  }
0x12: {  	s1 =	sld [smem:$0x3F95];
	s0 =	simm.s32 @p0 $0x1  }
0x13: {  	[smem:$0x3FB0] =	sst s0;
	s0 =	simm.s32 @!p1 $0x0  }
0x14: {  	s2 =	sld [smem:$0x3F94];
	s0 =	simm.s32 @p1 $0x1  }
0x15: {  	[smem:$0x3FB1] =	sst s0;
	s0 =	simm.s32 @!p2 $0x0  }
0x16: {  	s3 =	sld [smem:$0x3FDB];
	s0 =	simm.s32 @p2 $0x1  }
0x17: {  	s4 =	simm.s32 $0x1BF5;
	[smem:$0x3FB3] =	sst s0  }
0x18: {  	s0 =	sld [smem:$0x3F96];
	_ =	swait.ge [sflag:s4], $0x0  }
0x19: {  	s7 =	sld [smem:$0x3F97]  }
0x1a: {  	s8 =	sadd.s32 $0xFFFFE003, lr  }
0x1b: {  	s9 =	sadd.s32 $0xFFFFFEF7, lr;
	s5 =	simm.s32 $0xFFFFFFFF;
	p2 =	slt.u32 s8, $0xFFFFF086  }
0x1c: {  	p1 =	slt.u32 s9, $0xF7A;
	s5 =	simm.s32 @!p2 $0x0  }
0x1d: {  	s5 =	simm.s32 @p1 $0x1;
	p0 =	seq.s32 s7, s2  }
0x1e: {  	s7 =	smul.u32 @!p0 $0xF7A, s2;
	p2 =	seq.s32 @!p0 s5, $0x0  }
0x1f: {  	s9 =	smul.u32 $0xF7A, s1;
	s8 =	simm.s32 @!p0 $0x1BF5;
	p2 =	por !p2, p0  }
0x20: {  	[sflag:s8] =	ssyncset.s32 @!p0 $0xFFFFF086;
	s6 =	sadd.s32 @!p0 s3, s7;
	s7 =	simm.s32 @!p0 $0x108  }
0x21: {  	s3 =	sadd.s32 s3, s9;
	s6 =	sadd.s32 @!p0 $0x88, s6;
	s7 =	simm.s32 @p2 $0x1082  }
0x22: {  	[simem:s7], [sflag:s8] =	dma.local @!p0 [hbm:s6], $0xF7A  }
0x23: {  	s9 =	sor.u32 $0xD0000000, s2;
	s6 =	simm.s32 $0x108;
	_ =	swait.ge @!p0 [sflag:s8], $0x0  }
0x24: {  	s3 =	sadd.s32 $0x88, s3;
	s6 =	simm.s32 @!p1 $0x1082;
	[sflag:s4] =	ssyncset.s32 $0xFFFFF086  }
0x25: {  	[simem:s6], [sflag:s4] =	dma.local [hbm:s3], $0xF7A  }
0x26: {  	[smem:$0x3F97] =	sst s1;
	(tag) =	ssettag s2;
	_ =	strace s9  }
0x27: {  	s1 =	sld [smem:$0x3FA7]  }
0x28: {  	s2 =	sld [smem:$0x3FA8]  }
0x29: {  	s4 =	sld [smem:$0x3FAA]  }
0x2a: {  	p0 =	seq.s32 s5, $0x0;
	s5 =	sld [smem:$0x3FAB]  }
0x2b: {  	s6 =	sld [smem:$0x3FAC]  }
0x2c: {  	s7 =	sld [smem:$0x3FAD]  }
0x2d: {  	s3 =	simm.s32 $0x108;
	s8 =	sld [smem:$0x3FAE]  }
0x2e: {  	s3 =	simm.s32 @!p0 $0x1082;
	s9 =	sld [smem:$0x3FAF]  }
0x2f: {  	lr =	sadd.s32 s0, s3;
	s0 =	sld [smem:$0x3FA6]  }
0x30: {  	s3 =	sld [smem:$0x3FA9]  }
0x31: {  	[smem:$0x3FB2] =	sst s10  }
0x32: {  	s10 =	sld [smem:$0x3FB0];
	_ =	sdelay $0x3  }
0x33: {  	p0 =	seq.s32 s10, $0x1;
	s10 =	sld [smem:$0x3FB2];
	_ =	sdelay $0x3  }
0x34: {  	[smem:$0x3FB2] =	sst s10  }
0x35: {  	s10 =	sld [smem:$0x3FB1];
	_ =	sdelay $0x3  }
0x36: {  	p1 =	seq.s32 s10, $0x1;
	s10 =	sld [smem:$0x3FB2];
	_ =	sdelay $0x3  }
0x37: {  	[smem:$0x3FB2] =	sst s10  }
0x38: {  	s10 =	sld [smem:$0x3FB3]  }
0x39: {  	_ = 	snop;
	(pc) =	sbr.ind lr, $3  }
0x3a: {  	_ = 	snop  }
0x3b: {  	_ = 	snop  }
0x3c: {  	p2 =	seq.s32 s10, $0x1;
	s10 =	sld [smem:$0x3FB2]  }
0x3d: {  	_ =	shalt  }
0x3e: {  	_ =	shalt  }
0x3f: {  	_ =	shalt  }
0x40: {  	_ =	shalt  }
0x41: {  	_ =	shalt  }
0x42: {  	_ =	shalt  }
0x43: {  	_ =	shalt  }
0x44: {  	_ =	shalt  }
0x45: {  	_ =	shalt  }
0x46: {  	_ =	shalt  }
0x47: {  	_ =	shalt  }
0x48: {  	_ =	shalt  }
0x49: {  	_ =	shalt  }
0x4a: {  	_ =	shalt  }
0x4b: {  	_ =	shalt  }
0x4c: {  	_ =	shalt  }
0x4d: {  	_ =	shalt  }
0x4e: {  	_ =	shalt  }
0x4f: {  	_ =	shalt  }
0x50: {  	_ =	shalt  }
0x51: {  	_ =	shalt  }
0x52: {  	_ =	shalt  }
0x53: {  	_ =	shalt  }
0x54: {  	_ =	shalt  }
0x55: {  	_ =	shalt  }
0x56: {  	_ =	shalt  }
0x57: {  	_ =	shalt  }
0x58: {  	_ =	shalt  }
0x59: {  	_ =	shalt  }
0x5a: {  	_ =	shalt  }
0x5b: {  	_ =	shalt  }
0x5c: {  	_ =	shalt  }
0x5d: {  	_ =	shalt  }
0x5e: {  	_ =	shalt  }
0x5f: {  	_ =	shalt  }
0x60: {  	_ =	shalt  }
0x61: {  	_ =	shalt  }
0x62: {  	_ =	shalt  }
0x63: {  	_ =	shalt  }
0x64: {  	_ =	shalt  }
0x65: {  	_ =	shalt  }
0x66: {  	_ =	shalt  }
0x67: {  	_ =	shalt  }
0x68: {  	_ =	shalt  }
0x69: {  	_ =	shalt  }
0x6a: {  	_ =	shalt  }
0x6b: {  	_ =	shalt  }
0x6c: {  	_ =	shalt  }
0x6d: {  	_ =	shalt  }
0x6e: {  	_ =	shalt  }
0x6f: {  	_ =	shalt  }
0x70: {  	_ =	shalt  }
0x71: {  	_ =	shalt  }
0x72: {  	_ =	shalt  }
0x73: {  	_ =	shalt  }
0x74: {  	_ =	shalt  }
0x75: {  	_ =	shalt  }
0x76: {  	_ =	shalt  }
0x77: {  	_ =	shalt  }
0x78: {  	_ =	shalt  }
0x79: {  	_ =	shalt  }
0x7a: {  	_ =	shalt  }
0x7b: {  	_ =	shalt  }
0x7c: {  	_ =	shalt  }
0x7d: {  	_ =	shalt  }
0x7e: {  	_ =	shalt  }
0x7f: {  	_ =	shalt  }
0x80: {  	_ =	shalt  }
0x81: {  	_ =	shalt  }
0x82: {  	_ =	shalt  }
0x83: {  	_ =	shalt  }
0x84: {  	_ =	shalt  }
0x85: {  	_ =	shalt  }
0x86: {  	_ =	shalt  }
0x87: {  	_ =	shalt  }
.Lfunc_end0:
.L_simem_size_0:
called_computation.1_lowered:
.L_overlay_start_0:
0x88: {  	s2 =	sld [smem:$0x3FD9]  }
0x89: {  	s3 =	sld [smem:$0x3FFE];
	_ =	sdelay $0x1  }
0x8a: {  	s1 =	srdreg.scid  }
0x8b: {  	s0 =	sand.u32 $0x1, s1  }
0x8c: {  	s14 =	sshll.u32 s0, $0xA;
	s2 =	sadd.s32 s3, s2  }
0x8d: {  	s2 =	sadd.s32 s2, s14  }
0x8e: {  	[smem:$0x3FBE] =	sst s2  }
0x8f: {  	_ = 	snop  }
0x90: {  	s2 =	sld [smem:$0x3FD0];
	_ =	sdelay $0x2  }
0x91: {  	s15 =	simm.s32 $0xA;
	s4 =	simm.s32 $0x10  }
0x92: {  	[smem:s4], [sflag:s15] =	dma.local [hbm:s2], $0x1  }
0x93: {  	_ =	swait.eq [sflag:s15], $0x1  }
0x94: {  	[sflag:s15] =	ssyncset.done $0x0  }
0x95: {  	s16 =	sld [smem:$0x10];
	[sflag:s15] =	ssyncadd.s32 $0xFFFFFFFF  }
0x96: {  	s17 =	sld [smem:$0x11];
	(tm) =	ssettm $0x1  }
0x97: {  	s18 =	sld [smem:$0x3FFB];
	_ =	sdelay $0x3  }
0x98: {  	_ =	strace s18  }
0x99: {  	s4 =	sld [smem:$0x3FFC];
	_ =	sdelay $0x3  }
0x9a: {  	_ =	strace s4  }
0x9b: {  	s4 =	sld [smem:$0x3FFD];
	_ =	sdelay $0x3  }
0x9c: {  	_ =	strace s4  }
0x9d: {  	_ =	strace $0x8FFFFFFF  }
0x9e: {  	s19 =	sld [smem:$0x3FDB];
	_ =	sdelay $0x1  }
0x9f: {  	s5 =	simm.s32 $_scs_section_size  }
0xa0: {  	s6 =	simm.s32 $_size__tile_overlayer_lowered;
	s7 =	simm.s32 $_tile_overlayer_lowered  }
0xa1: {  	s22 =	simm.s32 $0x1BFF;
	s21 =	sshll.u32 s7, $0x1;
	s4 =	sadd.s32 s5, s19  }
0xa2: {  	s8 =	simm.s32 $0x0;
	s20 =	sshll.u32 s6, $0x1;
	s6 =	sadd.s32 s21, s4  }
0xa3: {  	[timem:s8], [sflag:s22] =	dma.local [hbm:s6], s20  }
0xa4: {  	_ =	swait.ge [sflag:s22], s20  }
0xa5: {  	s5 =	ssub.s32 $0x0, s20;
	[sflag:s22] =	ssyncset.done $0x0  }
0xa6: {  	[sflag:s22] =	ssyncadd.s32 s5;
	_ =	sdelay $0x1  }
0xa7: {  	s23 =	simm.s32 $0x1B8B  }
0xa8: {  	_ =	swait.ge [sflag:s23], $0x1  }
0xa9: {  	[sflag:s23] =	ssyncset.done $0x0  }
0xaa: {  	s25 =	simm.s32 $0x1B8E;
	s24 =	sld [smem:$0x3FFE];
	[sflag:s23] =	ssyncadd.s32 $0xFFFFFFFF  }
0xab: {  	s26 =	simm.s32 $execute0_lowered;
	[smem:$0x3FD2] =	sst s25  }
0xac: {  	s6 =	sshll.u32 s26, $0x1;
	_ =	strace $0x80000049;
	[dreg:$0x1] =	wrdreg $0xFFFFFFFF  }
0xad: {  	s28 =	simm.s32 $_size_execute0_lowered;
	s4 =	sadd.s32 s4, s6;
	[dreg:$0x0] =	wrdreg $0x0  }
0xae: {  	s6 =	sshll.u32 s28, $0x1;
	[dreg:$0x2] =	wrdreg s4  }
0xaf: {  	[dreg:$0x3] =	wrdreg s6  }
0xb0: {  	[dreg:$0x4] =	wrdreg $0xC0  }
0xb1: {  	_ =	task [dreg:s8], $0x5FFFF  }
0xb2: {  	[dreg:$0x1] =	wrdreg $0xFFFFFFFF  }
0xb3: {  	[dreg:$0x0] =	wrdreg $0x60  }
0xb4: {  	[dreg:$0x2] =	wrdreg s24  }
0xb5: {  	[dreg:$0x3] =	wrdreg s17  }
0xb6: {  	[dreg:$0x4] =	wrdreg s16  }
0xb7: {  	[dreg:$0x5] =	wrdreg $0x82000  }
0xb8: {  	[dreg:$0x6] =	wrdreg $0x9  }
0xb9: {  	_ =	task.clear_ibuf [dreg:s8], $0x7FFFF;
	_ =	strace $0x90000049  }
0xba: {  	s29 =	simm.s32 $0x9;
	_ =	strace $0x8000004B  }
0xbb: {  	_ =	swait.ge [sflag:s29], $0x1  }
0xbc: {  	[sflag:s29] =	ssyncadd.s32 $0xFFFFFFFF  }
0xbd: {  	_ =	strace $0x9000004B  }
0xbe: {  	_ =	sfence  }
0xbf: {  	s30 =	sld [smem:$0x0];
	_ =	sdelay $0x2  }
0xc0: {  	s31 =	sshll.u32 s1, $0xD;
	s1 =	sshrl.u32 s1, $0x2  }
0xc1: {  	s3 =	sand.u32 $0x4000, s31;
	s1 =	sadd.s32 s1, s30  }
0xc2: {  	s0 =	sor.u32 s3, s0;
	s1 =	sshll.u32 s1, $0x11  }
0xc3: {  	s0 =	sor.u32 s1, s0  }
0xc4: {  	s0 =	sadd.s32 $0x8F2B, s0  }
0xc5: {  	[sflag:s0] =	ssyncadd.remote.s32 $0x1  }
0xc6: {  	_ =	sfence.sel $0xFFFF  }
0xc7: {  	[dreg:$0x0] =	wrdreg $0xFFFFFFFF;
	(pc) =	sbr.abs _section_cstart, $3  }
0xc8: {  	[dreg:$0x1] =	wrdreg $0xFFFFFFFF  }
0xc9: {  	_ =	task.clear_ibuf [dreg:s8], $0x2FFFF;
	_ =	strace $0x9FFFFFFF  }
0xca: {  	(tm) =	ssettm $0x7FFFFFFF  }
0xcb: {  	_ =	shalt  }
tec
execute0_lowered:
.L_overlay_start_1:
0x0: {  	(tag) =	ssettag $0x1  }
0x1: {  	s5 =	rddreg [dreg:$0x0]  }
0x2: {  	s15 =	rddreg [dreg:$0x1]  }
0x3: {  	s16 =	rddreg [dreg:$0x2]  }
0x4: {  	s2 =	rddreg [dreg:$0x3]  }
0x5: {  	s1 =	stileid.u32;
	s4 =	srdreg.scid  }
0x6: {  	s3 =	simm.s32 $0x0;
	s28 =	simm.s32 $0x4;
	s6 =	smul.u32 $0x14000, s1  }
0x7: {  	s29 =	simm.s32 $0x0;
	s7 =	sand.u32 $0x1, s4;
	s11 =	smul.u32 $0x50000, s1  }
0x8: {  	[smem:$0x7FF] =	sst s3;
	s4 =	sadd.s32 $0x2A00, s5;
	s24 =	smul.u32 $0xA0, s1  }
0x9: {  	s21 =	sshll.u32 s1, $0x1;
	s25 =	sshll.u32 s1, $0x6;
	s8 =	smul.u32 $0x140000, s7  }
0xa: {  	_ =	strace $0x8000004A;
	s10 =	ssub.s32 $0x2, s7;
	s26 =	smul.u32 $0x50, s7  }
0xb: {  	s9 =	sshrl.u32 s6, $0x3;
	s22 =	sshrl.u32 s10, $0x1;
	s23 =	sshrl.u32 s11, $0x2  }
0xc: {  	s6 =	sadd.s32 s6, s8;
	s20 =	sadd.s32 s9, s5;
	s9 =	sor.u32 s7, s21  }
0xd: {  	s13 =	ssub.s32 s10, s22;
	s17 =	sadd.s32 s23, s2;
	s11 =	sadd.s32 s26, s24  }
0xe: {  	s21 =	simm.s32 $0x180;
	s22 =	simm.s32 $0x1;
	s23 =	simm.s32 $0x200  }
0xf: {  	s24 =	simm.s32 $0x2;
	s26 =	simm.s32 $0x3;
	s6 =	sshrl.u32 s6, $0x3  }
0x10: {  	s9 =	smul.u32 $0x500, s9;
	s30 =	sshll.u32 s11, $0x4;
	s17 =	sshrl.u32 s17, $0x3  }
0x11: {  	s12 =	sadd.s32 s6, s5;
	s5 =	sadd.s32 $0x2AA00, s20;
	s6 =	sor.u32 $0x1C05, s25  }
0x12: {  	s31 =	sadd.s32 s30, s15;
	s18 =	sadd.s32 s30, s16;
	s19 =	sor.u32 $0x20, s30  }
0x13: {  	s20 =	simm.s32 $0x80;
	s25 =	simm.s32 $0x4200;
	s7 =	sadd.s32 s15, s9  }
0x14: {  	s8 =	sadd.s32 s16, s9;
	s14 =	sor.u32 $0x10, s9;
	s11 =	sadd.s32 $0x52A00, s12  }
0x15: {  	s12 =	smax.u32 s13, $0x1;
	s13 =	sadd.s32 $0x30, s31;
	s9 =	sadd.s32 s15, s14  }
0x16: {  	s10 =	sadd.s32 s16, s14;
	s14 =	sadd.s32 $0x30, s18;
	s15 =	sadd.s32 s19, s15  }
0x17: {  	s16 =	sadd.s32 s19, s16;
	s18 =	simm.s32 $0x5;
	s19 =	simm.s32 $0x100  }
.LBB2_1:
0x18: {  	[spmem:s17], [sflag:s6] =	dma.local [hbm:s5], $0x2800  }
0x19: {  	_ =	swait.ge [sflag:s18], $0x2800  }
0x1a: {  	[sflag:s18] =	ssyncset.done $0x0  }
0x1b: {  	[sflag:s18] =	ssyncadd.s32 $0xFFFFD800  }
0x1c: {  	[bflag:$0x0] =	sbarrier.arrive $0xFFFF  }
0x1d: {  	[tilespmem:s3], [sflag:$0x1] =	stream.linear.gather [hbm4b:s7+s3], $0x80, $0x38;
	[tilespmem:$0x1C200] =	vst v63  }
0x1e: {  	_ = 	snop  }
0x1f: {  	[tilespmem:s19], [sflag:$0x1] =	stream.linear.gather [hbm4b:s8+s3], $0x80, $0x38;
	[tilespmem:$0x1C200] =	vst v63  }
0x20: {  	_ = 	snop  }
0x21: {  	[tilespmem:s20], [sflag:$0x2] =	stream.linear.gather [hbm4b:s9+s3], $0x80, $0x38;
	[tilespmem:$0x1C200] =	vst v63  }
0x22: {  	_ = 	snop  }
0x23: {  	[tilespmem:s21], [sflag:$0x2] =	stream.linear.gather [hbm4b:s10+s3], $0x80, $0x38;
	[tilespmem:$0x1C200] =	vst v63  }
0x24: {  	_ =	swait.ge [sflag:s22], $0x80  }
0x25: {  	[sflag:s22] =	ssyncset.done $0x0  }
0x26: {  	[sflag:s22] =	ssyncadd.s32 $0xFFFFFF80  }
0x27: {  	_ =	swait.ge [sflag:s22], $0x80  }
0x28: {  	[sflag:s22] =	ssyncset.done $0x0  }
0x29: {  	[sflag:s22] =	ssyncadd.s32 $0xFFFFFF80  }
0x2a: {  	[tilespmem:s23], [sflag:$0x3] =	stream.indirect.gather [hbm4b:s4+s20], $0x80, s3, s20, $0xb8;
	[tilespmem:$0x1C200] =	vst v63  }
0x2b: {  	_ =	swait.ge [sflag:s24], $0x80  }
0x2c: {  	[sflag:s24] =	ssyncset.done $0x0  }
0x2d: {  	[sflag:s24] =	ssyncadd.s32 $0xFFFFFF80  }
0x2e: {  	_ =	swait.ge [sflag:s24], $0x80  }
0x2f: {  	[sflag:s24] =	ssyncset.done $0x0  }
0x30: {  	[sflag:s24] =	ssyncadd.s32 $0xFFFFFF80  }
0x31: {  	[tilespmem:s25], [sflag:$0x4] =	stream.indirect.gather [hbm4b:s4+s20], $0x80, s20, s20, $0xb8;
	[tilespmem:$0x1C200] =	vst v63  }
0x32: {  	_ =	swait.ge [sflag:s26], $0x4000  }
0x33: {  	[sflag:s26] =	ssyncset.done $0x0  }
0x34: {  	[sflag:s26] =	ssyncadd.s32 $0xFFFFC000  }
0x35: {  	[spmem:s2] =	stream.indirect.scatter.add.f32 [tilespmem:s23], [sflag:$0x5], $0x80, s19, s20, $0xb8;
	[tilespmem:$0x1C200] =	vst v63  }
0x36: {  	_ =	swait.ge [sflag:s18], $0x4000  }
0x37: {  	[sflag:s18] =	ssyncset.done $0x0  }
0x38: {  	s30 =	sadd.s32 $0x0, s15;
	[sflag:s18] =	ssyncadd.s32 $0xFFFFC000  }
0x39: {  	[tilespmem:s3], [sflag:$0x1] =	stream.linear.gather [hbm4b:s30+s3], $0x80, $0x38;
	[tilespmem:$0x1C200] =	vst v63  }
0x3a: {  	s30 =	sadd.s32 $0x0, s16  }
0x3b: {  	[tilespmem:s19], [sflag:$0x1] =	stream.linear.gather [hbm4b:s30+s3], $0x80, $0x38;
	[tilespmem:$0x1C200] =	vst v63  }
0x3c: {  	_ =	swait.ge [sflag:s28], $0x4000  }
0x3d: {  	[sflag:s28] =	ssyncset.done $0x0  }
0x3e: {  	[sflag:s28] =	ssyncadd.s32 $0xFFFFC000  }
0x3f: {  	[spmem:s2] =	stream.indirect.scatter.add.f32 [tilespmem:s25], [sflag:$0x5], $0x80, s21, s20, $0xb8;
	[tilespmem:$0x1C200] =	vst v63  }
0x40: {  	_ =	swait.ge [sflag:s18], $0x4000  }
0x41: {  	[sflag:s18] =	ssyncset.done $0x0  }
0x42: {  	s30 =	sadd.s32 $0x0, s13;
	[sflag:s18] =	ssyncadd.s32 $0xFFFFC000  }
0x43: {  	[tilespmem:s20], [sflag:$0x2] =	stream.linear.gather [hbm4b:s30+s3], $0x80, $0x38;
	[tilespmem:$0x1C200] =	vst v63  }
0x44: {  	s30 =	sadd.s32 $0x0, s14  }
0x45: {  	[tilespmem:s21], [sflag:$0x2] =	stream.linear.gather [hbm4b:s30+s3], $0x80, $0x38;
	[tilespmem:$0x1C200] =	vst v63  }
0x46: {  	_ =	swait.ge [sflag:s22], $0x80  }
0x47: {  	[sflag:s22] =	ssyncset.done $0x0  }
0x48: {  	[sflag:s22] =	ssyncadd.s32 $0xFFFFFF80  }
0x49: {  	_ =	swait.ge [sflag:s22], $0x80  }
0x4a: {  	[sflag:s22] =	ssyncset.done $0x0  }
0x4b: {  	[sflag:s22] =	ssyncadd.s32 $0xFFFFFF80  }
0x4c: {  	[tilespmem:s23], [sflag:$0x3] =	stream.indirect.gather [hbm4b:s4+s20], $0x80, s3, s20, $0xb8;
	[tilespmem:$0x1C200] =	vst v63  }
0x4d: {  	_ =	swait.ge [sflag:s24], $0x80  }
0x4e: {  	[sflag:s24] =	ssyncset.done $0x0  }
0x4f: {  	[sflag:s24] =	ssyncadd.s32 $0xFFFFFF80  }
0x50: {  	_ =	swait.ge [sflag:s24], $0x80  }
0x51: {  	[sflag:s24] =	ssyncset.done $0x0  }
0x52: {  	s30 =	simm.s32 $0x20;
	[sflag:s24] =	ssyncadd.s32 $0xFFFFFF80  }
.LBB2_2:
0x53: {  	[tilespmem:s25], [sflag:$0x4] =	stream.indirect.gather [hbm4b:s4+s20], $0x80, s20, s20, $0xb8;
	[tilespmem:$0x1C200] =	vst v63  }
0x54: {  	s31 =	smov.u32 s30  }
0x55: {  	p0 =	sne.s32 s30, $0x4C0;
	s30 =	sadd.s32 $0x20, s30;
	_ =	swait.ge [sflag:s26], $0x4000  }
0x56: {  	[sflag:s26] =	ssyncset.done $0x0  }
0x57: {  	[sflag:s26] =	ssyncadd.s32 $0xFFFFC000  }
0x58: {  	[spmem:s2] =	stream.indirect.scatter.add.f32 [tilespmem:s23], [sflag:$0x5], $0x80, s19, s20, $0xb8;
	[tilespmem:$0x1C200] =	vst v63  }
0x59: {  	_ =	swait.ge [sflag:s18], $0x4000  }
0x5a: {  	[sflag:s18] =	ssyncset.done $0x0  }
0x5b: {  	s0 =	sadd.s32 s31, s15;
	[sflag:s18] =	ssyncadd.s32 $0xFFFFC000  }
0x5c: {  	[tilespmem:s3], [sflag:$0x1] =	stream.linear.gather [hbm4b:s0+s3], $0x80, $0x38;
	[tilespmem:$0x1C200] =	vst v63  }
0x5d: {  	s0 =	sadd.s32 s31, s16  }
0x5e: {  	[tilespmem:s19], [sflag:$0x1] =	stream.linear.gather [hbm4b:s0+s3], $0x80, $0x38;
	[tilespmem:$0x1C200] =	vst v63  }
0x5f: {  	_ =	swait.ge [sflag:s28], $0x4000  }
0x60: {  	[sflag:s28] =	ssyncset.done $0x0  }
0x61: {  	[sflag:s28] =	ssyncadd.s32 $0xFFFFC000  }
0x62: {  	[spmem:s2] =	stream.indirect.scatter.add.f32 [tilespmem:s25], [sflag:$0x5], $0x80, s21, s20, $0xb8;
	[tilespmem:$0x1C200] =	vst v63  }
0x63: {  	_ =	swait.ge [sflag:s18], $0x4000  }
0x64: {  	[sflag:s18] =	ssyncset.done $0x0  }
0x65: {  	s0 =	sadd.s32 s31, s13;
	[sflag:s18] =	ssyncadd.s32 $0xFFFFC000  }
0x66: {  	[tilespmem:s20], [sflag:$0x2] =	stream.linear.gather [hbm4b:s0+s3], $0x80, $0x38;
	[tilespmem:$0x1C200] =	vst v63  }
0x67: {  	s0 =	sadd.s32 s31, s14  }
0x68: {  	[tilespmem:s21], [sflag:$0x2] =	stream.linear.gather [hbm4b:s0+s3], $0x80, $0x38;
	[tilespmem:$0x1C200] =	vst v63  }
0x69: {  	_ =	swait.ge [sflag:s22], $0x80  }
0x6a: {  	[sflag:s22] =	ssyncset.done $0x0  }
0x6b: {  	[sflag:s22] =	ssyncadd.s32 $0xFFFFFF80  }
0x6c: {  	_ =	swait.ge [sflag:s22], $0x80  }
0x6d: {  	[sflag:s22] =	ssyncset.done $0x0  }
0x6e: {  	[sflag:s22] =	ssyncadd.s32 $0xFFFFFF80  }
0x6f: {  	[tilespmem:s23], [sflag:$0x3] =	stream.indirect.gather [hbm4b:s4+s20], $0x80, s3, s20, $0xb8;
	[tilespmem:$0x1C200] =	vst v63  }
0x70: {  	_ =	swait.ge [sflag:s24], $0x80  }
.Ltmp0:
0x71: {  	[sflag:s24] =	ssyncset.done $0x0;
	(pc) =	sbr.rel @p0 .LBB2_2-.Ltmp0, $4  }
0x72: {  	[sflag:s24] =	ssyncadd.s32 $0xFFFFFF80  }
0x73: {  	_ =	swait.ge [sflag:s24], $0x80  }
0x74: {  	[sflag:s24] =	ssyncset.done $0x0  }
0x75: {  	[sflag:s24] =	ssyncadd.s32 $0xFFFFFF80  }
0x76: {  	[tilespmem:s25], [sflag:$0x4] =	stream.indirect.gather [hbm4b:s4+s20], $0x80, s20, s20, $0xb8;
	[tilespmem:$0x1C200] =	vst v63  }
0x77: {  	_ =	swait.ge [sflag:s26], $0x4000  }
0x78: {  	[sflag:s26] =	ssyncset.done $0x0  }
0x79: {  	[sflag:s26] =	ssyncadd.s32 $0xFFFFC000  }
0x7a: {  	[spmem:s2] =	stream.indirect.scatter.add.f32 [tilespmem:s23], [sflag:$0x5], $0x80, s19, s20, $0xb8;
	[tilespmem:$0x1C200] =	vst v63  }
0x7b: {  	_ =	swait.ge [sflag:s18], $0x4000  }
0x7c: {  	[sflag:s18] =	ssyncset.done $0x0  }
0x7d: {  	[sflag:s18] =	ssyncadd.s32 $0xFFFFC000  }
0x7e: {  	_ =	swait.ge [sflag:s28], $0x4000  }
0x7f: {  	[sflag:s28] =	ssyncset.done $0x0  }
0x80: {  	[sflag:s28] =	ssyncadd.s32 $0xFFFFC000  }
0x81: {  	[spmem:s2] =	stream.indirect.scatter.add.f32 [tilespmem:s25], [sflag:$0x5], $0x80, s21, s20, $0xb8;
	[tilespmem:$0x1C200] =	vst v63  }
0x82: {  	_ =	swait.ge [sflag:s18], $0x4000  }
0x83: {  	s29 =	sadd.s32 $0x1, s29;
	[sflag:s18] =	ssyncset.done $0x0  }
0x84: {  	p0 =	sne.s32 s29, s12;
	[sflag:s18] =	ssyncadd.s32 $0xFFFFC000  }
.Ltmp1:
0x85: {  	[bflag:$0x0] =	sbarrier.arrive $0xFFFF;
	(pc) =	sbr.rel @p0 .LBB2_1-.Ltmp1, $4  }
0x86: {  	[hbm:s11], [sflag:s6] =	dma.local [spmem:s17], $0x2800  }
0x87: {  	_ =	swait.ge [sflag:s18], $0x2800  }
0x88: {  	[sflag:s18] =	ssyncset.done $0x0  }
0x89: {  	[sflag:s18] =	ssyncadd.s32 $0xFFFFD800  }
0x8a: {  	_ =	sfence.sel $0x180000  }
0x8b: {  	[bflag:$0x0] =	sbarrier.arrive $0xFFFF  }
0x8c: {  	_ =	strace $0x9000004A  }
0x8d: {  	[bflag:$0x2] =	sbarrier.arrive $0xFFFF  }
0x8e: {  	p0 =	sne.s32 s1, $0x0;
	s0 =	rddreg [dreg:$0x4]  }
0x8f: {  	s0 =	sadd.s32 @!p0 $0x100000, s0  }
0x90: {  	[sflag:s0] =	ssyncadd.tile.s32 @!p0 $0x1;
	_ =	shalt  }
.Lfunc_end2:
_tile_overlayer_lowered:
.L_overlay_start_2:
0x91: {  	(tag) =	ssettag $0x2  }
0x92: {  	s0 =	rddreg [dreg:$0x0];
	s2 =	stileid.u32  }
0x93: {  	s1 =	rddreg [dreg:$0x1];
	p0 =	sne.s32 s2, $0x0  }
0x94: {  	s3 =	rddreg [dreg:$0x2];
	[bflag:$0x3] =	sbarrier.arrive $0xFFFF;
	s2 =	simm.s32 @!p0 $0x1C05  }
0x95: {  	[timem:s3], [sflag:s2] =	dma.local @!p0 [hbm:s0], s1  }
0x96: {  	s0 =	simm.s32 @!p0 $0x5  }
0x97: {  	_ =	swait.ge @!p0 [sflag:s0], s1  }
0x98: {  	s1 =	ssub.s32 @!p0 $0x0, s1;
	[sflag:s0] =	ssyncset.done @!p0 $0x0  }
0x99: {  	[sflag:s0] =	ssyncadd.s32 @!p0 s1  }
0x9a: {  	[bflag:$0x3] =	sbarrier.arrive $0xFFFF  }
0x9b: {  	_ =	shalt  }

// kernel: kernel.14.cloned.1.call-start
scs
__scs_entry_jumppad:
0x0: {  	(pc) =	sbr.rel $0x88, $3  }
0x1: {  	(tag) =	ssettag $0x0;
	lr =	simm.s32 $0x1  }
0x2: {  	[smem:$0x3F97] =	sst lr;
	_ =	strace $0xD0000000  }
0x3: {  	_ = 	snop  }
0x4: {  	_ = 	snop  }
0x5: {  	_ = 	snop  }
0x6: {  	_ = 	snop  }
0x7: {  	_ = 	snop  }
__scs_overlays_trampoline_lowered:
0x8: {  	[smem:$0x3FA6] =	sst s0  }
0x9: {  	[smem:$0x3FA7] =	sst s1  }
0xa: {  	[smem:$0x3FA8] =	sst s2  }
0xb: {  	[smem:$0x3FA9] =	sst s3  }
0xc: {  	[smem:$0x3FAA] =	sst s4  }
0xd: {  	[smem:$0x3FAB] =	sst s5  }
0xe: {  	[smem:$0x3FAC] =	sst s6  }
0xf: {  	[smem:$0x3FAD] =	sst s7  }
0x10: {  	[smem:$0x3FAE] =	sst s8  }
0x11: {  	[smem:$0x3FAF] =	sst s9;
	s0 =	simm.s32 @!p0 $0x0  }
0x12: {  	s1 =	sld [smem:$0x3F95];
	s0 =	simm.s32 @p0 $0x1  }
0x13: {  	[smem:$0x3FB0] =	sst s0;
	s0 =	simm.s32 @!p1 $0x0  }
0x14: {  	s2 =	sld [smem:$0x3F94];
	s0 =	simm.s32 @p1 $0x1  }
0x15: {  	[smem:$0x3FB1] =	sst s0;
	s0 =	simm.s32 @!p2 $0x0  }
0x16: {  	s3 =	sld [smem:$0x3FDB];
	s0 =	simm.s32 @p2 $0x1  }
0x17: {  	s4 =	simm.s32 $0x1BF5;
	[smem:$0x3FB3] =	sst s0  }
0x18: {  	s0 =	sld [smem:$0x3F96];
	_ =	swait.ge [sflag:s4], $0x0  }
0x19: {  	s7 =	sld [smem:$0x3F97]  }
0x1a: {  	s8 =	sadd.s32 $0xFFFFE003, lr  }
0x1b: {  	s9 =	sadd.s32 $0xFFFFFEF7, lr;
	s5 =	simm.s32 $0xFFFFFFFF;
	p2 =	slt.u32 s8, $0xFFFFF086  }
0x1c: {  	p1 =	slt.u32 s9, $0xF7A;
	s5 =	simm.s32 @!p2 $0x0  }
0x1d: {  	s5 =	simm.s32 @p1 $0x1;
	p0 =	seq.s32 s7, s2  }
0x1e: {  	s7 =	smul.u32 @!p0 $0xF7A, s2;
	p2 =	seq.s32 @!p0 s5, $0x0  }
0x1f: {  	s9 =	smul.u32 $0xF7A, s1;
	s8 =	simm.s32 @!p0 $0x1BF5;
	p2 =	por !p2, p0  }
0x20: {  	[sflag:s8] =	ssyncset.s32 @!p0 $0xFFFFF086;
	s6 =	sadd.s32 @!p0 s3, s7;
	s7 =	simm.s32 @!p0 $0x108  }
0x21: {  	s3 =	sadd.s32 s3, s9;
	s6 =	sadd.s32 @!p0 $0x88, s6;
	s7 =	simm.s32 @p2 $0x1082  }
0x22: {  	[simem:s7], [sflag:s8] =	dma.local @!p0 [hbm:s6], $0xF7A  }
0x23: {  	s9 =	sor.u32 $0xD0000000, s2;
	s6 =	simm.s32 $0x108;
	_ =	swait.ge @!p0 [sflag:s8], $0x0  }
0x24: {  	s3 =	sadd.s32 $0x88, s3;
	s6 =	simm.s32 @!p1 $0x1082;
	[sflag:s4] =	ssyncset.s32 $0xFFFFF086  }
0x25: {  	[simem:s6], [sflag:s4] =	dma.local [hbm:s3], $0xF7A  }
0x26: {  	[smem:$0x3F97] =	sst s1;
	(tag) =	ssettag s2;
	_ =	strace s9  }
0x27: {  	s1 =	sld [smem:$0x3FA7]  }
0x28: {  	s2 =	sld [smem:$0x3FA8]  }
0x29: {  	s4 =	sld [smem:$0x3FAA]  }
0x2a: {  	p0 =	seq.s32 s5, $0x0;
	s5 =	sld [smem:$0x3FAB]  }
0x2b: {  	s6 =	sld [smem:$0x3FAC]  }
0x2c: {  	s7 =	sld [smem:$0x3FAD]  }
0x2d: {  	s3 =	simm.s32 $0x108;
	s8 =	sld [smem:$0x3FAE]  }
0x2e: {  	s3 =	simm.s32 @!p0 $0x1082;
	s9 =	sld [smem:$0x3FAF]  }
0x2f: {  	lr =	sadd.s32 s0, s3;
	s0 =	sld [smem:$0x3FA6]  }
0x30: {  	s3 =	sld [smem:$0x3FA9]  }
0x31: {  	[smem:$0x3FB2] =	sst s10  }
0x32: {  	s10 =	sld [smem:$0x3FB0];
	_ =	sdelay $0x3  }
0x33: {  	p0 =	seq.s32 s10, $0x1;
	s10 =	sld [smem:$0x3FB2];
	_ =	sdelay $0x3  }
0x34: {  	[smem:$0x3FB2] =	sst s10  }
0x35: {  	s10 =	sld [smem:$0x3FB1];
	_ =	sdelay $0x3  }
0x36: {  	p1 =	seq.s32 s10, $0x1;
	s10 =	sld [smem:$0x3FB2];
	_ =	sdelay $0x3  }
0x37: {  	[smem:$0x3FB2] =	sst s10  }
0x38: {  	s10 =	sld [smem:$0x3FB3]  }
0x39: {  	_ = 	snop;
	(pc) =	sbr.ind lr, $3  }
0x3a: {  	_ = 	snop  }
0x3b: {  	_ = 	snop  }
0x3c: {  	p2 =	seq.s32 s10, $0x1;
	s10 =	sld [smem:$0x3FB2]  }
0x3d: {  	_ =	shalt  }
0x3e: {  	_ =	shalt  }
0x3f: {  	_ =	shalt  }
0x40: {  	_ =	shalt  }
0x41: {  	_ =	shalt  }
0x42: {  	_ =	shalt  }
0x43: {  	_ =	shalt  }
0x44: {  	_ =	shalt  }
0x45: {  	_ =	shalt  }
0x46: {  	_ =	shalt  }
0x47: {  	_ =	shalt  }
0x48: {  	_ =	shalt  }
0x49: {  	_ =	shalt  }
0x4a: {  	_ =	shalt  }
0x4b: {  	_ =	shalt  }
0x4c: {  	_ =	shalt  }
0x4d: {  	_ =	shalt  }
0x4e: {  	_ =	shalt  }
0x4f: {  	_ =	shalt  }
0x50: {  	_ =	shalt  }
0x51: {  	_ =	shalt  }
0x52: {  	_ =	shalt  }
0x53: {  	_ =	shalt  }
0x54: {  	_ =	shalt  }
0x55: {  	_ =	shalt  }
0x56: {  	_ =	shalt  }
0x57: {  	_ =	shalt  }
0x58: {  	_ =	shalt  }
0x59: {  	_ =	shalt  }
0x5a: {  	_ =	shalt  }
0x5b: {  	_ =	shalt  }
0x5c: {  	_ =	shalt  }
0x5d: {  	_ =	shalt  }
0x5e: {  	_ =	shalt  }
0x5f: {  	_ =	shalt  }
0x60: {  	_ =	shalt  }
0x61: {  	_ =	shalt  }
0x62: {  	_ =	shalt  }
0x63: {  	_ =	shalt  }
0x64: {  	_ =	shalt  }
0x65: {  	_ =	shalt  }
0x66: {  	_ =	shalt  }
0x67: {  	_ =	shalt  }
0x68: {  	_ =	shalt  }
0x69: {  	_ =	shalt  }
0x6a: {  	_ =	shalt  }
0x6b: {  	_ =	shalt  }
0x6c: {  	_ =	shalt  }
0x6d: {  	_ =	shalt  }
0x6e: {  	_ =	shalt  }
0x6f: {  	_ =	shalt  }
0x70: {  	_ =	shalt  }
0x71: {  	_ =	shalt  }
0x72: {  	_ =	shalt  }
0x73: {  	_ =	shalt  }
0x74: {  	_ =	shalt  }
0x75: {  	_ =	shalt  }
0x76: {  	_ =	shalt  }
0x77: {  	_ =	shalt  }
0x78: {  	_ =	shalt  }
0x79: {  	_ =	shalt  }
0x7a: {  	_ =	shalt  }
0x7b: {  	_ =	shalt  }
0x7c: {  	_ =	shalt  }
0x7d: {  	_ =	shalt  }
0x7e: {  	_ =	shalt  }
0x7f: {  	_ =	shalt  }
0x80: {  	_ =	shalt  }
0x81: {  	_ =	shalt  }
0x82: {  	_ =	shalt  }
0x83: {  	_ =	shalt  }
0x84: {  	_ =	shalt  }
0x85: {  	_ =	shalt  }
0x86: {  	_ =	shalt  }
0x87: {  	_ =	shalt  }
.Lfunc_end0:
.L_simem_size_0:
called_computation.2_lowered:
.L_overlay_start_0:
0x88: {  	s2 =	sld [smem:$0x3FD9]  }
0x89: {  	s3 =	sld [smem:$0x3FFE];
	_ =	sdelay $0x1  }
0x8a: {  	s1 =	srdreg.scid  }
0x8b: {  	s0 =	sand.u32 $0x1, s1  }
0x8c: {  	s14 =	sshll.u32 s0, $0xA;
	s2 =	sadd.s32 s3, s2  }
0x8d: {  	s2 =	sadd.s32 s2, s14  }
0x8e: {  	[smem:$0x3FBE] =	sst s2  }
0x8f: {  	_ = 	snop  }
0x90: {  	s2 =	sld [smem:$0x3FD0];
	_ =	sdelay $0x2  }
0x91: {  	s15 =	simm.s32 $0xA;
	s4 =	simm.s32 $0x10  }
0x92: {  	[smem:s4], [sflag:s15] =	dma.local [hbm:s2], $0x1  }
0x93: {  	_ =	swait.eq [sflag:s15], $0x1  }
0x94: {  	[sflag:s15] =	ssyncset.done $0x0  }
0x95: {  	s16 =	sld [smem:$0x10];
	[sflag:s15] =	ssyncadd.s32 $0xFFFFFFFF  }
0x96: {  	s17 =	sld [smem:$0x11];
	(tm) =	ssettm $0x1  }
0x97: {  	s18 =	sld [smem:$0x3FFB];
	_ =	sdelay $0x3  }
0x98: {  	_ =	strace s18  }
0x99: {  	s4 =	sld [smem:$0x3FFC];
	_ =	sdelay $0x3  }
0x9a: {  	_ =	strace s4  }
0x9b: {  	s4 =	sld [smem:$0x3FFD];
	_ =	sdelay $0x3  }
0x9c: {  	_ =	strace s4  }
0x9d: {  	_ =	strace $0x8FFFFFFF  }
0x9e: {  	s19 =	sld [smem:$0x3FDB];
	_ =	sdelay $0x1  }
0x9f: {  	s5 =	simm.s32 $_scs_section_size  }
0xa0: {  	s6 =	simm.s32 $_size__tile_overlayer_lowered;
	s7 =	simm.s32 $_tile_overlayer_lowered  }
0xa1: {  	s22 =	simm.s32 $0x1BFF;
	s21 =	sshll.u32 s7, $0x1;
	s4 =	sadd.s32 s5, s19  }
0xa2: {  	s8 =	simm.s32 $0x0;
	s20 =	sshll.u32 s6, $0x1;
	s6 =	sadd.s32 s21, s4  }
0xa3: {  	[timem:s8], [sflag:s22] =	dma.local [hbm:s6], s20  }
0xa4: {  	_ =	swait.ge [sflag:s22], s20  }
0xa5: {  	s5 =	ssub.s32 $0x0, s20;
	[sflag:s22] =	ssyncset.done $0x0  }
0xa6: {  	[sflag:s22] =	ssyncadd.s32 s5;
	_ =	sdelay $0x1  }
0xa7: {  	s23 =	simm.s32 $0x1B8B  }
0xa8: {  	_ =	swait.ge [sflag:s23], $0x1  }
0xa9: {  	[sflag:s23] =	ssyncset.done $0x0  }
0xaa: {  	s25 =	simm.s32 $0x1B8E;
	s24 =	sld [smem:$0x3FFE];
	[sflag:s23] =	ssyncadd.s32 $0xFFFFFFFF  }
0xab: {  	s26 =	simm.s32 $execute0_lowered;
	[smem:$0x3FD2] =	sst s25  }
0xac: {  	s6 =	sshll.u32 s26, $0x1;
	_ =	strace $0x8000004C;
	[dreg:$0x1] =	wrdreg $0xFFFFFFFF  }
0xad: {  	s28 =	simm.s32 $_size_execute0_lowered;
	s4 =	sadd.s32 s4, s6;
	[dreg:$0x0] =	wrdreg $0x0  }
0xae: {  	s6 =	sshll.u32 s28, $0x1;
	[dreg:$0x2] =	wrdreg s4  }
0xaf: {  	[dreg:$0x3] =	wrdreg s6  }
0xb0: {  	[dreg:$0x4] =	wrdreg $0xC0  }
0xb1: {  	_ =	task [dreg:s8], $0x5FFFF  }
0xb2: {  	[dreg:$0x1] =	wrdreg $0xFFFFFFFF  }
0xb3: {  	[dreg:$0x0] =	wrdreg $0x60  }
0xb4: {  	[dreg:$0x2] =	wrdreg s24  }
0xb5: {  	[dreg:$0x3] =	wrdreg s17  }
0xb6: {  	[dreg:$0x4] =	wrdreg s16  }
0xb7: {  	[dreg:$0x5] =	wrdreg $0x82000  }
0xb8: {  	[dreg:$0x6] =	wrdreg $0x9  }
0xb9: {  	_ =	task.clear_ibuf [dreg:s8], $0x7FFFF;
	_ =	strace $0x9000004C  }
0xba: {  	s29 =	simm.s32 $0x9;
	_ =	strace $0x8000004E  }
0xbb: {  	_ =	swait.ge [sflag:s29], $0x1  }
0xbc: {  	[sflag:s29] =	ssyncadd.s32 $0xFFFFFFFF  }
0xbd: {  	_ =	strace $0x9000004E  }
0xbe: {  	_ =	sfence  }
0xbf: {  	s30 =	sld [smem:$0x0];
	_ =	sdelay $0x2  }
0xc0: {  	s31 =	sshll.u32 s1, $0xD;
	s1 =	sshrl.u32 s1, $0x2  }
0xc1: {  	s3 =	sand.u32 $0x4000, s31;
	s1 =	sadd.s32 s1, s30  }
0xc2: {  	s0 =	sor.u32 s3, s0;
	s1 =	sshll.u32 s1, $0x11  }
0xc3: {  	s0 =	sor.u32 s1, s0  }
0xc4: {  	s0 =	sadd.s32 $0x8F2B, s0  }
0xc5: {  	[sflag:s0] =	ssyncadd.remote.s32 $0x1  }
0xc6: {  	_ =	sfence.sel $0xFFFF  }
0xc7: {  	[dreg:$0x0] =	wrdreg $0xFFFFFFFF;
	(pc) =	sbr.abs _section_cstart, $3  }
0xc8: {  	[dreg:$0x1] =	wrdreg $0xFFFFFFFF  }
0xc9: {  	_ =	task.clear_ibuf [dreg:s8], $0x2FFFF;
	_ =	strace $0x9FFFFFFF  }
0xca: {  	(tm) =	ssettm $0x7FFFFFFF  }
0xcb: {  	_ =	shalt  }
tec
execute0_lowered:
.L_overlay_start_1:
0x0: {  	(tag) =	ssettag $0x1  }
0x1: {  	s5 =	rddreg [dreg:$0x0]  }
0x2: {  	s15 =	rddreg [dreg:$0x1]  }
0x3: {  	s16 =	rddreg [dreg:$0x2]  }
0x4: {  	s2 =	rddreg [dreg:$0x3]  }
0x5: {  	s1 =	stileid.u32;
	s4 =	srdreg.scid  }
0x6: {  	s3 =	simm.s32 $0x0;
	s28 =	simm.s32 $0x4;
	s6 =	smul.u32 $0x14000, s1  }
0x7: {  	s29 =	simm.s32 $0x0;
	s7 =	sand.u32 $0x1, s4;
	s11 =	smul.u32 $0x50000, s1  }
0x8: {  	[smem:$0x7FF] =	sst s3;
	s4 =	sadd.s32 $0x2A00, s5;
	s24 =	smul.u32 $0xA0, s1  }
0x9: {  	s21 =	sshll.u32 s1, $0x1;
	s25 =	sshll.u32 s1, $0x6;
	s8 =	smul.u32 $0x140000, s7  }
0xa: {  	_ =	strace $0x8000004D;
	s10 =	ssub.s32 $0x2, s7;
	s26 =	smul.u32 $0x50, s7  }
0xb: {  	s9 =	sshrl.u32 s6, $0x3;
	s22 =	sshrl.u32 s10, $0x1;
	s23 =	sshrl.u32 s11, $0x2  }
0xc: {  	s6 =	sadd.s32 s6, s8;
	s20 =	sadd.s32 s9, s5;
	s9 =	sor.u32 s7, s21  }
0xd: {  	s13 =	ssub.s32 s10, s22;
	s17 =	sadd.s32 s23, s2;
	s11 =	sadd.s32 s26, s24  }
0xe: {  	s21 =	simm.s32 $0x180;
	s22 =	simm.s32 $0x1;
	s23 =	simm.s32 $0x200  }
0xf: {  	s24 =	simm.s32 $0x2;
	s26 =	simm.s32 $0x3;
	s6 =	sshrl.u32 s6, $0x3  }
0x10: {  	s9 =	smul.u32 $0x500, s9;
	s30 =	sshll.u32 s11, $0x4;
	s17 =	sshrl.u32 s17, $0x3  }
0x11: {  	s12 =	sadd.s32 s6, s5;
	s5 =	sadd.s32 $0x2AA00, s20;
	s6 =	sor.u32 $0x1C05, s25  }
0x12: {  	s31 =	sadd.s32 s30, s15;
	s18 =	sadd.s32 s30, s16;
	s19 =	sor.u32 $0x20, s30  }
0x13: {  	s20 =	simm.s32 $0x80;
	s25 =	simm.s32 $0x4200;
	s7 =	sadd.s32 s15, s9  }
0x14: {  	s8 =	sadd.s32 s16, s9;
	s14 =	sor.u32 $0x10, s9;
	s11 =	sadd.s32 $0x52A00, s12  }
0x15: {  	s12 =	smax.u32 s13, $0x1;
	s13 =	sadd.s32 $0x30, s31;
	s9 =	sadd.s32 s15, s14  }
0x16: {  	s10 =	sadd.s32 s16, s14;
	s14 =	sadd.s32 $0x30, s18;
	s15 =	sadd.s32 s19, s15  }
0x17: {  	s16 =	sadd.s32 s19, s16;
	s18 =	simm.s32 $0x5;
	s19 =	simm.s32 $0x100  }
.LBB2_1:
0x18: {  	[spmem:s17], [sflag:s6] =	dma.local [hbm:s5], $0x2800  }
0x19: {  	_ =	swait.ge [sflag:s18], $0x2800  }
0x1a: {  	[sflag:s18] =	ssyncset.done $0x0  }
0x1b: {  	[sflag:s18] =	ssyncadd.s32 $0xFFFFD800  }
0x1c: {  	[bflag:$0x0] =	sbarrier.arrive $0xFFFF  }
0x1d: {  	[tilespmem:s3], [sflag:$0x1] =	stream.linear.gather [hbm4b:s7+s3], $0x80, $0x38;
	[tilespmem:$0x1C200] =	vst v63  }
0x1e: {  	_ = 	snop  }
0x1f: {  	[tilespmem:s19], [sflag:$0x1] =	stream.linear.gather [hbm4b:s8+s3], $0x80, $0x38;
	[tilespmem:$0x1C200] =	vst v63  }
0x20: {  	_ = 	snop  }
0x21: {  	[tilespmem:s20], [sflag:$0x2] =	stream.linear.gather [hbm4b:s9+s3], $0x80, $0x38;
	[tilespmem:$0x1C200] =	vst v63  }
0x22: {  	_ = 	snop  }
0x23: {  	[tilespmem:s21], [sflag:$0x2] =	stream.linear.gather [hbm4b:s10+s3], $0x80, $0x38;
	[tilespmem:$0x1C200] =	vst v63  }
0x24: {  	_ =	swait.ge [sflag:s22], $0x80  }
0x25: {  	[sflag:s22] =	ssyncset.done $0x0  }
0x26: {  	[sflag:s22] =	ssyncadd.s32 $0xFFFFFF80  }
0x27: {  	_ =	swait.ge [sflag:s22], $0x80  }
0x28: {  	[sflag:s22] =	ssyncset.done $0x0  }
0x29: {  	[sflag:s22] =	ssyncadd.s32 $0xFFFFFF80  }
0x2a: {  	[tilespmem:s23], [sflag:$0x3] =	stream.indirect.gather [hbm4b:s4+s20], $0x80, s3, s20, $0xb8;
	[tilespmem:$0x1C200] =	vst v63  }
0x2b: {  	_ =	swait.ge [sflag:s24], $0x80  }
0x2c: {  	[sflag:s24] =	ssyncset.done $0x0  }
0x2d: {  	[sflag:s24] =	ssyncadd.s32 $0xFFFFFF80  }
0x2e: {  	_ =	swait.ge [sflag:s24], $0x80  }
0x2f: {  	[sflag:s24] =	ssyncset.done $0x0  }
0x30: {  	[sflag:s24] =	ssyncadd.s32 $0xFFFFFF80  }
0x31: {  	[tilespmem:s25], [sflag:$0x4] =	stream.indirect.gather [hbm4b:s4+s20], $0x80, s20, s20, $0xb8;
	[tilespmem:$0x1C200] =	vst v63  }
0x32: {  	_ =	swait.ge [sflag:s26], $0x4000  }
0x33: {  	[sflag:s26] =	ssyncset.done $0x0  }
0x34: {  	[sflag:s26] =	ssyncadd.s32 $0xFFFFC000  }
0x35: {  	[spmem:s2] =	stream.indirect.scatter.add.f32 [tilespmem:s23], [sflag:$0x5], $0x80, s19, s20, $0xb8;
	[tilespmem:$0x1C200] =	vst v63  }
0x36: {  	_ =	swait.ge [sflag:s18], $0x4000  }
0x37: {  	[sflag:s18] =	ssyncset.done $0x0  }
0x38: {  	s30 =	sadd.s32 $0x0, s15;
	[sflag:s18] =	ssyncadd.s32 $0xFFFFC000  }
0x39: {  	[tilespmem:s3], [sflag:$0x1] =	stream.linear.gather [hbm4b:s30+s3], $0x80, $0x38;
	[tilespmem:$0x1C200] =	vst v63  }
0x3a: {  	s30 =	sadd.s32 $0x0, s16  }
0x3b: {  	[tilespmem:s19], [sflag:$0x1] =	stream.linear.gather [hbm4b:s30+s3], $0x80, $0x38;
	[tilespmem:$0x1C200] =	vst v63  }
0x3c: {  	_ =	swait.ge [sflag:s28], $0x4000  }
0x3d: {  	[sflag:s28] =	ssyncset.done $0x0  }
0x3e: {  	[sflag:s28] =	ssyncadd.s32 $0xFFFFC000  }
0x3f: {  	[spmem:s2] =	stream.indirect.scatter.add.f32 [tilespmem:s25], [sflag:$0x5], $0x80, s21, s20, $0xb8;
	[tilespmem:$0x1C200] =	vst v63  }
0x40: {  	_ =	swait.ge [sflag:s18], $0x4000  }
0x41: {  	[sflag:s18] =	ssyncset.done $0x0  }
0x42: {  	s30 =	sadd.s32 $0x0, s13;
	[sflag:s18] =	ssyncadd.s32 $0xFFFFC000  }
0x43: {  	[tilespmem:s20], [sflag:$0x2] =	stream.linear.gather [hbm4b:s30+s3], $0x80, $0x38;
	[tilespmem:$0x1C200] =	vst v63  }
0x44: {  	s30 =	sadd.s32 $0x0, s14  }
0x45: {  	[tilespmem:s21], [sflag:$0x2] =	stream.linear.gather [hbm4b:s30+s3], $0x80, $0x38;
	[tilespmem:$0x1C200] =	vst v63  }
0x46: {  	_ =	swait.ge [sflag:s22], $0x80  }
0x47: {  	[sflag:s22] =	ssyncset.done $0x0  }
0x48: {  	[sflag:s22] =	ssyncadd.s32 $0xFFFFFF80  }
0x49: {  	_ =	swait.ge [sflag:s22], $0x80  }
0x4a: {  	[sflag:s22] =	ssyncset.done $0x0  }
0x4b: {  	[sflag:s22] =	ssyncadd.s32 $0xFFFFFF80  }
0x4c: {  	[tilespmem:s23], [sflag:$0x3] =	stream.indirect.gather [hbm4b:s4+s20], $0x80, s3, s20, $0xb8;
	[tilespmem:$0x1C200] =	vst v63  }
0x4d: {  	_ =	swait.ge [sflag:s24], $0x80  }
0x4e: {  	[sflag:s24] =	ssyncset.done $0x0  }
0x4f: {  	[sflag:s24] =	ssyncadd.s32 $0xFFFFFF80  }
0x50: {  	_ =	swait.ge [sflag:s24], $0x80  }
0x51: {  	[sflag:s24] =	ssyncset.done $0x0  }
0x52: {  	s30 =	simm.s32 $0x20;
	[sflag:s24] =	ssyncadd.s32 $0xFFFFFF80  }
.LBB2_2:
0x53: {  	[tilespmem:s25], [sflag:$0x4] =	stream.indirect.gather [hbm4b:s4+s20], $0x80, s20, s20, $0xb8;
	[tilespmem:$0x1C200] =	vst v63  }
0x54: {  	s31 =	smov.u32 s30  }
0x55: {  	p0 =	sne.s32 s30, $0x4C0;
	s30 =	sadd.s32 $0x20, s30;
	_ =	swait.ge [sflag:s26], $0x4000  }
0x56: {  	[sflag:s26] =	ssyncset.done $0x0  }
0x57: {  	[sflag:s26] =	ssyncadd.s32 $0xFFFFC000  }
0x58: {  	[spmem:s2] =	stream.indirect.scatter.add.f32 [tilespmem:s23], [sflag:$0x5], $0x80, s19, s20, $0xb8;
	[tilespmem:$0x1C200] =	vst v63  }
0x59: {  	_ =	swait.ge [sflag:s18], $0x4000  }
0x5a: {  	[sflag:s18] =	ssyncset.done $0x0  }
0x5b: {  	s0 =	sadd.s32 s31, s15;
	[sflag:s18] =	ssyncadd.s32 $0xFFFFC000  }
0x5c: {  	[tilespmem:s3], [sflag:$0x1] =	stream.linear.gather [hbm4b:s0+s3], $0x80, $0x38;
	[tilespmem:$0x1C200] =	vst v63  }
0x5d: {  	s0 =	sadd.s32 s31, s16  }
0x5e: {  	[tilespmem:s19], [sflag:$0x1] =	stream.linear.gather [hbm4b:s0+s3], $0x80, $0x38;
	[tilespmem:$0x1C200] =	vst v63  }
0x5f: {  	_ =	swait.ge [sflag:s28], $0x4000  }
0x60: {  	[sflag:s28] =	ssyncset.done $0x0  }
0x61: {  	[sflag:s28] =	ssyncadd.s32 $0xFFFFC000  }
0x62: {  	[spmem:s2] =	stream.indirect.scatter.add.f32 [tilespmem:s25], [sflag:$0x5], $0x80, s21, s20, $0xb8;
	[tilespmem:$0x1C200] =	vst v63  }
0x63: {  	_ =	swait.ge [sflag:s18], $0x4000  }
0x64: {  	[sflag:s18] =	ssyncset.done $0x0  }
0x65: {  	s0 =	sadd.s32 s31, s13;
	[sflag:s18] =	ssyncadd.s32 $0xFFFFC000  }
0x66: {  	[tilespmem:s20], [sflag:$0x2] =	stream.linear.gather [hbm4b:s0+s3], $0x80, $0x38;
	[tilespmem:$0x1C200] =	vst v63  }
0x67: {  	s0 =	sadd.s32 s31, s14  }
0x68: {  	[tilespmem:s21], [sflag:$0x2] =	stream.linear.gather [hbm4b:s0+s3], $0x80, $0x38;
	[tilespmem:$0x1C200] =	vst v63  }
0x69: {  	_ =	swait.ge [sflag:s22], $0x80  }
0x6a: {  	[sflag:s22] =	ssyncset.done $0x0  }
0x6b: {  	[sflag:s22] =	ssyncadd.s32 $0xFFFFFF80  }
0x6c: {  	_ =	swait.ge [sflag:s22], $0x80  }
0x6d: {  	[sflag:s22] =	ssyncset.done $0x0  }
0x6e: {  	[sflag:s22] =	ssyncadd.s32 $0xFFFFFF80  }
0x6f: {  	[tilespmem:s23], [sflag:$0x3] =	stream.indirect.gather [hbm4b:s4+s20], $0x80, s3, s20, $0xb8;
	[tilespmem:$0x1C200] =	vst v63  }
0x70: {  	_ =	swait.ge [sflag:s24], $0x80  }
.Ltmp0:
0x71: {  	[sflag:s24] =	ssyncset.done $0x0;
	(pc) =	sbr.rel @p0 .LBB2_2-.Ltmp0, $4  }
0x72: {  	[sflag:s24] =	ssyncadd.s32 $0xFFFFFF80  }
0x73: {  	_ =	swait.ge [sflag:s24], $0x80  }
0x74: {  	[sflag:s24] =	ssyncset.done $0x0  }
0x75: {  	[sflag:s24] =	ssyncadd.s32 $0xFFFFFF80  }
0x76: {  	[tilespmem:s25], [sflag:$0x4] =	stream.indirect.gather [hbm4b:s4+s20], $0x80, s20, s20, $0xb8;
	[tilespmem:$0x1C200] =	vst v63  }
0x77: {  	_ =	swait.ge [sflag:s26], $0x4000  }
0x78: {  	[sflag:s26] =	ssyncset.done $0x0  }
0x79: {  	[sflag:s26] =	ssyncadd.s32 $0xFFFFC000  }
0x7a: {  	[spmem:s2] =	stream.indirect.scatter.add.f32 [tilespmem:s23], [sflag:$0x5], $0x80, s19, s20, $0xb8;
	[tilespmem:$0x1C200] =	vst v63  }
0x7b: {  	_ =	swait.ge [sflag:s18], $0x4000  }
0x7c: {  	[sflag:s18] =	ssyncset.done $0x0  }
0x7d: {  	[sflag:s18] =	ssyncadd.s32 $0xFFFFC000  }
0x7e: {  	_ =	swait.ge [sflag:s28], $0x4000  }
0x7f: {  	[sflag:s28] =	ssyncset.done $0x0  }
0x80: {  	[sflag:s28] =	ssyncadd.s32 $0xFFFFC000  }
0x81: {  	[spmem:s2] =	stream.indirect.scatter.add.f32 [tilespmem:s25], [sflag:$0x5], $0x80, s21, s20, $0xb8;
	[tilespmem:$0x1C200] =	vst v63  }
0x82: {  	_ =	swait.ge [sflag:s18], $0x4000  }
0x83: {  	s29 =	sadd.s32 $0x1, s29;
	[sflag:s18] =	ssyncset.done $0x0  }
0x84: {  	p0 =	sne.s32 s29, s12;
	[sflag:s18] =	ssyncadd.s32 $0xFFFFC000  }
.Ltmp1:
0x85: {  	[bflag:$0x0] =	sbarrier.arrive $0xFFFF;
	(pc) =	sbr.rel @p0 .LBB2_1-.Ltmp1, $4  }
0x86: {  	[hbm:s11], [sflag:s6] =	dma.local [spmem:s17], $0x2800  }
0x87: {  	_ =	swait.ge [sflag:s18], $0x2800  }
0x88: {  	[sflag:s18] =	ssyncset.done $0x0  }
0x89: {  	[sflag:s18] =	ssyncadd.s32 $0xFFFFD800  }
0x8a: {  	_ =	sfence.sel $0x180000  }
0x8b: {  	[bflag:$0x0] =	sbarrier.arrive $0xFFFF  }
0x8c: {  	_ =	strace $0x9000004D  }
0x8d: {  	[bflag:$0x2] =	sbarrier.arrive $0xFFFF  }
0x8e: {  	p0 =	sne.s32 s1, $0x0;
	s0 =	rddreg [dreg:$0x4]  }
0x8f: {  	s0 =	sadd.s32 @!p0 $0x100000, s0  }
0x90: {  	[sflag:s0] =	ssyncadd.tile.s32 @!p0 $0x1;
	_ =	shalt  }
.Lfunc_end2:
_tile_overlayer_lowered:
.L_overlay_start_2:
0x91: {  	(tag) =	ssettag $0x2  }
0x92: {  	s0 =	rddreg [dreg:$0x0];
	s2 =	stileid.u32  }
0x93: {  	s1 =	rddreg [dreg:$0x1];
	p0 =	sne.s32 s2, $0x0  }
0x94: {  	s3 =	rddreg [dreg:$0x2];
	[bflag:$0x3] =	sbarrier.arrive $0xFFFF;
	s2 =	simm.s32 @!p0 $0x1C05  }
0x95: {  	[timem:s3], [sflag:s2] =	dma.local @!p0 [hbm:s0], s1  }
0x96: {  	s0 =	simm.s32 @!p0 $0x5  }
0x97: {  	_ =	swait.ge @!p0 [sflag:s0], s1  }
0x98: {  	s1 =	ssub.s32 @!p0 $0x0, s1;
	[sflag:s0] =	ssyncset.done @!p0 $0x0  }
0x99: {  	[sflag:s0] =	ssyncadd.s32 @!p0 s1  }
0x9a: {  	[bflag:$0x3] =	sbarrier.arrive $0xFFFF  }
0x9b: {  	_ =	shalt  }

// kernel: kernel.8.cloned.1.call-start
scs
__scs_entry_jumppad:
0x0: {  	(pc) =	sbr.rel $0x88, $3  }
0x1: {  	(tag) =	ssettag $0x0;
	lr =	simm.s32 $0x1  }
0x2: {  	[smem:$0x3F97] =	sst lr;
	_ =	strace $0xD0000000  }
0x3: {  	_ = 	snop  }
0x4: {  	_ = 	snop  }
0x5: {  	_ = 	snop  }
0x6: {  	_ = 	snop  }
0x7: {  	_ = 	snop  }
__scs_overlays_trampoline_lowered:
0x8: {  	[smem:$0x3FA6] =	sst s0  }
0x9: {  	[smem:$0x3FA7] =	sst s1  }
0xa: {  	[smem:$0x3FA8] =	sst s2  }
0xb: {  	[smem:$0x3FA9] =	sst s3  }
0xc: {  	[smem:$0x3FAA] =	sst s4  }
0xd: {  	[smem:$0x3FAB] =	sst s5  }
0xe: {  	[smem:$0x3FAC] =	sst s6  }
0xf: {  	[smem:$0x3FAD] =	sst s7  }
0x10: {  	[smem:$0x3FAE] =	sst s8  }
0x11: {  	[smem:$0x3FAF] =	sst s9;
	s0 =	simm.s32 @!p0 $0x0  }
0x12: {  	s1 =	sld [smem:$0x3F95];
	s0 =	simm.s32 @p0 $0x1  }
0x13: {  	[smem:$0x3FB0] =	sst s0;
	s0 =	simm.s32 @!p1 $0x0  }
0x14: {  	s2 =	sld [smem:$0x3F94];
	s0 =	simm.s32 @p1 $0x1  }
0x15: {  	[smem:$0x3FB1] =	sst s0;
	s0 =	simm.s32 @!p2 $0x0  }
0x16: {  	s3 =	sld [smem:$0x3FDB];
	s0 =	simm.s32 @p2 $0x1  }
0x17: {  	s4 =	simm.s32 $0x1BF5;
	[smem:$0x3FB3] =	sst s0  }
0x18: {  	s0 =	sld [smem:$0x3F96];
	_ =	swait.ge [sflag:s4], $0x0  }
0x19: {  	s7 =	sld [smem:$0x3F97]  }
0x1a: {  	s8 =	sadd.s32 $0xFFFFE003, lr  }
0x1b: {  	s9 =	sadd.s32 $0xFFFFFEF7, lr;
	s5 =	simm.s32 $0xFFFFFFFF;
	p2 =	slt.u32 s8, $0xFFFFF086  }
0x1c: {  	p1 =	slt.u32 s9, $0xF7A;
	s5 =	simm.s32 @!p2 $0x0  }
0x1d: {  	s5 =	simm.s32 @p1 $0x1;
	p0 =	seq.s32 s7, s2  }
0x1e: {  	s7 =	smul.u32 @!p0 $0xF7A, s2;
	p2 =	seq.s32 @!p0 s5, $0x0  }
0x1f: {  	s9 =	smul.u32 $0xF7A, s1;
	s8 =	simm.s32 @!p0 $0x1BF5;
	p2 =	por !p2, p0  }
0x20: {  	[sflag:s8] =	ssyncset.s32 @!p0 $0xFFFFF086;
	s6 =	sadd.s32 @!p0 s3, s7;
	s7 =	simm.s32 @!p0 $0x108  }
0x21: {  	s3 =	sadd.s32 s3, s9;
	s6 =	sadd.s32 @!p0 $0x88, s6;
	s7 =	simm.s32 @p2 $0x1082  }
0x22: {  	[simem:s7], [sflag:s8] =	dma.local @!p0 [hbm:s6], $0xF7A  }
0x23: {  	s9 =	sor.u32 $0xD0000000, s2;
	s6 =	simm.s32 $0x108;
	_ =	swait.ge @!p0 [sflag:s8], $0x0  }
0x24: {  	s3 =	sadd.s32 $0x88, s3;
	s6 =	simm.s32 @!p1 $0x1082;
	[sflag:s4] =	ssyncset.s32 $0xFFFFF086  }
0x25: {  	[simem:s6], [sflag:s4] =	dma.local [hbm:s3], $0xF7A  }
0x26: {  	[smem:$0x3F97] =	sst s1;
	(tag) =	ssettag s2;
	_ =	strace s9  }
0x27: {  	s1 =	sld [smem:$0x3FA7]  }
0x28: {  	s2 =	sld [smem:$0x3FA8]  }
0x29: {  	s4 =	sld [smem:$0x3FAA]  }
0x2a: {  	p0 =	seq.s32 s5, $0x0;
	s5 =	sld [smem:$0x3FAB]  }
0x2b: {  	s6 =	sld [smem:$0x3FAC]  }
0x2c: {  	s7 =	sld [smem:$0x3FAD]  }
0x2d: {  	s3 =	simm.s32 $0x108;
	s8 =	sld [smem:$0x3FAE]  }
0x2e: {  	s3 =	simm.s32 @!p0 $0x1082;
	s9 =	sld [smem:$0x3FAF]  }
0x2f: {  	lr =	sadd.s32 s0, s3;
	s0 =	sld [smem:$0x3FA6]  }
0x30: {  	s3 =	sld [smem:$0x3FA9]  }
0x31: {  	[smem:$0x3FB2] =	sst s10  }
0x32: {  	s10 =	sld [smem:$0x3FB0];
	_ =	sdelay $0x3  }
0x33: {  	p0 =	seq.s32 s10, $0x1;
	s10 =	sld [smem:$0x3FB2];
	_ =	sdelay $0x3  }
0x34: {  	[smem:$0x3FB2] =	sst s10  }
0x35: {  	s10 =	sld [smem:$0x3FB1];
	_ =	sdelay $0x3  }
0x36: {  	p1 =	seq.s32 s10, $0x1;
	s10 =	sld [smem:$0x3FB2];
	_ =	sdelay $0x3  }
0x37: {  	[smem:$0x3FB2] =	sst s10  }
0x38: {  	s10 =	sld [smem:$0x3FB3]  }
0x39: {  	_ = 	snop;
	(pc) =	sbr.ind lr, $3  }
0x3a: {  	_ = 	snop  }
0x3b: {  	_ = 	snop  }
0x3c: {  	p2 =	seq.s32 s10, $0x1;
	s10 =	sld [smem:$0x3FB2]  }
0x3d: {  	_ =	shalt  }
0x3e: {  	_ =	shalt  }
0x3f: {  	_ =	shalt  }
0x40: {  	_ =	shalt  }
0x41: {  	_ =	shalt  }
0x42: {  	_ =	shalt  }
0x43: {  	_ =	shalt  }
0x44: {  	_ =	shalt  }
0x45: {  	_ =	shalt  }
0x46: {  	_ =	shalt  }
0x47: {  	_ =	shalt  }
0x48: {  	_ =	shalt  }
0x49: {  	_ =	shalt  }
0x4a: {  	_ =	shalt  }
0x4b: {  	_ =	shalt  }
0x4c: {  	_ =	shalt  }
0x4d: {  	_ =	shalt  }
0x4e: {  	_ =	shalt  }
0x4f: {  	_ =	shalt  }
0x50: {  	_ =	shalt  }
0x51: {  	_ =	shalt  }
0x52: {  	_ =	shalt  }
0x53: {  	_ =	shalt  }
0x54: {  	_ =	shalt  }
0x55: {  	_ =	shalt  }
0x56: {  	_ =	shalt  }
0x57: {  	_ =	shalt  }
0x58: {  	_ =	shalt  }
0x59: {  	_ =	shalt  }
0x5a: {  	_ =	shalt  }
0x5b: {  	_ =	shalt  }
0x5c: {  	_ =	shalt  }
0x5d: {  	_ =	shalt  }
0x5e: {  	_ =	shalt  }
0x5f: {  	_ =	shalt  }
0x60: {  	_ =	shalt  }
0x61: {  	_ =	shalt  }
0x62: {  	_ =	shalt  }
0x63: {  	_ =	shalt  }
0x64: {  	_ =	shalt  }
0x65: {  	_ =	shalt  }
0x66: {  	_ =	shalt  }
0x67: {  	_ =	shalt  }
0x68: {  	_ =	shalt  }
0x69: {  	_ =	shalt  }
0x6a: {  	_ =	shalt  }
0x6b: {  	_ =	shalt  }
0x6c: {  	_ =	shalt  }
0x6d: {  	_ =	shalt  }
0x6e: {  	_ =	shalt  }
0x6f: {  	_ =	shalt  }
0x70: {  	_ =	shalt  }
0x71: {  	_ =	shalt  }
0x72: {  	_ =	shalt  }
0x73: {  	_ =	shalt  }
0x74: {  	_ =	shalt  }
0x75: {  	_ =	shalt  }
0x76: {  	_ =	shalt  }
0x77: {  	_ =	shalt  }
0x78: {  	_ =	shalt  }
0x79: {  	_ =	shalt  }
0x7a: {  	_ =	shalt  }
0x7b: {  	_ =	shalt  }
0x7c: {  	_ =	shalt  }
0x7d: {  	_ =	shalt  }
0x7e: {  	_ =	shalt  }
0x7f: {  	_ =	shalt  }
0x80: {  	_ =	shalt  }
0x81: {  	_ =	shalt  }
0x82: {  	_ =	shalt  }
0x83: {  	_ =	shalt  }
0x84: {  	_ =	shalt  }
0x85: {  	_ =	shalt  }
0x86: {  	_ =	shalt  }
0x87: {  	_ =	shalt  }
.Lfunc_end0:
.L_simem_size_0:
called_computation_lowered:
.L_overlay_start_0:
0x88: {  	s2 =	sld [smem:$0x3FD9]  }
0x89: {  	s3 =	sld [smem:$0x3FFE];
	_ =	sdelay $0x1  }
0x8a: {  	s1 =	srdreg.scid  }
0x8b: {  	s0 =	sand.u32 $0x1, s1  }
0x8c: {  	s14 =	sshll.u32 s0, $0xA;
	s2 =	sadd.s32 s3, s2  }
0x8d: {  	s2 =	sadd.s32 s2, s14  }
0x8e: {  	[smem:$0x3FBE] =	sst s2  }
0x8f: {  	_ = 	snop  }
0x90: {  	s2 =	sld [smem:$0x3FD0];
	_ =	sdelay $0x2  }
0x91: {  	s15 =	simm.s32 $0xA;
	s4 =	simm.s32 $0x10  }
0x92: {  	[smem:s4], [sflag:s15] =	dma.local [hbm:s2], $0x1  }
0x93: {  	_ =	swait.eq [sflag:s15], $0x1  }
0x94: {  	[sflag:s15] =	ssyncset.done $0x0  }
0x95: {  	s16 =	sld [smem:$0x10];
	[sflag:s15] =	ssyncadd.s32 $0xFFFFFFFF  }
0x96: {  	s17 =	sld [smem:$0x11];
	(tm) =	ssettm $0x1  }
0x97: {  	s18 =	sld [smem:$0x3FFB];
	_ =	sdelay $0x3  }
0x98: {  	_ =	strace s18  }
0x99: {  	s4 =	sld [smem:$0x3FFC];
	_ =	sdelay $0x3  }
0x9a: {  	_ =	strace s4  }
0x9b: {  	s4 =	sld [smem:$0x3FFD];
	_ =	sdelay $0x3  }
0x9c: {  	_ =	strace s4  }
0x9d: {  	_ =	strace $0x8FFFFFFF  }
0x9e: {  	s19 =	sld [smem:$0x3FDB];
	_ =	sdelay $0x1  }
0x9f: {  	s5 =	simm.s32 $_scs_section_size  }
0xa0: {  	s6 =	simm.s32 $_size__tile_overlayer_lowered;
	s7 =	simm.s32 $_tile_overlayer_lowered  }
0xa1: {  	s22 =	simm.s32 $0x1BFF;
	s21 =	sshll.u32 s7, $0x1;
	s4 =	sadd.s32 s5, s19  }
0xa2: {  	s8 =	simm.s32 $0x0;
	s20 =	sshll.u32 s6, $0x1;
	s6 =	sadd.s32 s21, s4  }
0xa3: {  	[timem:s8], [sflag:s22] =	dma.local [hbm:s6], s20  }
0xa4: {  	_ =	swait.ge [sflag:s22], s20  }
0xa5: {  	s5 =	ssub.s32 $0x0, s20;
	[sflag:s22] =	ssyncset.done $0x0  }
0xa6: {  	[sflag:s22] =	ssyncadd.s32 s5;
	_ =	sdelay $0x1  }
0xa7: {  	s23 =	simm.s32 $0x1B8B  }
0xa8: {  	_ =	swait.ge [sflag:s23], $0x1  }
0xa9: {  	[sflag:s23] =	ssyncset.done $0x0  }
0xaa: {  	s25 =	simm.s32 $0x1B8E;
	s24 =	sld [smem:$0x3FFE];
	[sflag:s23] =	ssyncadd.s32 $0xFFFFFFFF  }
0xab: {  	s26 =	simm.s32 $execute0_lowered;
	[smem:$0x3FD2] =	sst s25  }
0xac: {  	s6 =	sshll.u32 s26, $0x1;
	_ =	strace $0x80000046;
	[dreg:$0x1] =	wrdreg $0xFFFFFFFF  }
0xad: {  	s28 =	simm.s32 $_size_execute0_lowered;
	s4 =	sadd.s32 s4, s6;
	[dreg:$0x0] =	wrdreg $0x0  }
0xae: {  	s6 =	sshll.u32 s28, $0x1;
	[dreg:$0x2] =	wrdreg s4  }
0xaf: {  	[dreg:$0x3] =	wrdreg s6  }
0xb0: {  	[dreg:$0x4] =	wrdreg $0xC0  }
0xb1: {  	_ =	task [dreg:s8], $0x5FFFF  }
0xb2: {  	[dreg:$0x1] =	wrdreg $0xFFFFFFFF  }
0xb3: {  	[dreg:$0x0] =	wrdreg $0x60  }
0xb4: {  	[dreg:$0x2] =	wrdreg s17  }
0xb5: {  	[dreg:$0x3] =	wrdreg s16  }
0xb6: {  	[dreg:$0x4] =	wrdreg s24  }
0xb7: {  	[dreg:$0x5] =	wrdreg $0x4800  }
0xb8: {  	[dreg:$0x6] =	wrdreg $0x9  }
0xb9: {  	_ =	task.clear_ibuf [dreg:s8], $0x7FFFF;
	_ =	strace $0x90000046  }
0xba: {  	s29 =	simm.s32 $0x9;
	_ =	strace $0x80000048  }
0xbb: {  	_ =	swait.ge [sflag:s29], $0x1  }
0xbc: {  	[sflag:s29] =	ssyncadd.s32 $0xFFFFFFFF  }
0xbd: {  	_ =	strace $0x90000048  }
0xbe: {  	_ =	sfence  }
0xbf: {  	s30 =	sld [smem:$0x0];
	_ =	sdelay $0x2  }
0xc0: {  	s31 =	sshll.u32 s1, $0xD;
	s1 =	sshrl.u32 s1, $0x2  }
0xc1: {  	s3 =	sand.u32 $0x4000, s31;
	s1 =	sadd.s32 s1, s30  }
0xc2: {  	s0 =	sor.u32 s3, s0;
	s1 =	sshll.u32 s1, $0x11  }
0xc3: {  	s0 =	sor.u32 s1, s0  }
0xc4: {  	s0 =	sadd.s32 $0x8F2B, s0  }
0xc5: {  	[sflag:s0] =	ssyncadd.remote.s32 $0x1  }
0xc6: {  	_ =	sfence.sel $0xFFFF  }
0xc7: {  	[dreg:$0x0] =	wrdreg $0xFFFFFFFF;
	(pc) =	sbr.abs _section_cstart, $3  }
0xc8: {  	[dreg:$0x1] =	wrdreg $0xFFFFFFFF  }
0xc9: {  	_ =	task.clear_ibuf [dreg:s8], $0x2FFFF;
	_ =	strace $0x9FFFFFFF  }
0xca: {  	(tm) =	ssettm $0x7FFFFFFF  }
0xcb: {  	_ =	shalt  }
tec
execute0_lowered:
.L_overlay_start_1:
0x0: {  	(tag) =	ssettag $0x1  }
0x1: {  	s0 =	rddreg [dreg:$0x0]  }
0x2: {  	s1 =	rddreg [dreg:$0x1]  }
0x3: {  	s4 =	rddreg [dreg:$0x2]  }
0x4: {  	s2 =	rddreg [dreg:$0x3]  }
0x5: {  	s10 =	stileid.u32;
	s3 =	simm.s32 $0x0;
	s6 =	srdreg.scid  }
0x6: {  	s28 =	simm.s32 $0x11;
	s29 =	simm.s32 $0x80;
	s30 =	simm.s32 $0x100  }
0x7: {  	s31 =	simm.s32 $0x180;
	s5 =	smul.u32 $0x280, s10;
	[smem:$0x7FF] =	sst s3  }
0x8: {  	s6 =	sand.u32 $0x1, s6;
	s11 =	smul.u32 $0xA00, s10;
	s12 =	sadd.s32 $0x3000, s4  }
0x9: {  	_ =	strace $0x80000047;
	s7 =	ssub.s32 $0x2, s6;
	[dreg:$0x6] =	wrdreg s12  }
0xa: {  	s8 =	sshrl.u32 s5, $0x3;
	s25 =	sshrl.u32 s7, $0x1;
	s5 =	sadd.s32 s5, s2  }
0xb: {  	[dreg:$0x5] =	wrdreg s8;
	s9 =	sadd.s32 s8, s4;
	s4 =	sadd.s32 $0x3600, s4  }
0xc: {  	s26 =	ssub.s32 s7, s25;
	[dreg:$0x8] =	wrdreg s5;
	s7 =	sshll.u32 s10, $0x6  }
0xd: {  	s8 =	sadd.s32 s1, s11;
	[dreg:$0x7] =	wrdreg s4;
	s10 =	sadd.s32 $0x2A00, s9  }
0xe: {  	p0 =	sne.s32 s6, $0x0;
	s12 =	sadd.s32 $0x10, s8;
	[dreg:$0x9] =	wrdreg s10  }
0xf: {  	s6 =	simm.s32 $0x380;
	s13 =	sadd.s32 $0x20, s8;
	[dreg:$0xa] =	wrdreg s12  }
0x10: {  	s1 =	simm.s32 $0x280;
	s14 =	sadd.s32 $0x30, s8;
	[dreg:$0xb] =	wrdreg s13  }
0x11: {  	s5 =	simm.s32 $0x300;
	s15 =	sadd.s32 $0x40, s8;
	[dreg:$0xc] =	wrdreg s14  }
0x12: {  	s16 =	sadd.s32 $0x50, s8;
	s17 =	sadd.s32 $0x60, s8;
	[dreg:$0xd] =	wrdreg s15  }
0x13: {  	s18 =	sadd.s32 $0x70, s8;
	s25 =	smax.u32 s26, $0x1;
	[dreg:$0xe] =	wrdreg s16  }
0x14: {  	s4 =	simm.s32 $0xF;
	s9 =	simm.s32 $0x10;
	[dreg:$0xf] =	wrdreg s17  }
0x15: {  	s10 =	sor.u32 $0x1C11, s7;
	s17 =	sadd.s32 s0, s11;
	[dreg:$0x10] =	wrdreg s18  }
0x16: {  	[dreg:$0x17] =	wrdreg s25;
	s0 =	simm.s32 $0x200;
	s11 =	simm.s32 $0x1  }
0x17: {  	s12 =	simm.s32 $0x400;
	s13 =	simm.s32 $0x2;
	s19 =	sadd.s32 $0x10, s17  }
0x18: {  	s14 =	simm.s32 $0x3;
	s20 =	sadd.s32 $0x20, s17;
	[dreg:$0x11] =	wrdreg s19  }
0x19: {  	s15 =	simm.s32 $0x4;
	s21 =	sadd.s32 $0x30, s17;
	[dreg:$0x12] =	wrdreg s20  }
.Ltmp0:
0x1a: {  	s22 =	sadd.s32 $0x40, s17;
	[dreg:$0x13] =	wrdreg s21;
	(pc) =	sbr.rel .LBB2_1-.Ltmp0, $4  }
0x1b: {  	s16 =	simm.s32 $0x5;
	s23 =	sadd.s32 $0x50, s17;
	[dreg:$0x14] =	wrdreg s22  }
0x1c: {  	s18 =	simm.s32 $0x6;
	s24 =	sadd.s32 $0x60, s17;
	[dreg:$0x15] =	wrdreg s23  }
0x1d: {  	s25 =	simm.s32 $0x0;
	s26 =	sadd.s32 $0x70, s17;
	[dreg:$0x16] =	wrdreg s24  }
0x1e: {  	v0 =	vimm.f32 $1.000000000e+00;
	[dreg:$0x18] =	wrdreg s26;
	s19 =	simm.s32 $0x7;
	s20 =	simm.s32 $0x8  }
.LBB2_7:
0x1f: {  	s22 =	rddreg [dreg:$0x7]  }
0x20: {  	s22 =	smov.u32 @p1 s22  }
.LBB2_8:
0x21: {  	s7 =	simm.s32 $0x9  }
0x22: {  	_ =	swait.ge [sflag:s7], $0x80  }
0x23: {  	[sflag:s7] =	ssyncset.done $0x0  }
0x24: {  	s26 =	simm.s32 $0xA;
	[sflag:s7] =	ssyncadd.s32 $0xFFFFFF80  }
0x25: {  	_ =	swait.ge [sflag:s26], $0x80  }
0x26: {  	[sflag:s26] =	ssyncset.done $0x0  }
0x27: {  	s23 =	simm.s32 $0xB;
	[sflag:s26] =	ssyncadd.s32 $0xFFFFFF80  }
0x28: {  	_ =	swait.ge [sflag:s23], $0x80  }
0x29: {  	[sflag:s23] =	ssyncset.done $0x0  }
0x2a: {  	s24 =	simm.s32 $0xC;
	[sflag:s23] =	ssyncadd.s32 $0xFFFFFF80  }
0x2b: {  	_ =	swait.ge [sflag:s24], $0x80  }
0x2c: {  	[sflag:s24] =	ssyncset.done $0x0  }
0x2d: {  	s26 =	simm.s32 $0xD;
	[sflag:s24] =	ssyncadd.s32 $0xFFFFFF80  }
0x2e: {  	_ =	swait.ge [sflag:s26], $0x80  }
0x2f: {  	[sflag:s26] =	ssyncset.done $0x0  }
0x30: {  	s23 =	simm.s32 $0xE;
	[sflag:s26] =	ssyncadd.s32 $0xFFFFFF80  }
0x31: {  	_ =	swait.ge [sflag:s23], $0x80  }
0x32: {  	[sflag:s23] =	ssyncset.done $0x0  }
0x33: {  	[sflag:s23] =	ssyncadd.s32 $0xFFFFFF80  }
0x34: {  	_ =	swait.ge [sflag:s4], $0x80  }
0x35: {  	[sflag:s4] =	ssyncset.done $0x0  }
0x36: {  	[sflag:s4] =	ssyncadd.s32 $0xFFFFFF80  }
0x37: {  	_ =	swait.ge [sflag:s9], $0x80  }
0x38: {  	[sflag:s9] =	ssyncset.done $0x0  }
0x39: {  	s24 =	rddreg [dreg:$0x5];
	[sflag:s9] =	ssyncadd.s32 $0xFFFFFF80  }
0x3a: {  	s7 =	sadd.s32 s22, s24;
	[bflag:$0x0] =	sbarrier.arrive $0xFFFF  }
0x3b: {  	[hbm:s7], [sflag:s10] =	dma.local [spmem:s21], $0x50  }
0x3c: {  	_ =	swait.ge [sflag:s28], $0x50  }
0x3d: {  	s25 =	sadd.s32 $0x1, s25;
	s26 =	rddreg [dreg:$0x17]  }
0x3e: {  	p1 =	sne.s32 s25, s26  }
.Ltmp1:
0x3f: {  	_ = 	snop;
	(pc) =	sbr.rel @!p1 .LBB2_9-.Ltmp1, $3  }
0x40: {  	_ =	sdelay $0x1  }
0x41: {  	[sflag:s28] =	ssyncset.done $0x0  }
0x42: {  	[sflag:s28] =	ssyncadd.s32 $0xFFFFFFB0  }
.LBB2_1:
0x43: {  	[tilespmem:$0x400] =	vst v0  }
0x44: {  	[tilespmem:$0x410] =	vst v0  }
0x45: {  	[tilespmem:$0x420] =	vst v0  }
0x46: {  	[tilespmem:$0x430] =	vst v0  }
0x47: {  	[tilespmem:$0x440] =	vst v0  }
0x48: {  	[tilespmem:$0x450] =	vst v0  }
0x49: {  	[tilespmem:$0x460] =	vst v0;
	s7 =	rddreg [dreg:$0x8]  }
0x4a: {  	[tilespmem:$0x470] =	vst v0;
	s26 =	rddreg [dreg:$0x9];
	s21 =	sshrl.u32 s7, $0x3  }
0x4b: {  	[spmem:s21], [sflag:s10] =	dma.local [hbm:s26], $0x50  }
.Ltmp2:
0x4c: {  	_ =	swait.ge [sflag:s28], $0x50;
	(pc) =	sbr.rel @p0 .LBB2_5-.Ltmp2, $4  }
0x4d: {  	[sflag:s28] =	ssyncset.done $0x0  }
0x4e: {  	[sflag:s28] =	ssyncadd.s32 $0xFFFFFFB0  }
0x4f: {  	[bflag:$0x0] =	sbarrier.arrive $0xFFFF  }
0x50: {  	s22 =	simm.s32 $0x0  }
0x51: {  	[tilespmem:s22], [sflag:$0x1] =	stream.linear.gather [hbm4b:s17+s22], $0x80, $0x38;
	[tilespmem:$0x700] =	vst v63  }
0x52: {  	s7 =	rddreg [dreg:$0x11]  }
0x53: {  	[tilespmem:s29], [sflag:$0x2] =	stream.linear.gather [hbm4b:s7+s22], $0x80, $0x38;
	[tilespmem:$0x700] =	vst v63  }
0x54: {  	s23 =	rddreg [dreg:$0x12]  }
0x55: {  	[tilespmem:s30], [sflag:$0x3] =	stream.linear.gather [hbm4b:s23+s22], $0x80, $0x38;
	[tilespmem:$0x700] =	vst v63  }
0x56: {  	s24 =	rddreg [dreg:$0x13]  }
0x57: {  	[tilespmem:s31], [sflag:$0x4] =	stream.linear.gather [hbm4b:s24+s22], $0x80, $0x38;
	[tilespmem:$0x700] =	vst v63  }
0x58: {  	s26 =	rddreg [dreg:$0x14]  }
0x59: {  	[tilespmem:s0], [sflag:$0x5] =	stream.linear.gather [hbm4b:s26+s22], $0x80, $0x38;
	[tilespmem:$0x700] =	vst v63  }
0x5a: {  	s23 =	rddreg [dreg:$0x15]  }
0x5b: {  	[tilespmem:s1], [sflag:$0x6] =	stream.linear.gather [hbm4b:s23+s22], $0x80, $0x38;
	[tilespmem:$0x700] =	vst v63  }
0x5c: {  	s24 =	rddreg [dreg:$0x16]  }
0x5d: {  	[tilespmem:s5], [sflag:$0x7] =	stream.linear.gather [hbm4b:s24+s22], $0x80, $0x38;
	[tilespmem:$0x700] =	vst v63  }
0x5e: {  	s26 =	rddreg [dreg:$0x18]  }
0x5f: {  	[tilespmem:s6], [sflag:$0x8] =	stream.linear.gather [hbm4b:s26+s22], $0x80, $0x38;
	[tilespmem:$0x700] =	vst v63  }
.LBB2_3:
0x60: {  	_ =	swait.ge [sflag:s11], $0x80  }
0x61: {  	[sflag:s11] =	ssyncset.done $0x0  }
0x62: {  	[sflag:s11] =	ssyncadd.s32 $0xFFFFFF80  }
0x63: {  	[spmem:s2] =	stream.indirect.scatter.add.f32 [tilespmem:s12], [sflag:$0x9], $0x1, s3, s29, $0xb8;
	[tilespmem:$0x700] =	vst v63  }
0x64: {  	_ =	swait.ge [sflag:s13], $0x80  }
0x65: {  	[sflag:s13] =	ssyncset.done $0x0  }
0x66: {  	[sflag:s13] =	ssyncadd.s32 $0xFFFFFF80  }
0x67: {  	[spmem:s2] =	stream.indirect.scatter.add.f32 [tilespmem:s12], [sflag:$0xA], $0x1, s29, s29, $0xb8;
	[tilespmem:$0x700] =	vst v63  }
0x68: {  	_ =	swait.ge [sflag:s14], $0x80  }
0x69: {  	[sflag:s14] =	ssyncset.done $0x0  }
0x6a: {  	[sflag:s14] =	ssyncadd.s32 $0xFFFFFF80  }
0x6b: {  	[spmem:s2] =	stream.indirect.scatter.add.f32 [tilespmem:s12], [sflag:$0xB], $0x1, s30, s29, $0xb8;
	[tilespmem:$0x700] =	vst v63  }
0x6c: {  	_ =	swait.ge [sflag:s15], $0x80  }
0x6d: {  	[sflag:s15] =	ssyncset.done $0x0  }
0x6e: {  	[sflag:s15] =	ssyncadd.s32 $0xFFFFFF80  }
0x6f: {  	[spmem:s2] =	stream.indirect.scatter.add.f32 [tilespmem:s12], [sflag:$0xC], $0x1, s31, s29, $0xb8;
	[tilespmem:$0x700] =	vst v63  }
0x70: {  	_ =	swait.ge [sflag:s16], $0x80  }
0x71: {  	[sflag:s16] =	ssyncset.done $0x0  }
0x72: {  	[sflag:s16] =	ssyncadd.s32 $0xFFFFFF80  }
0x73: {  	[spmem:s2] =	stream.indirect.scatter.add.f32 [tilespmem:s12], [sflag:$0xD], $0x1, s0, s29, $0xb8;
	[tilespmem:$0x700] =	vst v63  }
0x74: {  	_ =	swait.ge [sflag:s18], $0x80  }
0x75: {  	[sflag:s18] =	ssyncset.done $0x0  }
0x76: {  	[sflag:s18] =	ssyncadd.s32 $0xFFFFFF80  }
0x77: {  	[spmem:s2] =	stream.indirect.scatter.add.f32 [tilespmem:s12], [sflag:$0xE], $0x1, s1, s29, $0xb8;
	[tilespmem:$0x700] =	vst v63  }
0x78: {  	_ =	swait.ge [sflag:s19], $0x80  }
0x79: {  	[sflag:s19] =	ssyncset.done $0x0  }
0x7a: {  	[sflag:s19] =	ssyncadd.s32 $0xFFFFFF80  }
0x7b: {  	[spmem:s2] =	stream.indirect.scatter.add.f32 [tilespmem:s12], [sflag:$0xF], $0x1, s5, s29, $0xb8;
	[tilespmem:$0x700] =	vst v63  }
0x7c: {  	_ =	swait.ge [sflag:s20], $0x80  }
0x7d: {  	p1 =	seq.s32 s22, $0x980;
	[sflag:s20] =	ssyncset.done $0x0  }
0x7e: {  	s23 =	simm.s32 @!p1 $0x9;
	[sflag:s20] =	ssyncadd.s32 $0xFFFFFF80  }
0x7f: {  	[spmem:s2] =	stream.indirect.scatter.add.f32 [tilespmem:s12], [sflag:$0x10], $0x1, s6, s29, $0xb8;
	[tilespmem:$0x700] =	vst v63  }
0x80: {  	_ =	swait.ge @!p1 [sflag:s23], $0x80  }
0x81: {  	s24 =	sadd.s32 @!p1 s22, s17;
	[sflag:s23] =	ssyncset.done @!p1 $0x0  }
0x82: {  	s26 =	simm.s32 @!p1 $0x0;
	[sflag:s23] =	ssyncadd.s32 @!p1 $0xFFFFFF80;
	s23 =	sadd.s32 @!p1 $0x80, s24  }
0x83: {  	[tilespmem:s26], [sflag:$0x1] =	stream.linear.gather @!p1 [hbm4b:s23+s26], $0x80, $0x38;
	[tilespmem:$0x700] =	vst v63  }
0x84: {  	s23 =	simm.s32 @!p1 $0xA  }
0x85: {  	_ =	swait.ge @!p1 [sflag:s23], $0x80  }
0x86: {  	[sflag:s23] =	ssyncset.done @!p1 $0x0  }
0x87: {  	s7 =	simm.s32 @!p1 $0x80;
	[sflag:s23] =	ssyncadd.s32 @!p1 $0xFFFFFF80;
	s23 =	sadd.s32 @!p1 $0x90, s24  }
0x88: {  	[tilespmem:s7], [sflag:$0x2] =	stream.linear.gather @!p1 [hbm4b:s23+s26], $0x80, $0x38;
	[tilespmem:$0x700] =	vst v63  }
0x89: {  	s7 =	simm.s32 @!p1 $0xB  }
0x8a: {  	_ =	swait.ge @!p1 [sflag:s7], $0x80  }
0x8b: {  	[sflag:s7] =	ssyncset.done @!p1 $0x0  }
0x8c: {  	s23 =	simm.s32 @!p1 $0x100;
	[sflag:s7] =	ssyncadd.s32 @!p1 $0xFFFFFF80;
	s7 =	sadd.s32 @!p1 $0xA0, s24  }
0x8d: {  	[tilespmem:s23], [sflag:$0x3] =	stream.linear.gather @!p1 [hbm4b:s7+s26], $0x80, $0x38;
	[tilespmem:$0x700] =	vst v63  }
0x8e: {  	s7 =	simm.s32 @!p1 $0xC  }
0x8f: {  	_ =	swait.ge @!p1 [sflag:s7], $0x80  }
0x90: {  	[sflag:s7] =	ssyncset.done @!p1 $0x0  }
0x91: {  	s23 =	simm.s32 @!p1 $0x180;
	[sflag:s7] =	ssyncadd.s32 @!p1 $0xFFFFFF80;
	s7 =	sadd.s32 @!p1 $0xB0, s24  }
0x92: {  	[tilespmem:s23], [sflag:$0x4] =	stream.linear.gather @!p1 [hbm4b:s7+s26], $0x80, $0x38;
	[tilespmem:$0x700] =	vst v63  }
0x93: {  	s7 =	simm.s32 @!p1 $0xD  }
0x94: {  	_ =	swait.ge @!p1 [sflag:s7], $0x80  }
0x95: {  	[sflag:s7] =	ssyncset.done @!p1 $0x0  }
0x96: {  	s23 =	simm.s32 @!p1 $0x200;
	[sflag:s7] =	ssyncadd.s32 @!p1 $0xFFFFFF80;
	s7 =	sadd.s32 @!p1 $0xC0, s24  }
0x97: {  	[tilespmem:s23], [sflag:$0x5] =	stream.linear.gather @!p1 [hbm4b:s7+s26], $0x80, $0x38;
	[tilespmem:$0x700] =	vst v63  }
0x98: {  	s7 =	simm.s32 @!p1 $0xE  }
0x99: {  	_ =	swait.ge @!p1 [sflag:s7], $0x80  }
0x9a: {  	[sflag:s7] =	ssyncset.done @!p1 $0x0  }
0x9b: {  	s23 =	simm.s32 @!p1 $0x280;
	[sflag:s7] =	ssyncadd.s32 @!p1 $0xFFFFFF80;
	s7 =	sadd.s32 @!p1 $0xD0, s24  }
0x9c: {  	[tilespmem:s23], [sflag:$0x6] =	stream.linear.gather @!p1 [hbm4b:s7+s26], $0x80, $0x38;
	[tilespmem:$0x700] =	vst v63  }
0x9d: {  	s22 =	sadd.s32 @!p1 $0x80, s22;
	s7 =	simm.s32 @!p1 $0xF  }
0x9e: {  	p2 =	seq.s32 @!p1 s22, $0xA00;
	_ =	swait.ge @!p1 [sflag:s7], $0x80  }
0x9f: {  	p2 =	por p1, p2;
	[sflag:s7] =	ssyncset.done @!p1 $0x0  }
0xa0: {  	s23 =	simm.s32 @!p1 $0x300;
	[sflag:s7] =	ssyncadd.s32 @!p1 $0xFFFFFF80;
	s7 =	sadd.s32 @!p1 $0xE0, s24  }
0xa1: {  	[tilespmem:s23], [sflag:$0x7] =	stream.linear.gather @!p1 [hbm4b:s7+s26], $0x80, $0x38;
	[tilespmem:$0x700] =	vst v63  }
.Ltmp3:
0xa2: {  	s7 =	simm.s32 @!p1 $0x10;
	(pc) =	sbr.rel @!p2 .LBB2_3-.Ltmp3, $4  }
0xa3: {  	_ =	swait.ge @!p1 [sflag:s7], $0x80  }
0xa4: {  	[sflag:s7] =	ssyncset.done @!p1 $0x0  }
0xa5: {  	s23 =	simm.s32 @!p1 $0x380;
	[sflag:s7] =	ssyncadd.s32 @!p1 $0xFFFFFF80;
	s7 =	sadd.s32 @!p1 $0xF0, s24  }
0xa6: {  	[tilespmem:s23], [sflag:$0x8] =	stream.linear.gather @!p1 [hbm4b:s7+s26], $0x80, $0x38;
	[tilespmem:$0x700] =	vst v63  }
.Ltmp4:
0xa7: {  	(pc) =	sbr.rel .LBB2_8-.Ltmp4, $3  }
0xa8: {  	_ =	sdelay $0x1  }
0xa9: {  	s22 =	rddreg [dreg:$0x6]  }
0xaa: {  	s22 =	smov.u32 @p1 s22  }
.LBB2_5:
0xab: {  	[tilespmem:s22], [sflag:$0x1] =	stream.linear.gather [hbm4b:s8+s22], $0x80, $0x38;
	[tilespmem:$0x700] =	vst v63  }
0xac: {  	s7 =	rddreg [dreg:$0xa]  }
0xad: {  	[tilespmem:s29], [sflag:$0x2] =	stream.linear.gather [hbm4b:s7+s22], $0x80, $0x38;
	[tilespmem:$0x700] =	vst v63  }
0xae: {  	s23 =	rddreg [dreg:$0xb]  }
0xaf: {  	[tilespmem:s30], [sflag:$0x3] =	stream.linear.gather [hbm4b:s23+s22], $0x80, $0x38;
	[tilespmem:$0x700] =	vst v63  }
0xb0: {  	s24 =	rddreg [dreg:$0xc]  }
0xb1: {  	[tilespmem:s31], [sflag:$0x4] =	stream.linear.gather [hbm4b:s24+s22], $0x80, $0x38;
	[tilespmem:$0x700] =	vst v63  }
0xb2: {  	s26 =	rddreg [dreg:$0xd]  }
0xb3: {  	[tilespmem:s0], [sflag:$0x5] =	stream.linear.gather [hbm4b:s26+s22], $0x80, $0x38;
	[tilespmem:$0x700] =	vst v63  }
0xb4: {  	s23 =	rddreg [dreg:$0xe]  }
0xb5: {  	[tilespmem:s1], [sflag:$0x6] =	stream.linear.gather [hbm4b:s23+s22], $0x80, $0x38;
	[tilespmem:$0x700] =	vst v63  }
0xb6: {  	s24 =	rddreg [dreg:$0xf]  }
0xb7: {  	[tilespmem:s5], [sflag:$0x7] =	stream.linear.gather [hbm4b:s24+s22], $0x80, $0x38;
	[tilespmem:$0x700] =	vst v63  }
0xb8: {  	s26 =	rddreg [dreg:$0x10]  }
0xb9: {  	[tilespmem:s6], [sflag:$0x8] =	stream.linear.gather [hbm4b:s26+s22], $0x80, $0x38;
	[tilespmem:$0x700] =	vst v63  }
.LBB2_6:
0xba: {  	_ =	swait.ge [sflag:s11], $0x80  }
0xbb: {  	[sflag:s11] =	ssyncset.done $0x0  }
0xbc: {  	[sflag:s11] =	ssyncadd.s32 $0xFFFFFF80  }
0xbd: {  	[spmem:s2] =	stream.indirect.scatter.add.f32 [tilespmem:s12], [sflag:$0x9], $0x1, s3, s29, $0xb8;
	[tilespmem:$0x700] =	vst v63  }
0xbe: {  	_ =	swait.ge [sflag:s13], $0x80  }
0xbf: {  	[sflag:s13] =	ssyncset.done $0x0  }
0xc0: {  	[sflag:s13] =	ssyncadd.s32 $0xFFFFFF80  }
0xc1: {  	[spmem:s2] =	stream.indirect.scatter.add.f32 [tilespmem:s12], [sflag:$0xA], $0x1, s29, s29, $0xb8;
	[tilespmem:$0x700] =	vst v63  }
0xc2: {  	_ =	swait.ge [sflag:s14], $0x80  }
0xc3: {  	[sflag:s14] =	ssyncset.done $0x0  }
0xc4: {  	[sflag:s14] =	ssyncadd.s32 $0xFFFFFF80  }
0xc5: {  	[spmem:s2] =	stream.indirect.scatter.add.f32 [tilespmem:s12], [sflag:$0xB], $0x1, s30, s29, $0xb8;
	[tilespmem:$0x700] =	vst v63  }
0xc6: {  	_ =	swait.ge [sflag:s15], $0x80  }
0xc7: {  	[sflag:s15] =	ssyncset.done $0x0  }
0xc8: {  	[sflag:s15] =	ssyncadd.s32 $0xFFFFFF80  }
0xc9: {  	[spmem:s2] =	stream.indirect.scatter.add.f32 [tilespmem:s12], [sflag:$0xC], $0x1, s31, s29, $0xb8;
	[tilespmem:$0x700] =	vst v63  }
0xca: {  	_ =	swait.ge [sflag:s16], $0x80  }
0xcb: {  	[sflag:s16] =	ssyncset.done $0x0  }
0xcc: {  	[sflag:s16] =	ssyncadd.s32 $0xFFFFFF80  }
0xcd: {  	[spmem:s2] =	stream.indirect.scatter.add.f32 [tilespmem:s12], [sflag:$0xD], $0x1, s0, s29, $0xb8;
	[tilespmem:$0x700] =	vst v63  }
0xce: {  	_ =	swait.ge [sflag:s18], $0x80  }
0xcf: {  	[sflag:s18] =	ssyncset.done $0x0  }
0xd0: {  	[sflag:s18] =	ssyncadd.s32 $0xFFFFFF80  }
0xd1: {  	[spmem:s2] =	stream.indirect.scatter.add.f32 [tilespmem:s12], [sflag:$0xE], $0x1, s1, s29, $0xb8;
	[tilespmem:$0x700] =	vst v63  }
0xd2: {  	_ =	swait.ge [sflag:s19], $0x80  }
0xd3: {  	[sflag:s19] =	ssyncset.done $0x0  }
0xd4: {  	[sflag:s19] =	ssyncadd.s32 $0xFFFFFF80  }
0xd5: {  	[spmem:s2] =	stream.indirect.scatter.add.f32 [tilespmem:s12], [sflag:$0xF], $0x1, s5, s29, $0xb8;
	[tilespmem:$0x700] =	vst v63  }
0xd6: {  	_ =	swait.ge [sflag:s20], $0x80  }
0xd7: {  	p1 =	seq.s32 s22, $0x980;
	[sflag:s20] =	ssyncset.done $0x0  }
0xd8: {  	s7 =	simm.s32 @!p1 $0x9;
	[sflag:s20] =	ssyncadd.s32 $0xFFFFFF80  }
0xd9: {  	[spmem:s2] =	stream.indirect.scatter.add.f32 [tilespmem:s12], [sflag:$0x10], $0x1, s6, s29, $0xb8;
	[tilespmem:$0x700] =	vst v63  }
0xda: {  	_ =	swait.ge @!p1 [sflag:s7], $0x80  }
0xdb: {  	s23 =	sadd.s32 @!p1 s22, s8;
	[sflag:s7] =	ssyncset.done @!p1 $0x0  }
0xdc: {  	s24 =	simm.s32 @!p1 $0x0;
	[sflag:s7] =	ssyncadd.s32 @!p1 $0xFFFFFF80;
	s7 =	sadd.s32 @!p1 $0x80, s23  }
0xdd: {  	[tilespmem:s24], [sflag:$0x1] =	stream.linear.gather @!p1 [hbm4b:s7+s24], $0x80, $0x38;
	[tilespmem:$0x700] =	vst v63  }
0xde: {  	s7 =	simm.s32 @!p1 $0xA  }
0xdf: {  	_ =	swait.ge @!p1 [sflag:s7], $0x80  }
0xe0: {  	[sflag:s7] =	ssyncset.done @!p1 $0x0  }
0xe1: {  	s26 =	simm.s32 @!p1 $0x80;
	[sflag:s7] =	ssyncadd.s32 @!p1 $0xFFFFFF80;
	s7 =	sadd.s32 @!p1 $0x90, s23  }
0xe2: {  	[tilespmem:s26], [sflag:$0x2] =	stream.linear.gather @!p1 [hbm4b:s7+s24], $0x80, $0x38;
	[tilespmem:$0x700] =	vst v63  }
0xe3: {  	s7 =	simm.s32 @!p1 $0xB  }
0xe4: {  	_ =	swait.ge @!p1 [sflag:s7], $0x80  }
0xe5: {  	[sflag:s7] =	ssyncset.done @!p1 $0x0  }
0xe6: {  	s26 =	simm.s32 @!p1 $0x100;
	[sflag:s7] =	ssyncadd.s32 @!p1 $0xFFFFFF80;
	s7 =	sadd.s32 @!p1 $0xA0, s23  }
0xe7: {  	[tilespmem:s26], [sflag:$0x3] =	stream.linear.gather @!p1 [hbm4b:s7+s24], $0x80, $0x38;
	[tilespmem:$0x700] =	vst v63  }
0xe8: {  	s7 =	simm.s32 @!p1 $0xC  }
0xe9: {  	_ =	swait.ge @!p1 [sflag:s7], $0x80  }
0xea: {  	[sflag:s7] =	ssyncset.done @!p1 $0x0  }
0xeb: {  	s26 =	simm.s32 @!p1 $0x180;
	[sflag:s7] =	ssyncadd.s32 @!p1 $0xFFFFFF80;
	s7 =	sadd.s32 @!p1 $0xB0, s23  }
0xec: {  	[tilespmem:s26], [sflag:$0x4] =	stream.linear.gather @!p1 [hbm4b:s7+s24], $0x80, $0x38;
	[tilespmem:$0x700] =	vst v63  }
0xed: {  	s7 =	simm.s32 @!p1 $0xD  }
0xee: {  	_ =	swait.ge @!p1 [sflag:s7], $0x80  }
0xef: {  	[sflag:s7] =	ssyncset.done @!p1 $0x0  }
0xf0: {  	s26 =	simm.s32 @!p1 $0x200;
	[sflag:s7] =	ssyncadd.s32 @!p1 $0xFFFFFF80;
	s7 =	sadd.s32 @!p1 $0xC0, s23  }
0xf1: {  	[tilespmem:s26], [sflag:$0x5] =	stream.linear.gather @!p1 [hbm4b:s7+s24], $0x80, $0x38;
	[tilespmem:$0x700] =	vst v63  }
0xf2: {  	s7 =	simm.s32 @!p1 $0xE  }
0xf3: {  	_ =	swait.ge @!p1 [sflag:s7], $0x80  }
0xf4: {  	[sflag:s7] =	ssyncset.done @!p1 $0x0  }
0xf5: {  	s26 =	simm.s32 @!p1 $0x280;
	[sflag:s7] =	ssyncadd.s32 @!p1 $0xFFFFFF80;
	s7 =	sadd.s32 @!p1 $0xD0, s23  }
0xf6: {  	[tilespmem:s26], [sflag:$0x6] =	stream.linear.gather @!p1 [hbm4b:s7+s24], $0x80, $0x38;
	[tilespmem:$0x700] =	vst v63  }
0xf7: {  	s22 =	sadd.s32 @!p1 $0x80, s22;
	s7 =	simm.s32 @!p1 $0xF  }
0xf8: {  	p2 =	sne.s32 @!p1 s22, $0xA00;
	_ =	swait.ge @!p1 [sflag:s7], $0x80  }
0xf9: {  	p2 =	por p1, !p2;
	[sflag:s7] =	ssyncset.done @!p1 $0x0  }
0xfa: {  	s26 =	simm.s32 @!p1 $0x300;
	[sflag:s7] =	ssyncadd.s32 @!p1 $0xFFFFFF80;
	s7 =	sadd.s32 @!p1 $0xE0, s23  }
0xfb: {  	[tilespmem:s26], [sflag:$0x7] =	stream.linear.gather @!p1 [hbm4b:s7+s24], $0x80, $0x38;
	[tilespmem:$0x700] =	vst v63  }
.Ltmp5:
0xfc: {  	s7 =	simm.s32 @!p1 $0x10;
	(pc) =	sbr.rel @!p2 .LBB2_6-.Ltmp5, $4  }
0xfd: {  	_ =	swait.ge @!p1 [sflag:s7], $0x80  }
0xfe: {  	[sflag:s7] =	ssyncset.done @!p1 $0x0  }
0xff: {  	[sflag:s7] =	ssyncadd.s32 @!p1 $0xFFFFFF80;
	s7 =	sadd.s32 @!p1 $0xF0, s23;
	s23 =	simm.s32 @!p1 $0x380  }
0x100: {  	[tilespmem:s23], [sflag:$0x8] =	stream.linear.gather @!p1 [hbm4b:s7+s24], $0x80, $0x38;
	[tilespmem:$0x700] =	vst v63  }
.Ltmp6:
0x101: {  	_ = 	snop;
	(pc) =	sbr.rel .LBB2_7-.Ltmp6, $1  }
0x102: {  	_ =	sdelay $0x3  }
.LBB2_9:
0x103: {  	_ =	sfence.sel $0x180000  }
0x104: {  	[bflag:$0x0] =	sbarrier.arrive $0xFFFF  }
0x105: {  	_ =	strace $0x90000047  }
0x106: {  	s0 =	stileid.u32;
	[bflag:$0x2] =	sbarrier.arrive $0xFFFF  }
0x107: {  	p0 =	sne.s32 s0, $0x0;
	s0 =	rddreg [dreg:$0x4]  }
0x108: {  	s0 =	sadd.s32 @!p0 $0x100000, s0  }
0x109: {  	[sflag:s0] =	ssyncadd.tile.s32 @!p0 $0x1;
	_ =	shalt  }
.Lfunc_end2:
_tile_overlayer_lowered:
.L_overlay_start_2:
0x10a: {  	(tag) =	ssettag $0x2  }
0x10b: {  	s0 =	rddreg [dreg:$0x0];
	s2 =	stileid.u32  }
0x10c: {  	s1 =	rddreg [dreg:$0x1];
	p0 =	sne.s32 s2, $0x0  }
0x10d: {  	s3 =	rddreg [dreg:$0x2];
	[bflag:$0x3] =	sbarrier.arrive $0xFFFF;
	s2 =	simm.s32 @!p0 $0x1C11  }
0x10e: {  	[timem:s3], [sflag:s2] =	dma.local @!p0 [hbm:s0], s1  }
0x10f: {  	s0 =	simm.s32 @!p0 $0x11  }
0x110: {  	_ =	swait.ge @!p0 [sflag:s0], s1  }
0x111: {  	s1 =	ssub.s32 @!p0 $0x0, s1;
	[sflag:s0] =	ssyncset.done @!p0 $0x0  }
0x112: {  	[sflag:s0] =	ssyncadd.s32 @!p0 s1  }
0x113: {  	[bflag:$0x3] =	sbarrier.arrive $0xFFFF  }
0x114: {  	_ =	shalt  }

</sc_bundles>
